<compile_context>
chip_gen: v7x
topology: tpu7x:2x2x1
jax: 0.10.2.dev20260603
libtpu: 0.0.44.dev20260713+nightly
codegen_flags: <defaults>
</compile_context>

<pallas_src>
import functools

import jax
import jax.numpy as jnp
from jax import lax
from jax.experimental import pallas as pl
from jax.experimental.pallas import tpu as pltpu
from jax.experimental.pallas import tpu_sc as plsc

_LW = 128
_NSLICE = 5
_TN = 10240


def _tc_prepare(table, w_param, b_param, w_out, b_out):
    v, h = table.shape
    d = w_out.shape[0]
    p = w_param.shape[1]

    def body(t_ref, wp_ref, bp_ref, wo_ref, bo_ref, tp_ref, wc_ref, be_ref):
        wo = wo_ref[...]
        w1 = wo[:, :h]
        w2 = wo[:, h:]
        dn_t = (((1,), (1,)), ((), ()))
        be_ref[...] = lax.dot_general(bp_ref[...], w2, dn_t,
                                      preferred_element_type=jnp.float32) + bo_ref[...]
        tp_ref[...] = lax.dot_general(t_ref[...], w1, dn_t,
                                      preferred_element_type=jnp.float32)
        wc_ref[...] = lax.dot_general(wp_ref[...], w2,
                                      (((0,), (1,)), ((), ())),
                                      preferred_element_type=jnp.float32)

    return pl.pallas_call(
        body,
        out_shape=(
            jax.ShapeDtypeStruct((v, d), jnp.float32),
            jax.ShapeDtypeStruct((p, d), jnp.float32),
            jax.ShapeDtypeStruct((1, d), jnp.float32),
        ),
    )(table, w_param, b_param, w_out, b_out)


def _sc_gather(ids3d, table_proj, s, nslice):
    blk_total, idxrows_per_w, lw = ids3d.shape
    v, d = table_proj.shape
    info = plsc.get_sparse_core_info()
    nw = info.num_cores * info.num_subcores
    assert blk_total == nslice * nw
    n = nw * idxrows_per_w * lw
    ch = 5
    nch = idxrows_per_w // ch
    rows_per_chunk = ch * lw
    rows_per_w = idxrows_per_w * lw
    assert nch * ch == idxrows_per_w

    mesh = plsc.VectorSubcoreMesh(core_axis_name="c", subcore_axis_name="s")

    @functools.partial(
        pl.kernel,
        out_type=jax.ShapeDtypeStruct((n, d), jnp.float32),
        mesh=mesh,
        scratch_types=[
            pltpu.VMEM((idxrows_per_w, lw), jnp.int32),
            pltpu.VMEM((rows_per_chunk, d), jnp.float32),
            pltpu.SemaphoreType.DMA,
        ],
    )
    def k(ids_hbm, table_hbm, out_hbm, idx_v, rows_v, sem):
        wid = lax.axis_index("s") * info.num_cores + lax.axis_index("c")
        row_base = wid * rows_per_w
        pltpu.sync_copy(ids_hbm.at[s * nw + wid], idx_v)

        def body(c, carry):
            copies = [
                pltpu.async_copy(
                    table_hbm.at[idx_v.at[c * ch + j]],
                    rows_v.at[pl.ds(j * lw, lw)],
                    sem,
                )
                for j in range(ch)
            ]
            for cp in copies:
                cp.wait()
            out_off = pl.multiple_of(row_base + c * rows_per_chunk, 8)
            pltpu.sync_copy(rows_v, out_hbm.at[pl.ds(out_off, rows_per_chunk)])
            return carry

        lax.fori_loop(0, nch, body, 0)

    return k(ids3d, table_proj)


def _tc_combine_slice(gathered_s, params_2d, wc_t, b_eff, prev, s, n, tn=_TN):
    ns, d = gathered_s.shape
    p = wc_t.shape[0]
    nblk = ns // tn
    blk0 = s * nblk
    assert nblk * tn == ns

    def body(g_ref, pk_ref, wc_ref, be_ref, *o_refs):
        o_ref = o_refs[-1]
        pe = lax.dot_general(pk_ref[...], wc_ref[...], (((1,), (0,)), ((), ())),
                             preferred_element_type=jnp.float32)
        o_ref[...] = g_ref[...] + pe + be_ref[...]

    in_specs = [
        pl.BlockSpec((tn, d), lambda i: (i, 0)),
        pl.BlockSpec((tn, p), lambda i: (blk0 + i, 0)),
        pl.BlockSpec((p, d), lambda i: (0, 0)),
        pl.BlockSpec((1, d), lambda i: (0, 0)),
    ]
    args = [gathered_s, params_2d, wc_t, b_eff]
    aliases = {}
    if prev is not None:
        in_specs.append(pl.BlockSpec(memory_space=pl.ANY))
        args.append(prev)
        aliases = {4: 0}

    return pl.pallas_call(
        body,
        grid=(nblk,),
        in_specs=in_specs,
        out_specs=pl.BlockSpec((tn, d), lambda i: (blk0 + i, 0)),
        out_shape=jax.ShapeDtypeStruct((n, d), jnp.float32),
        input_output_aliases=aliases,
    )(*args)


def kernel(propensity_type_ids, propensity_params, type_table, W_param, b_param, W_out, b_out):
    b, r = propensity_type_ids.shape
    _, _, p = propensity_params.shape
    v, h = type_table.shape
    d = W_out.shape[0]
    n = b * r
    table_proj, wc_t, b_eff = _tc_prepare(
        type_table, W_param, b_param.reshape(1, h), W_out, b_out.reshape(1, d)
    )
    info = plsc.get_sparse_core_info()
    nw = info.num_cores * info.num_subcores
    ns = n // _NSLICE
    ids3d = propensity_type_ids.reshape(
        _NSLICE * nw, n // (_NSLICE * nw * _LW), _LW
    ).astype(jnp.int32)
    params_2d = propensity_params.reshape(n, p)

    gathered = [_sc_gather(ids3d, table_proj, s, _NSLICE) for s in range(_NSLICE)]
    out = None
    for s in range(_NSLICE):
        out = _tc_combine_slice(gathered[s], params_2d, wc_t, b_eff, out, s, n)
    return out.reshape(b, r, d)

# --- scband reference (transcript-rebuilt; emitter-appended) ---
"""Pipeline reference for scband-reaction-embedding-85744727097851 (READ-ONLY COPY).

The authoritative reference and input builder live on the scoring server;
editing this copy changes nothing except your own understanding.
"""

import jax, jax.numpy as jnp
import numpy as np


def setup_inputs(seed: int = 0) -> dict:
    key = jax.random.key(seed)
    ks = jax.random.split(key, 8)
    B, R, P = 1024, 200, 16
    V, D = 1000, 128
    H = D // 2
    return {
        "propensity_type_ids": jax.random.randint(ks[0], (B, R), 0, V),
        "propensity_params": jax.random.normal(ks[1], (B, R, P), dtype=jnp.float32),
        "type_table": jax.random.normal(ks[2], (V, H), dtype=jnp.float32) * 0.02,
        "W_param": jax.random.normal(ks[3], (H, P), dtype=jnp.float32) * 0.1,
        "b_param": jnp.zeros((H,), dtype=jnp.float32),
        "W_out": jax.random.normal(ks[4], (D, D), dtype=jnp.float32) * 0.05,
        "b_out": jnp.zeros((D,), dtype=jnp.float32),
    }


def reference(propensity_type_ids, propensity_params, type_table, W_param, b_param, W_out, b_out):
    # nn.Embedding lookup -> gather rows of type_table
    type_emb = jnp.take(type_table, propensity_type_ids, axis=0)  # (B, R, D//2)
    # nn.Linear(max_propensity_params, d_model // 2)
    param_emb = propensity_params @ W_param.T + b_param  # (B, R, D//2)
    combined = jnp.concatenate([type_emb, param_emb], axis=-1)  # (B, R, D)
    # nn.Linear(d_model, d_model)
    return combined @ W_out.T + b_out  # (B, R, D)

if __name__ == "__main__":
    import jax
    _d = setup_inputs()
    print(jax.jit(kernel)(*tuple(_d.values())))

</pallas_src>

<mosaic_0001>
#map = affine_map<(d0, d1) -> (0, 0, 0)>
#map1 = affine_map<(d0, d1) -> (0, 0)>
module attributes {stable_mosaic.version = 14 : i64} {
  func.func @k(%arg0: i32, %arg1: i32, %arg2: memref<160x10x128xi32, #tpu.memory_space<hbm>>, %arg3: memref<1000x128xf32, #tpu.memory_space<hbm>>, %arg4: memref<40960x128xf32, #tpu.memory_space<hbm>>, %arg5: memref<10x128xi32, #tpu.memory_space<vmem>>, %arg6: memref<640x128xf32, #tpu.memory_space<vmem>>, %arg7: memref<!tpu.dma_semaphore, #tpu.memory_space<semaphore_mem>>) attributes {dimension_semantics = [#tpu.dimension_semantics<core_parallel>, #tpu.dimension_semantics<subcore_parallel>], iteration_bounds = array<i64: 2, 16>, scalar_prefetch = 0 : i64, scratch_operands = 3 : i64, tpu.core_type = #tpu.core_type<sc_vector_subcore>, window_params = [{transform_indices = #map}, {transform_indices = #map1}, {transform_indices = #map1}]} {
    %mul3A = arith.constant 2 : i32
    %mul3A_0 = arith.muli %arg1, %mul3A : i32
    %add3A = arith.addi %mul3A_0, %arg0 : i32
    %mul3A_1 = arith.constant 1280 : i32
    %mul3A_2 = arith.muli %add3A, %mul3A_1 : i32
    %add3A_3 = arith.constant 64 : i32
    %add3A_4 = arith.addi %add3A_3, %add3A : i32
    "tpu.region"() ({
      %run_scoped3A = tpu.sem_alloc : memref<!tpu.dma_semaphore, #tpu.memory_space<semaphore_mem>>
      %dma_start3A = arith.constant 0 : i32
      %dma_start3A_10 = arith.constant 0 : i32
      %dma_start3A_11 = tpu.memref_slice %arg2[%add3A_4, %dma_start3A, %dma_start3A_10] : memref<160x10x128xi32, #tpu.memory_space<hbm>> -> memref<1x10x128xi32, #tpu.memory_space<hbm>>
      %dma_start3A_12 = tpu.memref_squeeze %dma_start3A_11 : memref<1x10x128xi32, #tpu.memory_space<hbm>> -> memref<10x128xi32, #tpu.memory_space<hbm>>
      %dma_start3A_13 = arith.constant 0 : i32
      %dma_start3A_14 = arith.constant 0 : i32
      %dma_start3A_15 = tpu.memref_slice %arg2[%add3A_4, %dma_start3A_13, %dma_start3A_14] : memref<160x10x128xi32, #tpu.memory_space<hbm>> -> memref<1x10x128xi32, #tpu.memory_space<hbm>>
      %dma_start3A_16 = tpu.memref_squeeze %dma_start3A_15 : memref<1x10x128xi32, #tpu.memory_space<hbm>> -> memref<10x128xi32, #tpu.memory_space<hbm>>
      tpu.enqueue_dma source(%dma_start3A_16 : memref<10x128xi32, #tpu.memory_space<hbm>>) target(%arg5 : memref<10x128xi32, #tpu.memory_space<vmem>>) target_semaphore(%run_scoped3A : memref<!tpu.dma_semaphore, #tpu.memory_space<semaphore_mem>>)
      %dma_wait3A = arith.constant 0 : i32
      %dma_wait3A_17 = arith.constant 0 : i32
      %dma_wait3A_18 = tpu.memref_slice %arg2[%add3A_4, %dma_wait3A, %dma_wait3A_17] : memref<160x10x128xi32, #tpu.memory_space<hbm>> -> memref<1x10x128xi32, #tpu.memory_space<hbm>>
      %dma_wait3A_19 = tpu.memref_squeeze %dma_wait3A_18 : memref<1x10x128xi32, #tpu.memory_space<hbm>> -> memref<10x128xi32, #tpu.memory_space<hbm>>
      %dma_wait3A_20 = arith.constant 0 : i32
      %dma_wait3A_21 = arith.constant 0 : i32
      %dma_wait3A_22 = tpu.memref_slice %arg2[%add3A_4, %dma_wait3A_20, %dma_wait3A_21] : memref<160x10x128xi32, #tpu.memory_space<hbm>> -> memref<1x10x128xi32, #tpu.memory_space<hbm>>
      %dma_wait3A_23 = tpu.memref_squeeze %dma_wait3A_22 : memref<1x10x128xi32, #tpu.memory_space<hbm>> -> memref<10x128xi32, #tpu.memory_space<hbm>>
      tpu.wait_dma2 semaphore(%run_scoped3A : memref<!tpu.dma_semaphore, #tpu.memory_space<semaphore_mem>>) src(%dma_wait3A_23 : memref<10x128xi32, #tpu.memory_space<hbm>>) dst(%arg5 : memref<10x128xi32, #tpu.memory_space<vmem>>)
      tpu.yield
    }) : () -> ()
    %scan3A = arith.constant 0 : i32
    %scan3A_5 = arith.constant 0 : i32
    %scan3A_6 = arith.constant 2 : i32
    %scan3A_7 = arith.addi %scan3A_5, %scan3A_6 : i32
    %scan3A_8 = arith.constant 1 : i32
    scf.for %scan3A_10 = %scan3A_5 to %scan3A_7 step %scan3A_8  : i32 {
      %mul3A_11 = arith.constant 5 : i32
      %mul3A_12 = arith.muli %scan3A_10, %mul3A_11 : i32
      %add3A_13 = arith.constant 0 : i32
      %add3A_14 = arith.addi %mul3A_12, %add3A_13 : i32
      %dma_start3A = arith.constant 0 : i32
      %dma_start3A_15 = arith.constant 0 : i32
      %dma_start3A_16 = tpu.memref_slice %arg6[%dma_start3A, %dma_start3A_15] : memref<640x128xf32, #tpu.memory_space<vmem>> -> memref<128x128xf32, #tpu.memory_space<vmem>>
      %dma_start3A_17 = arith.constant 0 : i32
      %dma_start3A_18 = tpu.memref_slice %arg5[%add3A_14, %dma_start3A_17] : memref<10x128xi32, #tpu.memory_space<vmem>> -> memref<1x128xi32, #tpu.memory_space<vmem>>
      %dma_start3A_19 = tpu.memref_squeeze %dma_start3A_18 : memref<1x128xi32, #tpu.memory_space<vmem>> -> memref<128xi32, #tpu.memory_space<vmem>>
      %dma_start3A_20 = arith.constant 0 : i32
      %dma_start3A_21 = arith.constant 0 : i32
      %dma_start3A_22 = tpu.memref_slice %arg3[%dma_start3A_20, %dma_start3A_21] : memref<1000x128xf32, #tpu.memory_space<hbm>> -> memref<1000x128xf32, #tpu.memory_space<hbm>>
      tpu.enqueue_indirect_dma source(%dma_start3A_22 : memref<1000x128xf32, #tpu.memory_space<hbm>>) target(%dma_start3A_16 : memref<128x128xf32, #tpu.memory_space<vmem>>) offsets(%dma_start3A_19 : memref<128xi32, #tpu.memory_space<vmem>>) semaphore(%arg7 : memref<!tpu.dma_semaphore, #tpu.memory_space<semaphore_mem>>)
      %mul3A_23 = arith.constant 5 : i32
      %mul3A_24 = arith.muli %scan3A_10, %mul3A_23 : i32
      %add3A_25 = arith.constant 1 : i32
      %add3A_26 = arith.addi %mul3A_24, %add3A_25 : i32
      %dma_start3A_27 = arith.constant 128 : i32
      %dma_start3A_28 = arith.constant 0 : i32
      %dma_start3A_29 = tpu.memref_slice %arg6[%dma_start3A_27, %dma_start3A_28] : memref<640x128xf32, #tpu.memory_space<vmem>> -> memref<128x128xf32, #tpu.memory_space<vmem>>
      %dma_start3A_30 = arith.constant 0 : i32
      %dma_start3A_31 = tpu.memref_slice %arg5[%add3A_26, %dma_start3A_30] : memref<10x128xi32, #tpu.memory_space<vmem>> -> memref<1x128xi32, #tpu.memory_space<vmem>>
      %dma_start3A_32 = tpu.memref_squeeze %dma_start3A_31 : memref<1x128xi32, #tpu.memory_space<vmem>> -> memref<128xi32, #tpu.memory_space<vmem>>
      %dma_start3A_33 = arith.constant 0 : i32
      %dma_start3A_34 = arith.constant 0 : i32
      %dma_start3A_35 = tpu.memref_slice %arg3[%dma_start3A_33, %dma_start3A_34] : memref<1000x128xf32, #tpu.memory_space<hbm>> -> memref<1000x128xf32, #tpu.memory_space<hbm>>
      tpu.enqueue_indirect_dma source(%dma_start3A_35 : memref<1000x128xf32, #tpu.memory_space<hbm>>) target(%dma_start3A_29 : memref<128x128xf32, #tpu.memory_space<vmem>>) offsets(%dma_start3A_32 : memref<128xi32, #tpu.memory_space<vmem>>) semaphore(%arg7 : memref<!tpu.dma_semaphore, #tpu.memory_space<semaphore_mem>>)
      %mul3A_36 = arith.constant 5 : i32
      %mul3A_37 = arith.muli %scan3A_10, %mul3A_36 : i32
      %add3A_38 = arith.constant 2 : i32
      %add3A_39 = arith.addi %mul3A_37, %add3A_38 : i32
      %dma_start3A_40 = arith.constant 256 : i32
      %dma_start3A_41 = arith.constant 0 : i32
      %dma_start3A_42 = tpu.memref_slice %arg6[%dma_start3A_40, %dma_start3A_41] : memref<640x128xf32, #tpu.memory_space<vmem>> -> memref<128x128xf32, #tpu.memory_space<vmem>>
      %dma_start3A_43 = arith.constant 0 : i32
      %dma_start3A_44 = tpu.memref_slice %arg5[%add3A_39, %dma_start3A_43] : memref<10x128xi32, #tpu.memory_space<vmem>> -> memref<1x128xi32, #tpu.memory_space<vmem>>
      %dma_start3A_45 = tpu.memref_squeeze %dma_start3A_44 : memref<1x128xi32, #tpu.memory_space<vmem>> -> memref<128xi32, #tpu.memory_space<vmem>>
      %dma_start3A_46 = arith.constant 0 : i32
      %dma_start3A_47 = arith.constant 0 : i32
      %dma_start3A_48 = tpu.memref_slice %arg3[%dma_start3A_46, %dma_start3A_47] : memref<1000x128xf32, #tpu.memory_space<hbm>> -> memref<1000x128xf32, #tpu.memory_space<hbm>>
      tpu.enqueue_indirect_dma source(%dma_start3A_48 : memref<1000x128xf32, #tpu.memory_space<hbm>>) target(%dma_start3A_42 : memref<128x128xf32, #tpu.memory_space<vmem>>) offsets(%dma_start3A_45 : memref<128xi32, #tpu.memory_space<vmem>>) semaphore(%arg7 : memref<!tpu.dma_semaphore, #tpu.memory_space<semaphore_mem>>)
      %mul3A_49 = arith.constant 5 : i32
      %mul3A_50 = arith.muli %scan3A_10, %mul3A_49 : i32
      %add3A_51 = arith.constant 3 : i32
      %add3A_52 = arith.addi %mul3A_50, %add3A_51 : i32
      %dma_start3A_53 = arith.constant 384 : i32
      %dma_start3A_54 = arith.constant 0 : i32
      %dma_start3A_55 = tpu.memref_slice %arg6[%dma_start3A_53, %dma_start3A_54] : memref<640x128xf32, #tpu.memory_space<vmem>> -> memref<128x128xf32, #tpu.memory_space<vmem>>
      %dma_start3A_56 = arith.constant 0 : i32
      %dma_start3A_57 = tpu.memref_slice %arg5[%add3A_52, %dma_start3A_56] : memref<10x128xi32, #tpu.memory_space<vmem>> -> memref<1x128xi32, #tpu.memory_space<vmem>>
      %dma_start3A_58 = tpu.memref_squeeze %dma_start3A_57 : memref<1x128xi32, #tpu.memory_space<vmem>> -> memref<128xi32, #tpu.memory_space<vmem>>
      %dma_start3A_59 = arith.constant 0 : i32
      %dma_start3A_60 = arith.constant 0 : i32
      %dma_start3A_61 = tpu.memref_slice %arg3[%dma_start3A_59, %dma_start3A_60] : memref<1000x128xf32, #tpu.memory_space<hbm>> -> memref<1000x128xf32, #tpu.memory_space<hbm>>
      tpu.enqueue_indirect_dma source(%dma_start3A_61 : memref<1000x128xf32, #tpu.memory_space<hbm>>) target(%dma_start3A_55 : memref<128x128xf32, #tpu.memory_space<vmem>>) offsets(%dma_start3A_58 : memref<128xi32, #tpu.memory_space<vmem>>) semaphore(%arg7 : memref<!tpu.dma_semaphore, #tpu.memory_space<semaphore_mem>>)
      %mul3A_62 = arith.constant 5 : i32
      %mul3A_63 = arith.muli %scan3A_10, %mul3A_62 : i32
      %add3A_64 = arith.constant 4 : i32
      %add3A_65 = arith.addi %mul3A_63, %add3A_64 : i32
      %dma_start3A_66 = arith.constant 512 : i32
      %dma_start3A_67 = arith.constant 0 : i32
      %dma_start3A_68 = tpu.memref_slice %arg6[%dma_start3A_66, %dma_start3A_67] : memref<640x128xf32, #tpu.memory_space<vmem>> -> memref<128x128xf32, #tpu.memory_space<vmem>>
      %dma_start3A_69 = arith.constant 0 : i32
      %dma_start3A_70 = tpu.memref_slice %arg5[%add3A_65, %dma_start3A_69] : memref<10x128xi32, #tpu.memory_space<vmem>> -> memref<1x128xi32, #tpu.memory_space<vmem>>
      %dma_start3A_71 = tpu.memref_squeeze %dma_start3A_70 : memref<1x128xi32, #tpu.memory_space<vmem>> -> memref<128xi32, #tpu.memory_space<vmem>>
      %dma_start3A_72 = arith.constant 0 : i32
      %dma_start3A_73 = arith.constant 0 : i32
      %dma_start3A_74 = tpu.memref_slice %arg3[%dma_start3A_72, %dma_start3A_73] : memref<1000x128xf32, #tpu.memory_space<hbm>> -> memref<1000x128xf32, #tpu.memory_space<hbm>>
      tpu.enqueue_indirect_dma source(%dma_start3A_74 : memref<1000x128xf32, #tpu.memory_space<hbm>>) target(%dma_start3A_68 : memref<128x128xf32, #tpu.memory_space<vmem>>) offsets(%dma_start3A_71 : memref<128xi32, #tpu.memory_space<vmem>>) semaphore(%arg7 : memref<!tpu.dma_semaphore, #tpu.memory_space<semaphore_mem>>)
      %dma_wait3A = arith.constant 0 : i32
      %dma_wait3A_75 = arith.constant 0 : i32
      %dma_wait3A_76 = tpu.memref_slice %arg6[%dma_wait3A, %dma_wait3A_75] : memref<640x128xf32, #tpu.memory_space<vmem>> -> memref<128x128xf32, #tpu.memory_space<vmem>>
      %dma_wait3A_77 = arith.constant 0 : i32
      %dma_wait3A_78 = tpu.memref_slice %arg5[%add3A_14, %dma_wait3A_77] : memref<10x128xi32, #tpu.memory_space<vmem>> -> memref<1x128xi32, #tpu.memory_space<vmem>>
      %dma_wait3A_79 = tpu.memref_squeeze %dma_wait3A_78 : memref<1x128xi32, #tpu.memory_space<vmem>> -> memref<128xi32, #tpu.memory_space<vmem>>
      %dma_wait3A_80 = arith.constant 0 : i32
      %dma_wait3A_81 = arith.constant 0 : i32
      %dma_wait3A_82 = tpu.memref_slice %arg3[%dma_wait3A_80, %dma_wait3A_81] : memref<1000x128xf32, #tpu.memory_space<hbm>> -> memref<1000x128xf32, #tpu.memory_space<hbm>>
      tpu.wait_indirect_dma semaphore(%arg7 : memref<!tpu.dma_semaphore, #tpu.memory_space<semaphore_mem>>) src(%dma_wait3A_82 : memref<1000x128xf32, #tpu.memory_space<hbm>>) dst(%dma_wait3A_76 : memref<128x128xf32, #tpu.memory_space<vmem>>)
      %dma_wait3A_83 = arith.constant 128 : i32
      %dma_wait3A_84 = arith.constant 0 : i32
      %dma_wait3A_85 = tpu.memref_slice %arg6[%dma_wait3A_83, %dma_wait3A_84] : memref<640x128xf32, #tpu.memory_space<vmem>> -> memref<128x128xf32, #tpu.memory_space<vmem>>
      %dma_wait3A_86 = arith.constant 0 : i32
      %dma_wait3A_87 = tpu.memref_slice %arg5[%add3A_26, %dma_wait3A_86] : memref<10x128xi32, #tpu.memory_space<vmem>> -> memref<1x128xi32, #tpu.memory_space<vmem>>
      %dma_wait3A_88 = tpu.memref_squeeze %dma_wait3A_87 : memref<1x128xi32, #tpu.memory_space<vmem>> -> memref<128xi32, #tpu.memory_space<vmem>>
      %dma_wait3A_89 = arith.constant 0 : i32
      %dma_wait3A_90 = arith.constant 0 : i32
      %dma_wait3A_91 = tpu.memref_slice %arg3[%dma_wait3A_89, %dma_wait3A_90] : memref<1000x128xf32, #tpu.memory_space<hbm>> -> memref<1000x128xf32, #tpu.memory_space<hbm>>
      tpu.wait_indirect_dma semaphore(%arg7 : memref<!tpu.dma_semaphore, #tpu.memory_space<semaphore_mem>>) src(%dma_wait3A_91 : memref<1000x128xf32, #tpu.memory_space<hbm>>) dst(%dma_wait3A_85 : memref<128x128xf32, #tpu.memory_space<vmem>>)
      %dma_wait3A_92 = arith.constant 256 : i32
      %dma_wait3A_93 = arith.constant 0 : i32
      %dma_wait3A_94 = tpu.memref_slice %arg6[%dma_wait3A_92, %dma_wait3A_93] : memref<640x128xf32, #tpu.memory_space<vmem>> -> memref<128x128xf32, #tpu.memory_space<vmem>>
      %dma_wait3A_95 = arith.constant 0 : i32
      %dma_wait3A_96 = tpu.memref_slice %arg5[%add3A_39, %dma_wait3A_95] : memref<10x128xi32, #tpu.memory_space<vmem>> -> memref<1x128xi32, #tpu.memory_space<vmem>>
      %dma_wait3A_97 = tpu.memref_squeeze %dma_wait3A_96 : memref<1x128xi32, #tpu.memory_space<vmem>> -> memref<128xi32, #tpu.memory_space<vmem>>
      %dma_wait3A_98 = arith.constant 0 : i32
      %dma_wait3A_99 = arith.constant 0 : i32
      %dma_wait3A_100 = tpu.memref_slice %arg3[%dma_wait3A_98, %dma_wait3A_99] : memref<1000x128xf32, #tpu.memory_space<hbm>> -> memref<1000x128xf32, #tpu.memory_space<hbm>>
      tpu.wait_indirect_dma semaphore(%arg7 : memref<!tpu.dma_semaphore, #tpu.memory_space<semaphore_mem>>) src(%dma_wait3A_100 : memref<1000x128xf32, #tpu.memory_space<hbm>>) dst(%dma_wait3A_94 : memref<128x128xf32, #tpu.memory_space<vmem>>)
      %dma_wait3A_101 = arith.constant 384 : i32
      %dma_wait3A_102 = arith.constant 0 : i32
      %dma_wait3A_103 = tpu.memref_slice %arg6[%dma_wait3A_101, %dma_wait3A_102] : memref<640x128xf32, #tpu.memory_space<vmem>> -> memref<128x128xf32, #tpu.memory_space<vmem>>
      %dma_wait3A_104 = arith.constant 0 : i32
      %dma_wait3A_105 = tpu.memref_slice %arg5[%add3A_52, %dma_wait3A_104] : memref<10x128xi32, #tpu.memory_space<vmem>> -> memref<1x128xi32, #tpu.memory_space<vmem>>
      %dma_wait3A_106 = tpu.memref_squeeze %dma_wait3A_105 : memref<1x128xi32, #tpu.memory_space<vmem>> -> memref<128xi32, #tpu.memory_space<vmem>>
      %dma_wait3A_107 = arith.constant 0 : i32
      %dma_wait3A_108 = arith.constant 0 : i32
      %dma_wait3A_109 = tpu.memref_slice %arg3[%dma_wait3A_107, %dma_wait3A_108] : memref<1000x128xf32, #tpu.memory_space<hbm>> -> memref<1000x128xf32, #tpu.memory_space<hbm>>
      tpu.wait_indirect_dma semaphore(%arg7 : memref<!tpu.dma_semaphore, #tpu.memory_space<semaphore_mem>>) src(%dma_wait3A_109 : memref<1000x128xf32, #tpu.memory_space<hbm>>) dst(%dma_wait3A_103 : memref<128x128xf32, #tpu.memory_space<vmem>>)
      %dma_wait3A_110 = arith.constant 512 : i32
      %dma_wait3A_111 = arith.constant 0 : i32
      %dma_wait3A_112 = tpu.memref_slice %arg6[%dma_wait3A_110, %dma_wait3A_111] : memref<640x128xf32, #tpu.memory_space<vmem>> -> memref<128x128xf32, #tpu.memory_space<vmem>>
      %dma_wait3A_113 = arith.constant 0 : i32
      %dma_wait3A_114 = tpu.memref_slice %arg5[%add3A_65, %dma_wait3A_113] : memref<10x128xi32, #tpu.memory_space<vmem>> -> memref<1x128xi32, #tpu.memory_space<vmem>>
      %dma_wait3A_115 = tpu.memref_squeeze %dma_wait3A_114 : memref<1x128xi32, #tpu.memory_space<vmem>> -> memref<128xi32, #tpu.memory_space<vmem>>
      %dma_wait3A_116 = arith.constant 0 : i32
      %dma_wait3A_117 = arith.constant 0 : i32
      %dma_wait3A_118 = tpu.memref_slice %arg3[%dma_wait3A_116, %dma_wait3A_117] : memref<1000x128xf32, #tpu.memory_space<hbm>> -> memref<1000x128xf32, #tpu.memory_space<hbm>>
      tpu.wait_indirect_dma semaphore(%arg7 : memref<!tpu.dma_semaphore, #tpu.memory_space<semaphore_mem>>) src(%dma_wait3A_118 : memref<1000x128xf32, #tpu.memory_space<hbm>>) dst(%dma_wait3A_112 : memref<128x128xf32, #tpu.memory_space<vmem>>)
      %mul3A_119 = arith.constant 640 : i32
      %mul3A_120 = arith.muli %scan3A_10, %mul3A_119 : i32
      %add3A_121 = arith.addi %mul3A_2, %mul3A_120 : i32
      %multiple_of3A = tpu.assume_multiple %add3A_121, 8 : i32
      "tpu.region"() ({
        %run_scoped3A = tpu.sem_alloc : memref<!tpu.dma_semaphore, #tpu.memory_space<semaphore_mem>>
        %dma_start3A_122 = arith.constant 0 : i32
        %dma_start3A_123 = tpu.memref_slice %arg4[%multiple_of3A, %dma_start3A_122] : memref<40960x128xf32, #tpu.memory_space<hbm>> -> memref<640x128xf32, #tpu.memory_space<hbm>>
        %dma_start3A_124 = arith.constant 0 : i32
        %dma_start3A_125 = tpu.memref_slice %arg4[%multiple_of3A, %dma_start3A_124] : memref<40960x128xf32, #tpu.memory_space<hbm>> -> memref<640x128xf32, #tpu.memory_space<hbm>>
        tpu.enqueue_dma source(%arg6 : memref<640x128xf32, #tpu.memory_space<vmem>>) target(%dma_start3A_125 : memref<640x128xf32, #tpu.memory_space<hbm>>) target_semaphore(%run_scoped3A : memref<!tpu.dma_semaphore, #tpu.memory_space<semaphore_mem>>)
        %dma_wait3A_126 = arith.constant 0 : i32
        %dma_wait3A_127 = tpu.memref_slice %arg4[%multiple_of3A, %dma_wait3A_126] : memref<40960x128xf32, #tpu.memory_space<hbm>> -> memref<640x128xf32, #tpu.memory_space<hbm>>
        %dma_wait3A_128 = arith.constant 0 : i32
        %dma_wait3A_129 = tpu.memref_slice %arg4[%multiple_of3A, %dma_wait3A_128] : memref<40960x128xf32, #tpu.memory_space<hbm>> -> memref<640x128xf32, #tpu.memory_space<hbm>>
        tpu.wait_dma2 semaphore(%run_scoped3A : memref<!tpu.dma_semaphore, #tpu.memory_space<semaphore_mem>>) src(%arg6 : memref<640x128xf32, #tpu.memory_space<vmem>>) dst(%dma_wait3A_129 : memref<640x128xf32, #tpu.memory_space<hbm>>)
        tpu.yield
      }) : () -> ()
    }
    %scan3A_9 = arith.constant 2 : i32
    return
  }
}

#map = affine_map<(d0, d1) -> (0, 0, 0)>
#map1 = affine_map<(d0, d1) -> (0, 0)>
module attributes {stable_mosaic.version = 14 : i64} {
  func.func @k(%arg0: i32, %arg1: i32, %arg2: memref<160x10x128xi32, #tpu.memory_space<hbm>>, %arg3: memref<1000x128xf32, #tpu.memory_space<hbm>>, %arg4: memref<40960x128xf32, #tpu.memory_space<hbm>>, %arg5: memref<10x128xi32, #tpu.memory_space<vmem>>, %arg6: memref<640x128xf32, #tpu.memory_space<vmem>>, %arg7: memref<!tpu.dma_semaphore, #tpu.memory_space<semaphore_mem>>) attributes {dimension_semantics = [#tpu.dimension_semantics<core_parallel>, #tpu.dimension_semantics<subcore_parallel>], iteration_bounds = array<i64: 2, 16>, scalar_prefetch = 0 : i64, scratch_operands = 3 : i64, tpu.core_type = #tpu.core_type<sc_vector_subcore>, window_params = [{transform_indices = #map}, {transform_indices = #map1}, {transform_indices = #map1}]} {
    %mul3A = arith.constant 2 : i32
    %mul3A_0 = arith.muli %arg1, %mul3A : i32
    %add3A = arith.addi %mul3A_0, %arg0 : i32
    %mul3A_1 = arith.constant 1280 : i32
    %mul3A_2 = arith.muli %add3A, %mul3A_1 : i32
    %add3A_3 = arith.constant 0 : i32
    %add3A_4 = arith.addi %add3A_3, %add3A : i32
    "tpu.region"() ({
      %run_scoped3A = tpu.sem_alloc : memref<!tpu.dma_semaphore, #tpu.memory_space<semaphore_mem>>
      %dma_start3A = arith.constant 0 : i32
      %dma_start3A_10 = arith.constant 0 : i32
      %dma_start3A_11 = tpu.memref_slice %arg2[%add3A_4, %dma_start3A, %dma_start3A_10] : memref<160x10x128xi32, #tpu.memory_space<hbm>> -> memref<1x10x128xi32, #tpu.memory_space<hbm>>
      %dma_start3A_12 = tpu.memref_squeeze %dma_start3A_11 : memref<1x10x128xi32, #tpu.memory_space<hbm>> -> memref<10x128xi32, #tpu.memory_space<hbm>>
      %dma_start3A_13 = arith.constant 0 : i32
      %dma_start3A_14 = arith.constant 0 : i32
      %dma_start3A_15 = tpu.memref_slice %arg2[%add3A_4, %dma_start3A_13, %dma_start3A_14] : memref<160x10x128xi32, #tpu.memory_space<hbm>> -> memref<1x10x128xi32, #tpu.memory_space<hbm>>
      %dma_start3A_16 = tpu.memref_squeeze %dma_start3A_15 : memref<1x10x128xi32, #tpu.memory_space<hbm>> -> memref<10x128xi32, #tpu.memory_space<hbm>>
      tpu.enqueue_dma source(%dma_start3A_16 : memref<10x128xi32, #tpu.memory_space<hbm>>) target(%arg5 : memref<10x128xi32, #tpu.memory_space<vmem>>) target_semaphore(%run_scoped3A : memref<!tpu.dma_semaphore, #tpu.memory_space<semaphore_mem>>)
      %dma_wait3A = arith.constant 0 : i32
      %dma_wait3A_17 = arith.constant 0 : i32
      %dma_wait3A_18 = tpu.memref_slice %arg2[%add3A_4, %dma_wait3A, %dma_wait3A_17] : memref<160x10x128xi32, #tpu.memory_space<hbm>> -> memref<1x10x128xi32, #tpu.memory_space<hbm>>
      %dma_wait3A_19 = tpu.memref_squeeze %dma_wait3A_18 : memref<1x10x128xi32, #tpu.memory_space<hbm>> -> memref<10x128xi32, #tpu.memory_space<hbm>>
      %dma_wait3A_20 = arith.constant 0 : i32
      %dma_wait3A_21 = arith.constant 0 : i32
      %dma_wait3A_22 = tpu.memref_slice %arg2[%add3A_4, %dma_wait3A_20, %dma_wait3A_21] : memref<160x10x128xi32, #tpu.memory_space<hbm>> -> memref<1x10x128xi32, #tpu.memory_space<hbm>>
      %dma_wait3A_23 = tpu.memref_squeeze %dma_wait3A_22 : memref<1x10x128xi32, #tpu.memory_space<hbm>> -> memref<10x128xi32, #tpu.memory_space<hbm>>
      tpu.wait_dma2 semaphore(%run_scoped3A : memref<!tpu.dma_semaphore, #tpu.memory_space<semaphore_mem>>) src(%dma_wait3A_23 : memref<10x128xi32, #tpu.memory_space<hbm>>) dst(%arg5 : memref<10x128xi32, #tpu.memory_space<vmem>>)
      tpu.yield
    }) : () -> ()
    %scan3A = arith.constant 0 : i32
    %scan3A_5 = arith.constant 0 : i32
    %scan3A_6 = arith.constant 2 : i32
    %scan3A_7 = arith.addi %scan3A_5, %scan3A_6 : i32
    %scan3A_8 = arith.constant 1 : i32
    scf.for %scan3A_10 = %scan3A_5 to %scan3A_7 step %scan3A_8  : i32 {
      %mul3A_11 = arith.constant 5 : i32
      %mul3A_12 = arith.muli %scan3A_10, %mul3A_11 : i32
      %add3A_13 = arith.constant 0 : i32
      %add3A_14 = arith.addi %mul3A_12, %add3A_13 : i32
      %dma_start3A = arith.constant 0 : i32
      %dma_start3A_15 = arith.constant 0 : i32
      %dma_start3A_16 = tpu.memref_slice %arg6[%dma_start3A, %dma_start3A_15] : memref<640x128xf32, #tpu.memory_space<vmem>> -> memref<128x128xf32, #tpu.memory_space<vmem>>
      %dma_start3A_17 = arith.constant 0 : i32
      %dma_start3A_18 = tpu.memref_slice %arg5[%add3A_14, %dma_start3A_17] : memref<10x128xi32, #tpu.memory_space<vmem>> -> memref<1x128xi32, #tpu.memory_space<vmem>>
      %dma_start3A_19 = tpu.memref_squeeze %dma_start3A_18 : memref<1x128xi32, #tpu.memory_space<vmem>> -> memref<128xi32, #tpu.memory_space<vmem>>
      %dma_start3A_20 = arith.constant 0 : i32
      %dma_start3A_21 = arith.constant 0 : i32
      %dma_start3A_22 = tpu.memref_slice %arg3[%dma_start3A_20, %dma_start3A_21] : memref<1000x128xf32, #tpu.memory_space<hbm>> -> memref<1000x128xf32, #tpu.memory_space<hbm>>
      tpu.enqueue_indirect_dma source(%dma_start3A_22 : memref<1000x128xf32, #tpu.memory_space<hbm>>) target(%dma_start3A_16 : memref<128x128xf32, #tpu.memory_space<vmem>>) offsets(%dma_start3A_19 : memref<128xi32, #tpu.memory_space<vmem>>) semaphore(%arg7 : memref<!tpu.dma_semaphore, #tpu.memory_space<semaphore_mem>>)
      %mul3A_23 = arith.constant 5 : i32
      %mul3A_24 = arith.muli %scan3A_10, %mul3A_23 : i32
      %add3A_25 = arith.constant 1 : i32
      %add3A_26 = arith.addi %mul3A_24, %add3A_25 : i32
      %dma_start3A_27 = arith.constant 128 : i32
      %dma_start3A_28 = arith.constant 0 : i32
      %dma_start3A_29 = tpu.memref_slice %arg6[%dma_start3A_27, %dma_start3A_28] : memref<640x128xf32, #tpu.memory_space<vmem>> -> memref<128x128xf32, #tpu.memory_space<vmem>>
      %dma_start3A_30 = arith.constant 0 : i32
      %dma_start3A_31 = tpu.memref_slice %arg5[%add3A_26, %dma_start3A_30] : memref<10x128xi32, #tpu.memory_space<vmem>> -> memref<1x128xi32, #tpu.memory_space<vmem>>
      %dma_start3A_32 = tpu.memref_squeeze %dma_start3A_31 : memref<1x128xi32, #tpu.memory_space<vmem>> -> memref<128xi32, #tpu.memory_space<vmem>>
      %dma_start3A_33 = arith.constant 0 : i32
      %dma_start3A_34 = arith.constant 0 : i32
      %dma_start3A_35 = tpu.memref_slice %arg3[%dma_start3A_33, %dma_start3A_34] : memref<1000x128xf32, #tpu.memory_space<hbm>> -> memref<1000x128xf32, #tpu.memory_space<hbm>>
      tpu.enqueue_indirect_dma source(%dma_start3A_35 : memref<1000x128xf32, #tpu.memory_space<hbm>>) target(%dma_start3A_29 : memref<128x128xf32, #tpu.memory_space<vmem>>) offsets(%dma_start3A_32 : memref<128xi32, #tpu.memory_space<vmem>>) semaphore(%arg7 : memref<!tpu.dma_semaphore, #tpu.memory_space<semaphore_mem>>)
      %mul3A_36 = arith.constant 5 : i32
      %mul3A_37 = arith.muli %scan3A_10, %mul3A_36 : i32
      %add3A_38 = arith.constant 2 : i32
      %add3A_39 = arith.addi %mul3A_37, %add3A_38 : i32
      %dma_start3A_40 = arith.constant 256 : i32
      %dma_start3A_41 = arith.constant 0 : i32
      %dma_start3A_42 = tpu.memref_slice %arg6[%dma_start3A_40, %dma_start3A_41] : memref<640x128xf32, #tpu.memory_space<vmem>> -> memref<128x128xf32, #tpu.memory_space<vmem>>
      %dma_start3A_43 = arith.constant 0 : i32
      %dma_start3A_44 = tpu.memref_slice %arg5[%add3A_39, %dma_start3A_43] : memref<10x128xi32, #tpu.memory_space<vmem>> -> memref<1x128xi32, #tpu.memory_space<vmem>>
      %dma_start3A_45 = tpu.memref_squeeze %dma_start3A_44 : memref<1x128xi32, #tpu.memory_space<vmem>> -> memref<128xi32, #tpu.memory_space<vmem>>
      %dma_start3A_46 = arith.constant 0 : i32
      %dma_start3A_47 = arith.constant 0 : i32
      %dma_start3A_48 = tpu.memref_slice %arg3[%dma_start3A_46, %dma_start3A_47] : memref<1000x128xf32, #tpu.memory_space<hbm>> -> memref<1000x128xf32, #tpu.memory_space<hbm>>
      tpu.enqueue_indirect_dma source(%dma_start3A_48 : memref<1000x128xf32, #tpu.memory_space<hbm>>) target(%dma_start3A_42 : memref<128x128xf32, #tpu.memory_space<vmem>>) offsets(%dma_start3A_45 : memref<128xi32, #tpu.memory_space<vmem>>) semaphore(%arg7 : memref<!tpu.dma_semaphore, #tpu.memory_space<semaphore_mem>>)
      %mul3A_49 = arith.constant 5 : i32
      %mul3A_50 = arith.muli %scan3A_10, %mul3A_49 : i32
      %add3A_51 = arith.constant 3 : i32
      %add3A_52 = arith.addi %mul3A_50, %add3A_51 : i32
      %dma_start3A_53 = arith.constant 384 : i32
      %dma_start3A_54 = arith.constant 0 : i32
      %dma_start3A_55 = tpu.memref_slice %arg6[%dma_start3A_53, %dma_start3A_54] : memref<640x128xf32, #tpu.memory_space<vmem>> -> memref<128x128xf32, #tpu.memory_space<vmem>>
      %dma_start3A_56 = arith.constant 0 : i32
      %dma_start3A_57 = tpu.memref_slice %arg5[%add3A_52, %dma_start3A_56] : memref<10x128xi32, #tpu.memory_space<vmem>> -> memref<1x128xi32, #tpu.memory_space<vmem>>
      %dma_start3A_58 = tpu.memref_squeeze %dma_start3A_57 : memref<1x128xi32, #tpu.memory_space<vmem>> -> memref<128xi32, #tpu.memory_space<vmem>>
      %dma_start3A_59 = arith.constant 0 : i32
      %dma_start3A_60 = arith.constant 0 : i32
      %dma_start3A_61 = tpu.memref_slice %arg3[%dma_start3A_59, %dma_start3A_60] : memref<1000x128xf32, #tpu.memory_space<hbm>> -> memref<1000x128xf32, #tpu.memory_space<hbm>>
      tpu.enqueue_indirect_dma source(%dma_start3A_61 : memref<1000x128xf32, #tpu.memory_space<hbm>>) target(%dma_start3A_55 : memref<128x128xf32, #tpu.memory_space<vmem>>) offsets(%dma_start3A_58 : memref<128xi32, #tpu.memory_space<vmem>>) semaphore(%arg7 : memref<!tpu.dma_semaphore, #tpu.memory_space<semaphore_mem>>)
      %mul3A_62 = arith.constant 5 : i32
      %mul3A_63 = arith.muli %scan3A_10, %mul3A_62 : i32
      %add3A_64 = arith.constant 4 : i32
      %add3A_65 = arith.addi %mul3A_63, %add3A_64 : i32
      %dma_start3A_66 = arith.constant 512 : i32
      %dma_start3A_67 = arith.constant 0 : i32
      %dma_start3A_68 = tpu.memref_slice %arg6[%dma_start3A_66, %dma_start3A_67] : memref<640x128xf32, #tpu.memory_space<vmem>> -> memref<128x128xf32, #tpu.memory_space<vmem>>
      %dma_start3A_69 = arith.constant 0 : i32
      %dma_start3A_70 = tpu.memref_slice %arg5[%add3A_65, %dma_start3A_69] : memref<10x128xi32, #tpu.memory_space<vmem>> -> memref<1x128xi32, #tpu.memory_space<vmem>>
      %dma_start3A_71 = tpu.memref_squeeze %dma_start3A_70 : memref<1x128xi32, #tpu.memory_space<vmem>> -> memref<128xi32, #tpu.memory_space<vmem>>
      %dma_start3A_72 = arith.constant 0 : i32
      %dma_start3A_73 = arith.constant 0 : i32
      %dma_start3A_74 = tpu.memref_slice %arg3[%dma_start3A_72, %dma_start3A_73] : memref<1000x128xf32, #tpu.memory_space<hbm>> -> memref<1000x128xf32, #tpu.memory_space<hbm>>
      tpu.enqueue_indirect_dma source(%dma_start3A_74 : memref<1000x128xf32, #tpu.memory_space<hbm>>) target(%dma_start3A_68 : memref<128x128xf32, #tpu.memory_space<vmem>>) offsets(%dma_start3A_71 : memref<128xi32, #tpu.memory_space<vmem>>) semaphore(%arg7 : memref<!tpu.dma_semaphore, #tpu.memory_space<semaphore_mem>>)
      %dma_wait3A = arith.constant 0 : i32
      %dma_wait3A_75 = arith.constant 0 : i32
      %dma_wait3A_76 = tpu.memref_slice %arg6[%dma_wait3A, %dma_wait3A_75] : memref<640x128xf32, #tpu.memory_space<vmem>> -> memref<128x128xf32, #tpu.memory_space<vmem>>
      %dma_wait3A_77 = arith.constant 0 : i32
      %dma_wait3A_78 = tpu.memref_slice %arg5[%add3A_14, %dma_wait3A_77] : memref<10x128xi32, #tpu.memory_space<vmem>> -> memref<1x128xi32, #tpu.memory_space<vmem>>
      %dma_wait3A_79 = tpu.memref_squeeze %dma_wait3A_78 : memref<1x128xi32, #tpu.memory_space<vmem>> -> memref<128xi32, #tpu.memory_space<vmem>>
      %dma_wait3A_80 = arith.constant 0 : i32
      %dma_wait3A_81 = arith.constant 0 : i32
      %dma_wait3A_82 = tpu.memref_slice %arg3[%dma_wait3A_80, %dma_wait3A_81] : memref<1000x128xf32, #tpu.memory_space<hbm>> -> memref<1000x128xf32, #tpu.memory_space<hbm>>
      tpu.wait_indirect_dma semaphore(%arg7 : memref<!tpu.dma_semaphore, #tpu.memory_space<semaphore_mem>>) src(%dma_wait3A_82 : memref<1000x128xf32, #tpu.memory_space<hbm>>) dst(%dma_wait3A_76 : memref<128x128xf32, #tpu.memory_space<vmem>>)
      %dma_wait3A_83 = arith.constant 128 : i32
      %dma_wait3A_84 = arith.constant 0 : i32
      %dma_wait3A_85 = tpu.memref_slice %arg6[%dma_wait3A_83, %dma_wait3A_84] : memref<640x128xf32, #tpu.memory_space<vmem>> -> memref<128x128xf32, #tpu.memory_space<vmem>>
      %dma_wait3A_86 = arith.constant 0 : i32
      %dma_wait3A_87 = tpu.memref_slice %arg5[%add3A_26, %dma_wait3A_86] : memref<10x128xi32, #tpu.memory_space<vmem>> -> memref<1x128xi32, #tpu.memory_space<vmem>>
      %dma_wait3A_88 = tpu.memref_squeeze %dma_wait3A_87 : memref<1x128xi32, #tpu.memory_space<vmem>> -> memref<128xi32, #tpu.memory_space<vmem>>
      %dma_wait3A_89 = arith.constant 0 : i32
      %dma_wait3A_90 = arith.constant 0 : i32
      %dma_wait3A_91 = tpu.memref_slice %arg3[%dma_wait3A_89, %dma_wait3A_90] : memref<1000x128xf32, #tpu.memory_space<hbm>> -> memref<1000x128xf32, #tpu.memory_space<hbm>>
      tpu.wait_indirect_dma semaphore(%arg7 : memref<!tpu.dma_semaphore, #tpu.memory_space<semaphore_mem>>) src(%dma_wait3A_91 : memref<1000x128xf32, #tpu.memory_space<hbm>>) dst(%dma_wait3A_85 : memref<128x128xf32, #tpu.memory_space<vmem>>)
      %dma_wait3A_92 = arith.constant 256 : i32
      %dma_wait3A_93 = arith.constant 0 : i32
      %dma_wait3A_94 = tpu.memref_slice %arg6[%dma_wait3A_92, %dma_wait3A_93] : memref<640x128xf32, #tpu.memory_space<vmem>> -> memref<128x128xf32, #tpu.memory_space<vmem>>
      %dma_wait3A_95 = arith.constant 0 : i32
      %dma_wait3A_96 = tpu.memref_slice %arg5[%add3A_39, %dma_wait3A_95] : memref<10x128xi32, #tpu.memory_space<vmem>> -> memref<1x128xi32, #tpu.memory_space<vmem>>
      %dma_wait3A_97 = tpu.memref_squeeze %dma_wait3A_96 : memref<1x128xi32, #tpu.memory_space<vmem>> -> memref<128xi32, #tpu.memory_space<vmem>>
      %dma_wait3A_98 = arith.constant 0 : i32
      %dma_wait3A_99 = arith.constant 0 : i32
      %dma_wait3A_100 = tpu.memref_slice %arg3[%dma_wait3A_98, %dma_wait3A_99] : memref<1000x128xf32, #tpu.memory_space<hbm>> -> memref<1000x128xf32, #tpu.memory_space<hbm>>
      tpu.wait_indirect_dma semaphore(%arg7 : memref<!tpu.dma_semaphore, #tpu.memory_space<semaphore_mem>>) src(%dma_wait3A_100 : memref<1000x128xf32, #tpu.memory_space<hbm>>) dst(%dma_wait3A_94 : memref<128x128xf32, #tpu.memory_space<vmem>>)
      %dma_wait3A_101 = arith.constant 384 : i32
      %dma_wait3A_102 = arith.constant 0 : i32
      %dma_wait3A_103 = tpu.memref_slice %arg6[%dma_wait3A_101, %dma_wait3A_102] : memref<640x128xf32, #tpu.memory_space<vmem>> -> memref<128x128xf32, #tpu.memory_space<vmem>>
      %dma_wait3A_104 = arith.constant 0 : i32
      %dma_wait3A_105 = tpu.memref_slice %arg5[%add3A_52, %dma_wait3A_104] : memref<10x128xi32, #tpu.memory_space<vmem>> -> memref<1x128xi32, #tpu.memory_space<vmem>>
      %dma_wait3A_106 = tpu.memref_squeeze %dma_wait3A_105 : memref<1x128xi32, #tpu.memory_space<vmem>> -> memref<128xi32, #tpu.memory_space<vmem>>
      %dma_wait3A_107 = arith.constant 0 : i32
      %dma_wait3A_108 = arith.constant 0 : i32
      %dma_wait3A_109 = tpu.memref_slice %arg3[%dma_wait3A_107, %dma_wait3A_108] : memref<1000x128xf32, #tpu.memory_space<hbm>> -> memref<1000x128xf32, #tpu.memory_space<hbm>>
      tpu.wait_indirect_dma semaphore(%arg7 : memref<!tpu.dma_semaphore, #tpu.memory_space<semaphore_mem>>) src(%dma_wait3A_109 : memref<1000x128xf32, #tpu.memory_space<hbm>>) dst(%dma_wait3A_103 : memref<128x128xf32, #tpu.memory_space<vmem>>)
      %dma_wait3A_110 = arith.constant 512 : i32
      %dma_wait3A_111 = arith.constant 0 : i32
      %dma_wait3A_112 = tpu.memref_slice %arg6[%dma_wait3A_110, %dma_wait3A_111] : memref<640x128xf32, #tpu.memory_space<vmem>> -> memref<128x128xf32, #tpu.memory_space<vmem>>
      %dma_wait3A_113 = arith.constant 0 : i32
      %dma_wait3A_114 = tpu.memref_slice %arg5[%add3A_65, %dma_wait3A_113] : memref<10x128xi32, #tpu.memory_space<vmem>> -> memref<1x128xi32, #tpu.memory_space<vmem>>
      %dma_wait3A_115 = tpu.memref_squeeze %dma_wait3A_114 : memref<1x128xi32, #tpu.memory_space<vmem>> -> memref<128xi32, #tpu.memory_space<vmem>>
      %dma_wait3A_116 = arith.constant 0 : i32
      %dma_wait3A_117 = arith.constant 0 : i32
      %dma_wait3A_118 = tpu.memref_slice %arg3[%dma_wait3A_116, %dma_wait3A_117] : memref<1000x128xf32, #tpu.memory_space<hbm>> -> memref<1000x128xf32, #tpu.memory_space<hbm>>
      tpu.wait_indirect_dma semaphore(%arg7 : memref<!tpu.dma_semaphore, #tpu.memory_space<semaphore_mem>>) src(%dma_wait3A_118 : memref<1000x128xf32, #tpu.memory_space<hbm>>) dst(%dma_wait3A_112 : memref<128x128xf32, #tpu.memory_space<vmem>>)
      %mul3A_119 = arith.constant 640 : i32
      %mul3A_120 = arith.muli %scan3A_10, %mul3A_119 : i32
      %add3A_121 = arith.addi %mul3A_2, %mul3A_120 : i32
      %multiple_of3A = tpu.assume_multiple %add3A_121, 8 : i32
      "tpu.region"() ({
        %run_scoped3A = tpu.sem_alloc : memref<!tpu.dma_semaphore, #tpu.memory_space<semaphore_mem>>
        %dma_start3A_122 = arith.constant 0 : i32
        %dma_start3A_123 = tpu.memref_slice %arg4[%multiple_of3A, %dma_start3A_122] : memref<40960x128xf32, #tpu.memory_space<hbm>> -> memref<640x128xf32, #tpu.memory_space<hbm>>
        %dma_start3A_124 = arith.constant 0 : i32
        %dma_start3A_125 = tpu.memref_slice %arg4[%multiple_of3A, %dma_start3A_124] : memref<40960x128xf32, #tpu.memory_space<hbm>> -> memref<640x128xf32, #tpu.memory_space<hbm>>
        tpu.enqueue_dma source(%arg6 : memref<640x128xf32, #tpu.memory_space<vmem>>) target(%dma_start3A_125 : memref<640x128xf32, #tpu.memory_space<hbm>>) target_semaphore(%run_scoped3A : memref<!tpu.dma_semaphore, #tpu.memory_space<semaphore_mem>>)
        %dma_wait3A_126 = arith.constant 0 : i32
        %dma_wait3A_127 = tpu.memref_slice %arg4[%multiple_of3A, %dma_wait3A_126] : memref<40960x128xf32, #tpu.memory_space<hbm>> -> memref<640x128xf32, #tpu.memory_space<hbm>>
        %dma_wait3A_128 = arith.constant 0 : i32
        %dma_wait3A_129 = tpu.memref_slice %arg4[%multiple_of3A, %dma_wait3A_128] : memref<40960x128xf32, #tpu.memory_space<hbm>> -> memref<640x128xf32, #tpu.memory_space<hbm>>
        tpu.wait_dma2 semaphore(%run_scoped3A : memref<!tpu.dma_semaphore, #tpu.memory_space<semaphore_mem>>) src(%arg6 : memref<640x128xf32, #tpu.memory_space<vmem>>) dst(%dma_wait3A_129 : memref<640x128xf32, #tpu.memory_space<hbm>>)
        tpu.yield
      }) : () -> ()
    }
    %scan3A_9 = arith.constant 2 : i32
    return
  }
}

#map = affine_map<(d0, d1) -> (0, 0, 0)>
#map1 = affine_map<(d0, d1) -> (0, 0)>
module attributes {stable_mosaic.version = 14 : i64} {
  func.func @k(%arg0: i32, %arg1: i32, %arg2: memref<160x10x128xi32, #tpu.memory_space<hbm>>, %arg3: memref<1000x128xf32, #tpu.memory_space<hbm>>, %arg4: memref<40960x128xf32, #tpu.memory_space<hbm>>, %arg5: memref<10x128xi32, #tpu.memory_space<vmem>>, %arg6: memref<640x128xf32, #tpu.memory_space<vmem>>, %arg7: memref<!tpu.dma_semaphore, #tpu.memory_space<semaphore_mem>>) attributes {dimension_semantics = [#tpu.dimension_semantics<core_parallel>, #tpu.dimension_semantics<subcore_parallel>], iteration_bounds = array<i64: 2, 16>, scalar_prefetch = 0 : i64, scratch_operands = 3 : i64, tpu.core_type = #tpu.core_type<sc_vector_subcore>, window_params = [{transform_indices = #map}, {transform_indices = #map1}, {transform_indices = #map1}]} {
    %mul3A = arith.constant 2 : i32
    %mul3A_0 = arith.muli %arg1, %mul3A : i32
    %add3A = arith.addi %mul3A_0, %arg0 : i32
    %mul3A_1 = arith.constant 1280 : i32
    %mul3A_2 = arith.muli %add3A, %mul3A_1 : i32
    %add3A_3 = arith.constant 96 : i32
    %add3A_4 = arith.addi %add3A_3, %add3A : i32
    "tpu.region"() ({
      %run_scoped3A = tpu.sem_alloc : memref<!tpu.dma_semaphore, #tpu.memory_space<semaphore_mem>>
      %dma_start3A = arith.constant 0 : i32
      %dma_start3A_10 = arith.constant 0 : i32
      %dma_start3A_11 = tpu.memref_slice %arg2[%add3A_4, %dma_start3A, %dma_start3A_10] : memref<160x10x128xi32, #tpu.memory_space<hbm>> -> memref<1x10x128xi32, #tpu.memory_space<hbm>>
      %dma_start3A_12 = tpu.memref_squeeze %dma_start3A_11 : memref<1x10x128xi32, #tpu.memory_space<hbm>> -> memref<10x128xi32, #tpu.memory_space<hbm>>
      %dma_start3A_13 = arith.constant 0 : i32
      %dma_start3A_14 = arith.constant 0 : i32
      %dma_start3A_15 = tpu.memref_slice %arg2[%add3A_4, %dma_start3A_13, %dma_start3A_14] : memref<160x10x128xi32, #tpu.memory_space<hbm>> -> memref<1x10x128xi32, #tpu.memory_space<hbm>>
      %dma_start3A_16 = tpu.memref_squeeze %dma_start3A_15 : memref<1x10x128xi32, #tpu.memory_space<hbm>> -> memref<10x128xi32, #tpu.memory_space<hbm>>
      tpu.enqueue_dma source(%dma_start3A_16 : memref<10x128xi32, #tpu.memory_space<hbm>>) target(%arg5 : memref<10x128xi32, #tpu.memory_space<vmem>>) target_semaphore(%run_scoped3A : memref<!tpu.dma_semaphore, #tpu.memory_space<semaphore_mem>>)
      %dma_wait3A = arith.constant 0 : i32
      %dma_wait3A_17 = arith.constant 0 : i32
      %dma_wait3A_18 = tpu.memref_slice %arg2[%add3A_4, %dma_wait3A, %dma_wait3A_17] : memref<160x10x128xi32, #tpu.memory_space<hbm>> -> memref<1x10x128xi32, #tpu.memory_space<hbm>>
      %dma_wait3A_19 = tpu.memref_squeeze %dma_wait3A_18 : memref<1x10x128xi32, #tpu.memory_space<hbm>> -> memref<10x128xi32, #tpu.memory_space<hbm>>
      %dma_wait3A_20 = arith.constant 0 : i32
      %dma_wait3A_21 = arith.constant 0 : i32
      %dma_wait3A_22 = tpu.memref_slice %arg2[%add3A_4, %dma_wait3A_20, %dma_wait3A_21] : memref<160x10x128xi32, #tpu.memory_space<hbm>> -> memref<1x10x128xi32, #tpu.memory_space<hbm>>
      %dma_wait3A_23 = tpu.memref_squeeze %dma_wait3A_22 : memref<1x10x128xi32, #tpu.memory_space<hbm>> -> memref<10x128xi32, #tpu.memory_space<hbm>>
      tpu.wait_dma2 semaphore(%run_scoped3A : memref<!tpu.dma_semaphore, #tpu.memory_space<semaphore_mem>>) src(%dma_wait3A_23 : memref<10x128xi32, #tpu.memory_space<hbm>>) dst(%arg5 : memref<10x128xi32, #tpu.memory_space<vmem>>)
      tpu.yield
    }) : () -> ()
    %scan3A = arith.constant 0 : i32
    %scan3A_5 = arith.constant 0 : i32
    %scan3A_6 = arith.constant 2 : i32
    %scan3A_7 = arith.addi %scan3A_5, %scan3A_6 : i32
    %scan3A_8 = arith.constant 1 : i32
    scf.for %scan3A_10 = %scan3A_5 to %scan3A_7 step %scan3A_8  : i32 {
      %mul3A_11 = arith.constant 5 : i32
      %mul3A_12 = arith.muli %scan3A_10, %mul3A_11 : i32
      %add3A_13 = arith.constant 0 : i32
      %add3A_14 = arith.addi %mul3A_12, %add3A_13 : i32
      %dma_start3A = arith.constant 0 : i32
      %dma_start3A_15 = arith.constant 0 : i32
      %dma_start3A_16 = tpu.memref_slice %arg6[%dma_start3A, %dma_start3A_15] : memref<640x128xf32, #tpu.memory_space<vmem>> -> memref<128x128xf32, #tpu.memory_space<vmem>>
      %dma_start3A_17 = arith.constant 0 : i32
      %dma_start3A_18 = tpu.memref_slice %arg5[%add3A_14, %dma_start3A_17] : memref<10x128xi32, #tpu.memory_space<vmem>> -> memref<1x128xi32, #tpu.memory_space<vmem>>
      %dma_start3A_19 = tpu.memref_squeeze %dma_start3A_18 : memref<1x128xi32, #tpu.memory_space<vmem>> -> memref<128xi32, #tpu.memory_space<vmem>>
      %dma_start3A_20 = arith.constant 0 : i32
      %dma_start3A_21 = arith.constant 0 : i32
      %dma_start3A_22 = tpu.memref_slice %arg3[%dma_start3A_20, %dma_start3A_21] : memref<1000x128xf32, #tpu.memory_space<hbm>> -> memref<1000x128xf32, #tpu.memory_space<hbm>>
      tpu.enqueue_indirect_dma source(%dma_start3A_22 : memref<1000x128xf32, #tpu.memory_space<hbm>>) target(%dma_start3A_16 : memref<128x128xf32, #tpu.memory_space<vmem>>) offsets(%dma_start3A_19 : memref<128xi32, #tpu.memory_space<vmem>>) semaphore(%arg7 : memref<!tpu.dma_semaphore, #tpu.memory_space<semaphore_mem>>)
      %mul3A_23 = arith.constant 5 : i32
      %mul3A_24 = arith.muli %scan3A_10, %mul3A_23 : i32
      %add3A_25 = arith.constant 1 : i32
      %add3A_26 = arith.addi %mul3A_24, %add3A_25 : i32
      %dma_start3A_27 = arith.constant 128 : i32
      %dma_start3A_28 = arith.constant 0 : i32
      %dma_start3A_29 = tpu.memref_slice %arg6[%dma_start3A_27, %dma_start3A_28] : memref<640x128xf32, #tpu.memory_space<vmem>> -> memref<128x128xf32, #tpu.memory_space<vmem>>
      %dma_start3A_30 = arith.constant 0 : i32
      %dma_start3A_31 = tpu.memref_slice %arg5[%add3A_26, %dma_start3A_30] : memref<10x128xi32, #tpu.memory_space<vmem>> -> memref<1x128xi32, #tpu.memory_space<vmem>>
      %dma_start3A_32 = tpu.memref_squeeze %dma_start3A_31 : memref<1x128xi32, #tpu.memory_space<vmem>> -> memref<128xi32, #tpu.memory_space<vmem>>
      %dma_start3A_33 = arith.constant 0 : i32
      %dma_start3A_34 = arith.constant 0 : i32
      %dma_start3A_35 = tpu.memref_slice %arg3[%dma_start3A_33, %dma_start3A_34] : memref<1000x128xf32, #tpu.memory_space<hbm>> -> memref<1000x128xf32, #tpu.memory_space<hbm>>
      tpu.enqueue_indirect_dma source(%dma_start3A_35 : memref<1000x128xf32, #tpu.memory_space<hbm>>) target(%dma_start3A_29 : memref<128x128xf32, #tpu.memory_space<vmem>>) offsets(%dma_start3A_32 : memref<128xi32, #tpu.memory_space<vmem>>) semaphore(%arg7 : memref<!tpu.dma_semaphore, #tpu.memory_space<semaphore_mem>>)
      %mul3A_36 = arith.constant 5 : i32
      %mul3A_37 = arith.muli %scan3A_10, %mul3A_36 : i32
      %add3A_38 = arith.constant 2 : i32
      %add3A_39 = arith.addi %mul3A_37, %add3A_38 : i32
      %dma_start3A_40 = arith.constant 256 : i32
      %dma_start3A_41 = arith.constant 0 : i32
      %dma_start3A_42 = tpu.memref_slice %arg6[%dma_start3A_40, %dma_start3A_41] : memref<640x128xf32, #tpu.memory_space<vmem>> -> memref<128x128xf32, #tpu.memory_space<vmem>>
      %dma_start3A_43 = arith.constant 0 : i32
      %dma_start3A_44 = tpu.memref_slice %arg5[%add3A_39, %dma_start3A_43] : memref<10x128xi32, #tpu.memory_space<vmem>> -> memref<1x128xi32, #tpu.memory_space<vmem>>
      %dma_start3A_45 = tpu.memref_squeeze %dma_start3A_44 : memref<1x128xi32, #tpu.memory_space<vmem>> -> memref<128xi32, #tpu.memory_space<vmem>>
      %dma_start3A_46 = arith.constant 0 : i32
      %dma_start3A_47 = arith.constant 0 : i32
      %dma_start3A_48 = tpu.memref_slice %arg3[%dma_start3A_46, %dma_start3A_47] : memref<1000x128xf32, #tpu.memory_space<hbm>> -> memref<1000x128xf32, #tpu.memory_space<hbm>>
      tpu.enqueue_indirect_dma source(%dma_start3A_48 : memref<1000x128xf32, #tpu.memory_space<hbm>>) target(%dma_start3A_42 : memref<128x128xf32, #tpu.memory_space<vmem>>) offsets(%dma_start3A_45 : memref<128xi32, #tpu.memory_space<vmem>>) semaphore(%arg7 : memref<!tpu.dma_semaphore, #tpu.memory_space<semaphore_mem>>)
      %mul3A_49 = arith.constant 5 : i32
      %mul3A_50 = arith.muli %scan3A_10, %mul3A_49 : i32
      %add3A_51 = arith.constant 3 : i32
      %add3A_52 = arith.addi %mul3A_50, %add3A_51 : i32
      %dma_start3A_53 = arith.constant 384 : i32
      %dma_start3A_54 = arith.constant 0 : i32
      %dma_start3A_55 = tpu.memref_slice %arg6[%dma_start3A_53, %dma_start3A_54] : memref<640x128xf32, #tpu.memory_space<vmem>> -> memref<128x128xf32, #tpu.memory_space<vmem>>
      %dma_start3A_56 = arith.constant 0 : i32
      %dma_start3A_57 = tpu.memref_slice %arg5[%add3A_52, %dma_start3A_56] : memref<10x128xi32, #tpu.memory_space<vmem>> -> memref<1x128xi32, #tpu.memory_space<vmem>>
      %dma_start3A_58 = tpu.memref_squeeze %dma_start3A_57 : memref<1x128xi32, #tpu.memory_space<vmem>> -> memref<128xi32, #tpu.memory_space<vmem>>
      %dma_start3A_59 = arith.constant 0 : i32
      %dma_start3A_60 = arith.constant 0 : i32
      %dma_start3A_61 = tpu.memref_slice %arg3[%dma_start3A_59, %dma_start3A_60] : memref<1000x128xf32, #tpu.memory_space<hbm>> -> memref<1000x128xf32, #tpu.memory_space<hbm>>
      tpu.enqueue_indirect_dma source(%dma_start3A_61 : memref<1000x128xf32, #tpu.memory_space<hbm>>) target(%dma_start3A_55 : memref<128x128xf32, #tpu.memory_space<vmem>>) offsets(%dma_start3A_58 : memref<128xi32, #tpu.memory_space<vmem>>) semaphore(%arg7 : memref<!tpu.dma_semaphore, #tpu.memory_space<semaphore_mem>>)
      %mul3A_62 = arith.constant 5 : i32
      %mul3A_63 = arith.muli %scan3A_10, %mul3A_62 : i32
      %add3A_64 = arith.constant 4 : i32
      %add3A_65 = arith.addi %mul3A_63, %add3A_64 : i32
      %dma_start3A_66 = arith.constant 512 : i32
      %dma_start3A_67 = arith.constant 0 : i32
      %dma_start3A_68 = tpu.memref_slice %arg6[%dma_start3A_66, %dma_start3A_67] : memref<640x128xf32, #tpu.memory_space<vmem>> -> memref<128x128xf32, #tpu.memory_space<vmem>>
      %dma_start3A_69 = arith.constant 0 : i32
      %dma_start3A_70 = tpu.memref_slice %arg5[%add3A_65, %dma_start3A_69] : memref<10x128xi32, #tpu.memory_space<vmem>> -> memref<1x128xi32, #tpu.memory_space<vmem>>
      %dma_start3A_71 = tpu.memref_squeeze %dma_start3A_70 : memref<1x128xi32, #tpu.memory_space<vmem>> -> memref<128xi32, #tpu.memory_space<vmem>>
      %dma_start3A_72 = arith.constant 0 : i32
      %dma_start3A_73 = arith.constant 0 : i32
      %dma_start3A_74 = tpu.memref_slice %arg3[%dma_start3A_72, %dma_start3A_73] : memref<1000x128xf32, #tpu.memory_space<hbm>> -> memref<1000x128xf32, #tpu.memory_space<hbm>>
      tpu.enqueue_indirect_dma source(%dma_start3A_74 : memref<1000x128xf32, #tpu.memory_space<hbm>>) target(%dma_start3A_68 : memref<128x128xf32, #tpu.memory_space<vmem>>) offsets(%dma_start3A_71 : memref<128xi32, #tpu.memory_space<vmem>>) semaphore(%arg7 : memref<!tpu.dma_semaphore, #tpu.memory_space<semaphore_mem>>)
      %dma_wait3A = arith.constant 0 : i32
      %dma_wait3A_75 = arith.constant 0 : i32
      %dma_wait3A_76 = tpu.memref_slice %arg6[%dma_wait3A, %dma_wait3A_75] : memref<640x128xf32, #tpu.memory_space<vmem>> -> memref<128x128xf32, #tpu.memory_space<vmem>>
      %dma_wait3A_77 = arith.constant 0 : i32
      %dma_wait3A_78 = tpu.memref_slice %arg5[%add3A_14, %dma_wait3A_77] : memref<10x128xi32, #tpu.memory_space<vmem>> -> memref<1x128xi32, #tpu.memory_space<vmem>>
      %dma_wait3A_79 = tpu.memref_squeeze %dma_wait3A_78 : memref<1x128xi32, #tpu.memory_space<vmem>> -> memref<128xi32, #tpu.memory_space<vmem>>
      %dma_wait3A_80 = arith.constant 0 : i32
      %dma_wait3A_81 = arith.constant 0 : i32
      %dma_wait3A_82 = tpu.memref_slice %arg3[%dma_wait3A_80, %dma_wait3A_81] : memref<1000x128xf32, #tpu.memory_space<hbm>> -> memref<1000x128xf32, #tpu.memory_space<hbm>>
      tpu.wait_indirect_dma semaphore(%arg7 : memref<!tpu.dma_semaphore, #tpu.memory_space<semaphore_mem>>) src(%dma_wait3A_82 : memref<1000x128xf32, #tpu.memory_space<hbm>>) dst(%dma_wait3A_76 : memref<128x128xf32, #tpu.memory_space<vmem>>)
      %dma_wait3A_83 = arith.constant 128 : i32
      %dma_wait3A_84 = arith.constant 0 : i32
      %dma_wait3A_85 = tpu.memref_slice %arg6[%dma_wait3A_83, %dma_wait3A_84] : memref<640x128xf32, #tpu.memory_space<vmem>> -> memref<128x128xf32, #tpu.memory_space<vmem>>
      %dma_wait3A_86 = arith.constant 0 : i32
      %dma_wait3A_87 = tpu.memref_slice %arg5[%add3A_26, %dma_wait3A_86] : memref<10x128xi32, #tpu.memory_space<vmem>> -> memref<1x128xi32, #tpu.memory_space<vmem>>
      %dma_wait3A_88 = tpu.memref_squeeze %dma_wait3A_87 : memref<1x128xi32, #tpu.memory_space<vmem>> -> memref<128xi32, #tpu.memory_space<vmem>>
      %dma_wait3A_89 = arith.constant 0 : i32
      %dma_wait3A_90 = arith.constant 0 : i32
      %dma_wait3A_91 = tpu.memref_slice %arg3[%dma_wait3A_89, %dma_wait3A_90] : memref<1000x128xf32, #tpu.memory_space<hbm>> -> memref<1000x128xf32, #tpu.memory_space<hbm>>
      tpu.wait_indirect_dma semaphore(%arg7 : memref<!tpu.dma_semaphore, #tpu.memory_space<semaphore_mem>>) src(%dma_wait3A_91 : memref<1000x128xf32, #tpu.memory_space<hbm>>) dst(%dma_wait3A_85 : memref<128x128xf32, #tpu.memory_space<vmem>>)
      %dma_wait3A_92 = arith.constant 256 : i32
      %dma_wait3A_93 = arith.constant 0 : i32
      %dma_wait3A_94 = tpu.memref_slice %arg6[%dma_wait3A_92, %dma_wait3A_93] : memref<640x128xf32, #tpu.memory_space<vmem>> -> memref<128x128xf32, #tpu.memory_space<vmem>>
      %dma_wait3A_95 = arith.constant 0 : i32
      %dma_wait3A_96 = tpu.memref_slice %arg5[%add3A_39, %dma_wait3A_95] : memref<10x128xi32, #tpu.memory_space<vmem>> -> memref<1x128xi32, #tpu.memory_space<vmem>>
      %dma_wait3A_97 = tpu.memref_squeeze %dma_wait3A_96 : memref<1x128xi32, #tpu.memory_space<vmem>> -> memref<128xi32, #tpu.memory_space<vmem>>
      %dma_wait3A_98 = arith.constant 0 : i32
      %dma_wait3A_99 = arith.constant 0 : i32
      %dma_wait3A_100 = tpu.memref_slice %arg3[%dma_wait3A_98, %dma_wait3A_99] : memref<1000x128xf32, #tpu.memory_space<hbm>> -> memref<1000x128xf32, #tpu.memory_space<hbm>>
      tpu.wait_indirect_dma semaphore(%arg7 : memref<!tpu.dma_semaphore, #tpu.memory_space<semaphore_mem>>) src(%dma_wait3A_100 : memref<1000x128xf32, #tpu.memory_space<hbm>>) dst(%dma_wait3A_94 : memref<128x128xf32, #tpu.memory_space<vmem>>)
      %dma_wait3A_101 = arith.constant 384 : i32
      %dma_wait3A_102 = arith.constant 0 : i32
      %dma_wait3A_103 = tpu.memref_slice %arg6[%dma_wait3A_101, %dma_wait3A_102] : memref<640x128xf32, #tpu.memory_space<vmem>> -> memref<128x128xf32, #tpu.memory_space<vmem>>
      %dma_wait3A_104 = arith.constant 0 : i32
      %dma_wait3A_105 = tpu.memref_slice %arg5[%add3A_52, %dma_wait3A_104] : memref<10x128xi32, #tpu.memory_space<vmem>> -> memref<1x128xi32, #tpu.memory_space<vmem>>
      %dma_wait3A_106 = tpu.memref_squeeze %dma_wait3A_105 : memref<1x128xi32, #tpu.memory_space<vmem>> -> memref<128xi32, #tpu.memory_space<vmem>>
      %dma_wait3A_107 = arith.constant 0 : i32
      %dma_wait3A_108 = arith.constant 0 : i32
      %dma_wait3A_109 = tpu.memref_slice %arg3[%dma_wait3A_107, %dma_wait3A_108] : memref<1000x128xf32, #tpu.memory_space<hbm>> -> memref<1000x128xf32, #tpu.memory_space<hbm>>
      tpu.wait_indirect_dma semaphore(%arg7 : memref<!tpu.dma_semaphore, #tpu.memory_space<semaphore_mem>>) src(%dma_wait3A_109 : memref<1000x128xf32, #tpu.memory_space<hbm>>) dst(%dma_wait3A_103 : memref<128x128xf32, #tpu.memory_space<vmem>>)
      %dma_wait3A_110 = arith.constant 512 : i32
      %dma_wait3A_111 = arith.constant 0 : i32
      %dma_wait3A_112 = tpu.memref_slice %arg6[%dma_wait3A_110, %dma_wait3A_111] : memref<640x128xf32, #tpu.memory_space<vmem>> -> memref<128x128xf32, #tpu.memory_space<vmem>>
      %dma_wait3A_113 = arith.constant 0 : i32
      %dma_wait3A_114 = tpu.memref_slice %arg5[%add3A_65, %dma_wait3A_113] : memref<10x128xi32, #tpu.memory_space<vmem>> -> memref<1x128xi32, #tpu.memory_space<vmem>>
      %dma_wait3A_115 = tpu.memref_squeeze %dma_wait3A_114 : memref<1x128xi32, #tpu.memory_space<vmem>> -> memref<128xi32, #tpu.memory_space<vmem>>
      %dma_wait3A_116 = arith.constant 0 : i32
      %dma_wait3A_117 = arith.constant 0 : i32
      %dma_wait3A_118 = tpu.memref_slice %arg3[%dma_wait3A_116, %dma_wait3A_117] : memref<1000x128xf32, #tpu.memory_space<hbm>> -> memref<1000x128xf32, #tpu.memory_space<hbm>>
      tpu.wait_indirect_dma semaphore(%arg7 : memref<!tpu.dma_semaphore, #tpu.memory_space<semaphore_mem>>) src(%dma_wait3A_118 : memref<1000x128xf32, #tpu.memory_space<hbm>>) dst(%dma_wait3A_112 : memref<128x128xf32, #tpu.memory_space<vmem>>)
      %mul3A_119 = arith.constant 640 : i32
      %mul3A_120 = arith.muli %scan3A_10, %mul3A_119 : i32
      %add3A_121 = arith.addi %mul3A_2, %mul3A_120 : i32
      %multiple_of3A = tpu.assume_multiple %add3A_121, 8 : i32
      "tpu.region"() ({
        %run_scoped3A = tpu.sem_alloc : memref<!tpu.dma_semaphore, #tpu.memory_space<semaphore_mem>>
        %dma_start3A_122 = arith.constant 0 : i32
        %dma_start3A_123 = tpu.memref_slice %arg4[%multiple_of3A, %dma_start3A_122] : memref<40960x128xf32, #tpu.memory_space<hbm>> -> memref<640x128xf32, #tpu.memory_space<hbm>>
        %dma_start3A_124 = arith.constant 0 : i32
        %dma_start3A_125 = tpu.memref_slice %arg4[%multiple_of3A, %dma_start3A_124] : memref<40960x128xf32, #tpu.memory_space<hbm>> -> memref<640x128xf32, #tpu.memory_space<hbm>>
        tpu.enqueue_dma source(%arg6 : memref<640x128xf32, #tpu.memory_space<vmem>>) target(%dma_start3A_125 : memref<640x128xf32, #tpu.memory_space<hbm>>) target_semaphore(%run_scoped3A : memref<!tpu.dma_semaphore, #tpu.memory_space<semaphore_mem>>)
        %dma_wait3A_126 = arith.constant 0 : i32
        %dma_wait3A_127 = tpu.memref_slice %arg4[%multiple_of3A, %dma_wait3A_126] : memref<40960x128xf32, #tpu.memory_space<hbm>> -> memref<640x128xf32, #tpu.memory_space<hbm>>
        %dma_wait3A_128 = arith.constant 0 : i32
        %dma_wait3A_129 = tpu.memref_slice %arg4[%multiple_of3A, %dma_wait3A_128] : memref<40960x128xf32, #tpu.memory_space<hbm>> -> memref<640x128xf32, #tpu.memory_space<hbm>>
        tpu.wait_dma2 semaphore(%run_scoped3A : memref<!tpu.dma_semaphore, #tpu.memory_space<semaphore_mem>>) src(%arg6 : memref<640x128xf32, #tpu.memory_space<vmem>>) dst(%dma_wait3A_129 : memref<640x128xf32, #tpu.memory_space<hbm>>)
        tpu.yield
      }) : () -> ()
    }
    %scan3A_9 = arith.constant 2 : i32
    return
  }
}

#map = affine_map<(d0, d1) -> (0, 0, 0)>
#map1 = affine_map<(d0, d1) -> (0, 0)>
module attributes {stable_mosaic.version = 14 : i64} {
  func.func @k(%arg0: i32, %arg1: i32, %arg2: memref<160x10x128xi32, #tpu.memory_space<hbm>>, %arg3: memref<1000x128xf32, #tpu.memory_space<hbm>>, %arg4: memref<40960x128xf32, #tpu.memory_space<hbm>>, %arg5: memref<10x128xi32, #tpu.memory_space<vmem>>, %arg6: memref<640x128xf32, #tpu.memory_space<vmem>>, %arg7: memref<!tpu.dma_semaphore, #tpu.memory_space<semaphore_mem>>) attributes {dimension_semantics = [#tpu.dimension_semantics<core_parallel>, #tpu.dimension_semantics<subcore_parallel>], iteration_bounds = array<i64: 2, 16>, scalar_prefetch = 0 : i64, scratch_operands = 3 : i64, tpu.core_type = #tpu.core_type<sc_vector_subcore>, window_params = [{transform_indices = #map}, {transform_indices = #map1}, {transform_indices = #map1}]} {
    %mul3A = arith.constant 2 : i32
    %mul3A_0 = arith.muli %arg1, %mul3A : i32
    %add3A = arith.addi %mul3A_0, %arg0 : i32
    %mul3A_1 = arith.constant 1280 : i32
    %mul3A_2 = arith.muli %add3A, %mul3A_1 : i32
    %add3A_3 = arith.constant 32 : i32
    %add3A_4 = arith.addi %add3A_3, %add3A : i32
    "tpu.region"() ({
      %run_scoped3A = tpu.sem_alloc : memref<!tpu.dma_semaphore, #tpu.memory_space<semaphore_mem>>
      %dma_start3A = arith.constant 0 : i32
      %dma_start3A_10 = arith.constant 0 : i32
      %dma_start3A_11 = tpu.memref_slice %arg2[%add3A_4, %dma_start3A, %dma_start3A_10] : memref<160x10x128xi32, #tpu.memory_space<hbm>> -> memref<1x10x128xi32, #tpu.memory_space<hbm>>
      %dma_start3A_12 = tpu.memref_squeeze %dma_start3A_11 : memref<1x10x128xi32, #tpu.memory_space<hbm>> -> memref<10x128xi32, #tpu.memory_space<hbm>>
      %dma_start3A_13 = arith.constant 0 : i32
      %dma_start3A_14 = arith.constant 0 : i32
      %dma_start3A_15 = tpu.memref_slice %arg2[%add3A_4, %dma_start3A_13, %dma_start3A_14] : memref<160x10x128xi32, #tpu.memory_space<hbm>> -> memref<1x10x128xi32, #tpu.memory_space<hbm>>
      %dma_start3A_16 = tpu.memref_squeeze %dma_start3A_15 : memref<1x10x128xi32, #tpu.memory_space<hbm>> -> memref<10x128xi32, #tpu.memory_space<hbm>>
      tpu.enqueue_dma source(%dma_start3A_16 : memref<10x128xi32, #tpu.memory_space<hbm>>) target(%arg5 : memref<10x128xi32, #tpu.memory_space<vmem>>) target_semaphore(%run_scoped3A : memref<!tpu.dma_semaphore, #tpu.memory_space<semaphore_mem>>)
      %dma_wait3A = arith.constant 0 : i32
      %dma_wait3A_17 = arith.constant 0 : i32
      %dma_wait3A_18 = tpu.memref_slice %arg2[%add3A_4, %dma_wait3A, %dma_wait3A_17] : memref<160x10x128xi32, #tpu.memory_space<hbm>> -> memref<1x10x128xi32, #tpu.memory_space<hbm>>
      %dma_wait3A_19 = tpu.memref_squeeze %dma_wait3A_18 : memref<1x10x128xi32, #tpu.memory_space<hbm>> -> memref<10x128xi32, #tpu.memory_space<hbm>>
      %dma_wait3A_20 = arith.constant 0 : i32
      %dma_wait3A_21 = arith.constant 0 : i32
      %dma_wait3A_22 = tpu.memref_slice %arg2[%add3A_4, %dma_wait3A_20, %dma_wait3A_21] : memref<160x10x128xi32, #tpu.memory_space<hbm>> -> memref<1x10x128xi32, #tpu.memory_space<hbm>>
      %dma_wait3A_23 = tpu.memref_squeeze %dma_wait3A_22 : memref<1x10x128xi32, #tpu.memory_space<hbm>> -> memref<10x128xi32, #tpu.memory_space<hbm>>
      tpu.wait_dma2 semaphore(%run_scoped3A : memref<!tpu.dma_semaphore, #tpu.memory_space<semaphore_mem>>) src(%dma_wait3A_23 : memref<10x128xi32, #tpu.memory_space<hbm>>) dst(%arg5 : memref<10x128xi32, #tpu.memory_space<vmem>>)
      tpu.yield
    }) : () -> ()
    %scan3A = arith.constant 0 : i32
    %scan3A_5 = arith.constant 0 : i32
    %scan3A_6 = arith.constant 2 : i32
    %scan3A_7 = arith.addi %scan3A_5, %scan3A_6 : i32
    %scan3A_8 = arith.constant 1 : i32
    scf.for %scan3A_10 = %scan3A_5 to %scan3A_7 step %scan3A_8  : i32 {
      %mul3A_11 = arith.constant 5 : i32
      %mul3A_12 = arith.muli %scan3A_10, %mul3A_11 : i32
      %add3A_13 = arith.constant 0 : i32
      %add3A_14 = arith.addi %mul3A_12, %add3A_13 : i32
      %dma_start3A = arith.constant 0 : i32
      %dma_start3A_15 = arith.constant 0 : i32
      %dma_start3A_16 = tpu.memref_slice %arg6[%dma_start3A, %dma_start3A_15] : memref<640x128xf32, #tpu.memory_space<vmem>> -> memref<128x128xf32, #tpu.memory_space<vmem>>
      %dma_start3A_17 = arith.constant 0 : i32
      %dma_start3A_18 = tpu.memref_slice %arg5[%add3A_14, %dma_start3A_17] : memref<10x128xi32, #tpu.memory_space<vmem>> -> memref<1x128xi32, #tpu.memory_space<vmem>>
      %dma_start3A_19 = tpu.memref_squeeze %dma_start3A_18 : memref<1x128xi32, #tpu.memory_space<vmem>> -> memref<128xi32, #tpu.memory_space<vmem>>
      %dma_start3A_20 = arith.constant 0 : i32
      %dma_start3A_21 = arith.constant 0 : i32
      %dma_start3A_22 = tpu.memref_slice %arg3[%dma_start3A_20, %dma_start3A_21] : memref<1000x128xf32, #tpu.memory_space<hbm>> -> memref<1000x128xf32, #tpu.memory_space<hbm>>
      tpu.enqueue_indirect_dma source(%dma_start3A_22 : memref<1000x128xf32, #tpu.memory_space<hbm>>) target(%dma_start3A_16 : memref<128x128xf32, #tpu.memory_space<vmem>>) offsets(%dma_start3A_19 : memref<128xi32, #tpu.memory_space<vmem>>) semaphore(%arg7 : memref<!tpu.dma_semaphore, #tpu.memory_space<semaphore_mem>>)
      %mul3A_23 = arith.constant 5 : i32
      %mul3A_24 = arith.muli %scan3A_10, %mul3A_23 : i32
      %add3A_25 = arith.constant 1 : i32
      %add3A_26 = arith.addi %mul3A_24, %add3A_25 : i32
      %dma_start3A_27 = arith.constant 128 : i32
      %dma_start3A_28 = arith.constant 0 : i32
      %dma_start3A_29 = tpu.memref_slice %arg6[%dma_start3A_27, %dma_start3A_28] : memref<640x128xf32, #tpu.memory_space<vmem>> -> memref<128x128xf32, #tpu.memory_space<vmem>>
      %dma_start3A_30 = arith.constant 0 : i32
      %dma_start3A_31 = tpu.memref_slice %arg5[%add3A_26, %dma_start3A_30] : memref<10x128xi32, #tpu.memory_space<vmem>> -> memref<1x128xi32, #tpu.memory_space<vmem>>
      %dma_start3A_32 = tpu.memref_squeeze %dma_start3A_31 : memref<1x128xi32, #tpu.memory_space<vmem>> -> memref<128xi32, #tpu.memory_space<vmem>>
      %dma_start3A_33 = arith.constant 0 : i32
      %dma_start3A_34 = arith.constant 0 : i32
      %dma_start3A_35 = tpu.memref_slice %arg3[%dma_start3A_33, %dma_start3A_34] : memref<1000x128xf32, #tpu.memory_space<hbm>> -> memref<1000x128xf32, #tpu.memory_space<hbm>>
      tpu.enqueue_indirect_dma source(%dma_start3A_35 : memref<1000x128xf32, #tpu.memory_space<hbm>>) target(%dma_start3A_29 : memref<128x128xf32, #tpu.memory_space<vmem>>) offsets(%dma_start3A_32 : memref<128xi32, #tpu.memory_space<vmem>>) semaphore(%arg7 : memref<!tpu.dma_semaphore, #tpu.memory_space<semaphore_mem>>)
      %mul3A_36 = arith.constant 5 : i32
      %mul3A_37 = arith.muli %scan3A_10, %mul3A_36 : i32
      %add3A_38 = arith.constant 2 : i32
      %add3A_39 = arith.addi %mul3A_37, %add3A_38 : i32
      %dma_start3A_40 = arith.constant 256 : i32
      %dma_start3A_41 = arith.constant 0 : i32
      %dma_start3A_42 = tpu.memref_slice %arg6[%dma_start3A_40, %dma_start3A_41] : memref<640x128xf32, #tpu.memory_space<vmem>> -> memref<128x128xf32, #tpu.memory_space<vmem>>
      %dma_start3A_43 = arith.constant 0 : i32
      %dma_start3A_44 = tpu.memref_slice %arg5[%add3A_39, %dma_start3A_43] : memref<10x128xi32, #tpu.memory_space<vmem>> -> memref<1x128xi32, #tpu.memory_space<vmem>>
      %dma_start3A_45 = tpu.memref_squeeze %dma_start3A_44 : memref<1x128xi32, #tpu.memory_space<vmem>> -> memref<128xi32, #tpu.memory_space<vmem>>
      %dma_start3A_46 = arith.constant 0 : i32
      %dma_start3A_47 = arith.constant 0 : i32
      %dma_start3A_48 = tpu.memref_slice %arg3[%dma_start3A_46, %dma_start3A_47] : memref<1000x128xf32, #tpu.memory_space<hbm>> -> memref<1000x128xf32, #tpu.memory_space<hbm>>
      tpu.enqueue_indirect_dma source(%dma_start3A_48 : memref<1000x128xf32, #tpu.memory_space<hbm>>) target(%dma_start3A_42 : memref<128x128xf32, #tpu.memory_space<vmem>>) offsets(%dma_start3A_45 : memref<128xi32, #tpu.memory_space<vmem>>) semaphore(%arg7 : memref<!tpu.dma_semaphore, #tpu.memory_space<semaphore_mem>>)
      %mul3A_49 = arith.constant 5 : i32
      %mul3A_50 = arith.muli %scan3A_10, %mul3A_49 : i32
      %add3A_51 = arith.constant 3 : i32
      %add3A_52 = arith.addi %mul3A_50, %add3A_51 : i32
      %dma_start3A_53 = arith.constant 384 : i32
      %dma_start3A_54 = arith.constant 0 : i32
      %dma_start3A_55 = tpu.memref_slice %arg6[%dma_start3A_53, %dma_start3A_54] : memref<640x128xf32, #tpu.memory_space<vmem>> -> memref<128x128xf32, #tpu.memory_space<vmem>>
      %dma_start3A_56 = arith.constant 0 : i32
      %dma_start3A_57 = tpu.memref_slice %arg5[%add3A_52, %dma_start3A_56] : memref<10x128xi32, #tpu.memory_space<vmem>> -> memref<1x128xi32, #tpu.memory_space<vmem>>
      %dma_start3A_58 = tpu.memref_squeeze %dma_start3A_57 : memref<1x128xi32, #tpu.memory_space<vmem>> -> memref<128xi32, #tpu.memory_space<vmem>>
      %dma_start3A_59 = arith.constant 0 : i32
      %dma_start3A_60 = arith.constant 0 : i32
      %dma_start3A_61 = tpu.memref_slice %arg3[%dma_start3A_59, %dma_start3A_60] : memref<1000x128xf32, #tpu.memory_space<hbm>> -> memref<1000x128xf32, #tpu.memory_space<hbm>>
      tpu.enqueue_indirect_dma source(%dma_start3A_61 : memref<1000x128xf32, #tpu.memory_space<hbm>>) target(%dma_start3A_55 : memref<128x128xf32, #tpu.memory_space<vmem>>) offsets(%dma_start3A_58 : memref<128xi32, #tpu.memory_space<vmem>>) semaphore(%arg7 : memref<!tpu.dma_semaphore, #tpu.memory_space<semaphore_mem>>)
      %mul3A_62 = arith.constant 5 : i32
      %mul3A_63 = arith.muli %scan3A_10, %mul3A_62 : i32
      %add3A_64 = arith.constant 4 : i32
      %add3A_65 = arith.addi %mul3A_63, %add3A_64 : i32
      %dma_start3A_66 = arith.constant 512 : i32
      %dma_start3A_67 = arith.constant 0 : i32
      %dma_start3A_68 = tpu.memref_slice %arg6[%dma_start3A_66, %dma_start3A_67] : memref<640x128xf32, #tpu.memory_space<vmem>> -> memref<128x128xf32, #tpu.memory_space<vmem>>
      %dma_start3A_69 = arith.constant 0 : i32
      %dma_start3A_70 = tpu.memref_slice %arg5[%add3A_65, %dma_start3A_69] : memref<10x128xi32, #tpu.memory_space<vmem>> -> memref<1x128xi32, #tpu.memory_space<vmem>>
      %dma_start3A_71 = tpu.memref_squeeze %dma_start3A_70 : memref<1x128xi32, #tpu.memory_space<vmem>> -> memref<128xi32, #tpu.memory_space<vmem>>
      %dma_start3A_72 = arith.constant 0 : i32
      %dma_start3A_73 = arith.constant 0 : i32
      %dma_start3A_74 = tpu.memref_slice %arg3[%dma_start3A_72, %dma_start3A_73] : memref<1000x128xf32, #tpu.memory_space<hbm>> -> memref<1000x128xf32, #tpu.memory_space<hbm>>
      tpu.enqueue_indirect_dma source(%dma_start3A_74 : memref<1000x128xf32, #tpu.memory_space<hbm>>) target(%dma_start3A_68 : memref<128x128xf32, #tpu.memory_space<vmem>>) offsets(%dma_start3A_71 : memref<128xi32, #tpu.memory_space<vmem>>) semaphore(%arg7 : memref<!tpu.dma_semaphore, #tpu.memory_space<semaphore_mem>>)
      %dma_wait3A = arith.constant 0 : i32
      %dma_wait3A_75 = arith.constant 0 : i32
      %dma_wait3A_76 = tpu.memref_slice %arg6[%dma_wait3A, %dma_wait3A_75] : memref<640x128xf32, #tpu.memory_space<vmem>> -> memref<128x128xf32, #tpu.memory_space<vmem>>
      %dma_wait3A_77 = arith.constant 0 : i32
      %dma_wait3A_78 = tpu.memref_slice %arg5[%add3A_14, %dma_wait3A_77] : memref<10x128xi32, #tpu.memory_space<vmem>> -> memref<1x128xi32, #tpu.memory_space<vmem>>
      %dma_wait3A_79 = tpu.memref_squeeze %dma_wait3A_78 : memref<1x128xi32, #tpu.memory_space<vmem>> -> memref<128xi32, #tpu.memory_space<vmem>>
      %dma_wait3A_80 = arith.constant 0 : i32
      %dma_wait3A_81 = arith.constant 0 : i32
      %dma_wait3A_82 = tpu.memref_slice %arg3[%dma_wait3A_80, %dma_wait3A_81] : memref<1000x128xf32, #tpu.memory_space<hbm>> -> memref<1000x128xf32, #tpu.memory_space<hbm>>
      tpu.wait_indirect_dma semaphore(%arg7 : memref<!tpu.dma_semaphore, #tpu.memory_space<semaphore_mem>>) src(%dma_wait3A_82 : memref<1000x128xf32, #tpu.memory_space<hbm>>) dst(%dma_wait3A_76 : memref<128x128xf32, #tpu.memory_space<vmem>>)
      %dma_wait3A_83 = arith.constant 128 : i32
      %dma_wait3A_84 = arith.constant 0 : i32
      %dma_wait3A_85 = tpu.memref_slice %arg6[%dma_wait3A_83, %dma_wait3A_84] : memref<640x128xf32, #tpu.memory_space<vmem>> -> memref<128x128xf32, #tpu.memory_space<vmem>>
      %dma_wait3A_86 = arith.constant 0 : i32
      %dma_wait3A_87 = tpu.memref_slice %arg5[%add3A_26, %dma_wait3A_86] : memref<10x128xi32, #tpu.memory_space<vmem>> -> memref<1x128xi32, #tpu.memory_space<vmem>>
      %dma_wait3A_88 = tpu.memref_squeeze %dma_wait3A_87 : memref<1x128xi32, #tpu.memory_space<vmem>> -> memref<128xi32, #tpu.memory_space<vmem>>
      %dma_wait3A_89 = arith.constant 0 : i32
      %dma_wait3A_90 = arith.constant 0 : i32
      %dma_wait3A_91 = tpu.memref_slice %arg3[%dma_wait3A_89, %dma_wait3A_90] : memref<1000x128xf32, #tpu.memory_space<hbm>> -> memref<1000x128xf32, #tpu.memory_space<hbm>>
      tpu.wait_indirect_dma semaphore(%arg7 : memref<!tpu.dma_semaphore, #tpu.memory_space<semaphore_mem>>) src(%dma_wait3A_91 : memref<1000x128xf32, #tpu.memory_space<hbm>>) dst(%dma_wait3A_85 : memref<128x128xf32, #tpu.memory_space<vmem>>)
      %dma_wait3A_92 = arith.constant 256 : i32
      %dma_wait3A_93 = arith.constant 0 : i32
      %dma_wait3A_94 = tpu.memref_slice %arg6[%dma_wait3A_92, %dma_wait3A_93] : memref<640x128xf32, #tpu.memory_space<vmem>> -> memref<128x128xf32, #tpu.memory_space<vmem>>
      %dma_wait3A_95 = arith.constant 0 : i32
      %dma_wait3A_96 = tpu.memref_slice %arg5[%add3A_39, %dma_wait3A_95] : memref<10x128xi32, #tpu.memory_space<vmem>> -> memref<1x128xi32, #tpu.memory_space<vmem>>
      %dma_wait3A_97 = tpu.memref_squeeze %dma_wait3A_96 : memref<1x128xi32, #tpu.memory_space<vmem>> -> memref<128xi32, #tpu.memory_space<vmem>>
      %dma_wait3A_98 = arith.constant 0 : i32
      %dma_wait3A_99 = arith.constant 0 : i32
      %dma_wait3A_100 = tpu.memref_slice %arg3[%dma_wait3A_98, %dma_wait3A_99] : memref<1000x128xf32, #tpu.memory_space<hbm>> -> memref<1000x128xf32, #tpu.memory_space<hbm>>
      tpu.wait_indirect_dma semaphore(%arg7 : memref<!tpu.dma_semaphore, #tpu.memory_space<semaphore_mem>>) src(%dma_wait3A_100 : memref<1000x128xf32, #tpu.memory_space<hbm>>) dst(%dma_wait3A_94 : memref<128x128xf32, #tpu.memory_space<vmem>>)
      %dma_wait3A_101 = arith.constant 384 : i32
      %dma_wait3A_102 = arith.constant 0 : i32
      %dma_wait3A_103 = tpu.memref_slice %arg6[%dma_wait3A_101, %dma_wait3A_102] : memref<640x128xf32, #tpu.memory_space<vmem>> -> memref<128x128xf32, #tpu.memory_space<vmem>>
      %dma_wait3A_104 = arith.constant 0 : i32
      %dma_wait3A_105 = tpu.memref_slice %arg5[%add3A_52, %dma_wait3A_104] : memref<10x128xi32, #tpu.memory_space<vmem>> -> memref<1x128xi32, #tpu.memory_space<vmem>>
      %dma_wait3A_106 = tpu.memref_squeeze %dma_wait3A_105 : memref<1x128xi32, #tpu.memory_space<vmem>> -> memref<128xi32, #tpu.memory_space<vmem>>
      %dma_wait3A_107 = arith.constant 0 : i32
      %dma_wait3A_108 = arith.constant 0 : i32
      %dma_wait3A_109 = tpu.memref_slice %arg3[%dma_wait3A_107, %dma_wait3A_108] : memref<1000x128xf32, #tpu.memory_space<hbm>> -> memref<1000x128xf32, #tpu.memory_space<hbm>>
      tpu.wait_indirect_dma semaphore(%arg7 : memref<!tpu.dma_semaphore, #tpu.memory_space<semaphore_mem>>) src(%dma_wait3A_109 : memref<1000x128xf32, #tpu.memory_space<hbm>>) dst(%dma_wait3A_103 : memref<128x128xf32, #tpu.memory_space<vmem>>)
      %dma_wait3A_110 = arith.constant 512 : i32
      %dma_wait3A_111 = arith.constant 0 : i32
      %dma_wait3A_112 = tpu.memref_slice %arg6[%dma_wait3A_110, %dma_wait3A_111] : memref<640x128xf32, #tpu.memory_space<vmem>> -> memref<128x128xf32, #tpu.memory_space<vmem>>
      %dma_wait3A_113 = arith.constant 0 : i32
      %dma_wait3A_114 = tpu.memref_slice %arg5[%add3A_65, %dma_wait3A_113] : memref<10x128xi32, #tpu.memory_space<vmem>> -> memref<1x128xi32, #tpu.memory_space<vmem>>
      %dma_wait3A_115 = tpu.memref_squeeze %dma_wait3A_114 : memref<1x128xi32, #tpu.memory_space<vmem>> -> memref<128xi32, #tpu.memory_space<vmem>>
      %dma_wait3A_116 = arith.constant 0 : i32
      %dma_wait3A_117 = arith.constant 0 : i32
      %dma_wait3A_118 = tpu.memref_slice %arg3[%dma_wait3A_116, %dma_wait3A_117] : memref<1000x128xf32, #tpu.memory_space<hbm>> -> memref<1000x128xf32, #tpu.memory_space<hbm>>
      tpu.wait_indirect_dma semaphore(%arg7 : memref<!tpu.dma_semaphore, #tpu.memory_space<semaphore_mem>>) src(%dma_wait3A_118 : memref<1000x128xf32, #tpu.memory_space<hbm>>) dst(%dma_wait3A_112 : memref<128x128xf32, #tpu.memory_space<vmem>>)
      %mul3A_119 = arith.constant 640 : i32
      %mul3A_120 = arith.muli %scan3A_10, %mul3A_119 : i32
      %add3A_121 = arith.addi %mul3A_2, %mul3A_120 : i32
      %multiple_of3A = tpu.assume_multiple %add3A_121, 8 : i32
      "tpu.region"() ({
        %run_scoped3A = tpu.sem_alloc : memref<!tpu.dma_semaphore, #tpu.memory_space<semaphore_mem>>
        %dma_start3A_122 = arith.constant 0 : i32
        %dma_start3A_123 = tpu.memref_slice %arg4[%multiple_of3A, %dma_start3A_122] : memref<40960x128xf32, #tpu.memory_space<hbm>> -> memref<640x128xf32, #tpu.memory_space<hbm>>
        %dma_start3A_124 = arith.constant 0 : i32
        %dma_start3A_125 = tpu.memref_slice %arg4[%multiple_of3A, %dma_start3A_124] : memref<40960x128xf32, #tpu.memory_space<hbm>> -> memref<640x128xf32, #tpu.memory_space<hbm>>
        tpu.enqueue_dma source(%arg6 : memref<640x128xf32, #tpu.memory_space<vmem>>) target(%dma_start3A_125 : memref<640x128xf32, #tpu.memory_space<hbm>>) target_semaphore(%run_scoped3A : memref<!tpu.dma_semaphore, #tpu.memory_space<semaphore_mem>>)
        %dma_wait3A_126 = arith.constant 0 : i32
        %dma_wait3A_127 = tpu.memref_slice %arg4[%multiple_of3A, %dma_wait3A_126] : memref<40960x128xf32, #tpu.memory_space<hbm>> -> memref<640x128xf32, #tpu.memory_space<hbm>>
        %dma_wait3A_128 = arith.constant 0 : i32
        %dma_wait3A_129 = tpu.memref_slice %arg4[%multiple_of3A, %dma_wait3A_128] : memref<40960x128xf32, #tpu.memory_space<hbm>> -> memref<640x128xf32, #tpu.memory_space<hbm>>
        tpu.wait_dma2 semaphore(%run_scoped3A : memref<!tpu.dma_semaphore, #tpu.memory_space<semaphore_mem>>) src(%arg6 : memref<640x128xf32, #tpu.memory_space<vmem>>) dst(%dma_wait3A_129 : memref<640x128xf32, #tpu.memory_space<hbm>>)
        tpu.yield
      }) : () -> ()
    }
    %scan3A_9 = arith.constant 2 : i32
    return
  }
}

#map = affine_map<(d0, d1) -> (0, 0, 0)>
#map1 = affine_map<(d0, d1) -> (0, 0)>
module attributes {stable_mosaic.version = 14 : i64} {
  func.func @k(%arg0: i32, %arg1: i32, %arg2: memref<160x10x128xi32, #tpu.memory_space<hbm>>, %arg3: memref<1000x128xf32, #tpu.memory_space<hbm>>, %arg4: memref<40960x128xf32, #tpu.memory_space<hbm>>, %arg5: memref<10x128xi32, #tpu.memory_space<vmem>>, %arg6: memref<640x128xf32, #tpu.memory_space<vmem>>, %arg7: memref<!tpu.dma_semaphore, #tpu.memory_space<semaphore_mem>>) attributes {dimension_semantics = [#tpu.dimension_semantics<core_parallel>, #tpu.dimension_semantics<subcore_parallel>], iteration_bounds = array<i64: 2, 16>, scalar_prefetch = 0 : i64, scratch_operands = 3 : i64, tpu.core_type = #tpu.core_type<sc_vector_subcore>, window_params = [{transform_indices = #map}, {transform_indices = #map1}, {transform_indices = #map1}]} {
    %mul3A = arith.constant 2 : i32
    %mul3A_0 = arith.muli %arg1, %mul3A : i32
    %add3A = arith.addi %mul3A_0, %arg0 : i32
    %mul3A_1 = arith.constant 1280 : i32
    %mul3A_2 = arith.muli %add3A, %mul3A_1 : i32
    %add3A_3 = arith.constant 128 : i32
    %add3A_4 = arith.addi %add3A_3, %add3A : i32
    "tpu.region"() ({
      %run_scoped3A = tpu.sem_alloc : memref<!tpu.dma_semaphore, #tpu.memory_space<semaphore_mem>>
      %dma_start3A = arith.constant 0 : i32
      %dma_start3A_10 = arith.constant 0 : i32
      %dma_start3A_11 = tpu.memref_slice %arg2[%add3A_4, %dma_start3A, %dma_start3A_10] : memref<160x10x128xi32, #tpu.memory_space<hbm>> -> memref<1x10x128xi32, #tpu.memory_space<hbm>>
      %dma_start3A_12 = tpu.memref_squeeze %dma_start3A_11 : memref<1x10x128xi32, #tpu.memory_space<hbm>> -> memref<10x128xi32, #tpu.memory_space<hbm>>
      %dma_start3A_13 = arith.constant 0 : i32
      %dma_start3A_14 = arith.constant 0 : i32
      %dma_start3A_15 = tpu.memref_slice %arg2[%add3A_4, %dma_start3A_13, %dma_start3A_14] : memref<160x10x128xi32, #tpu.memory_space<hbm>> -> memref<1x10x128xi32, #tpu.memory_space<hbm>>
      %dma_start3A_16 = tpu.memref_squeeze %dma_start3A_15 : memref<1x10x128xi32, #tpu.memory_space<hbm>> -> memref<10x128xi32, #tpu.memory_space<hbm>>
      tpu.enqueue_dma source(%dma_start3A_16 : memref<10x128xi32, #tpu.memory_space<hbm>>) target(%arg5 : memref<10x128xi32, #tpu.memory_space<vmem>>) target_semaphore(%run_scoped3A : memref<!tpu.dma_semaphore, #tpu.memory_space<semaphore_mem>>)
      %dma_wait3A = arith.constant 0 : i32
      %dma_wait3A_17 = arith.constant 0 : i32
      %dma_wait3A_18 = tpu.memref_slice %arg2[%add3A_4, %dma_wait3A, %dma_wait3A_17] : memref<160x10x128xi32, #tpu.memory_space<hbm>> -> memref<1x10x128xi32, #tpu.memory_space<hbm>>
      %dma_wait3A_19 = tpu.memref_squeeze %dma_wait3A_18 : memref<1x10x128xi32, #tpu.memory_space<hbm>> -> memref<10x128xi32, #tpu.memory_space<hbm>>
      %dma_wait3A_20 = arith.constant 0 : i32
      %dma_wait3A_21 = arith.constant 0 : i32
      %dma_wait3A_22 = tpu.memref_slice %arg2[%add3A_4, %dma_wait3A_20, %dma_wait3A_21] : memref<160x10x128xi32, #tpu.memory_space<hbm>> -> memref<1x10x128xi32, #tpu.memory_space<hbm>>
      %dma_wait3A_23 = tpu.memref_squeeze %dma_wait3A_22 : memref<1x10x128xi32, #tpu.memory_space<hbm>> -> memref<10x128xi32, #tpu.memory_space<hbm>>
      tpu.wait_dma2 semaphore(%run_scoped3A : memref<!tpu.dma_semaphore, #tpu.memory_space<semaphore_mem>>) src(%dma_wait3A_23 : memref<10x128xi32, #tpu.memory_space<hbm>>) dst(%arg5 : memref<10x128xi32, #tpu.memory_space<vmem>>)
      tpu.yield
    }) : () -> ()
    %scan3A = arith.constant 0 : i32
    %scan3A_5 = arith.constant 0 : i32
    %scan3A_6 = arith.constant 2 : i32
    %scan3A_7 = arith.addi %scan3A_5, %scan3A_6 : i32
    %scan3A_8 = arith.constant 1 : i32
    scf.for %scan3A_10 = %scan3A_5 to %scan3A_7 step %scan3A_8  : i32 {
      %mul3A_11 = arith.constant 5 : i32
      %mul3A_12 = arith.muli %scan3A_10, %mul3A_11 : i32
      %add3A_13 = arith.constant 0 : i32
      %add3A_14 = arith.addi %mul3A_12, %add3A_13 : i32
      %dma_start3A = arith.constant 0 : i32
      %dma_start3A_15 = arith.constant 0 : i32
      %dma_start3A_16 = tpu.memref_slice %arg6[%dma_start3A, %dma_start3A_15] : memref<640x128xf32, #tpu.memory_space<vmem>> -> memref<128x128xf32, #tpu.memory_space<vmem>>
      %dma_start3A_17 = arith.constant 0 : i32
      %dma_start3A_18 = tpu.memref_slice %arg5[%add3A_14, %dma_start3A_17] : memref<10x128xi32, #tpu.memory_space<vmem>> -> memref<1x128xi32, #tpu.memory_space<vmem>>
      %dma_start3A_19 = tpu.memref_squeeze %dma_start3A_18 : memref<1x128xi32, #tpu.memory_space<vmem>> -> memref<128xi32, #tpu.memory_space<vmem>>
      %dma_start3A_20 = arith.constant 0 : i32
      %dma_start3A_21 = arith.constant 0 : i32
      %dma_start3A_22 = tpu.memref_slice %arg3[%dma_start3A_20, %dma_start3A_21] : memref<1000x128xf32, #tpu.memory_space<hbm>> -> memref<1000x128xf32, #tpu.memory_space<hbm>>
      tpu.enqueue_indirect_dma source(%dma_start3A_22 : memref<1000x128xf32, #tpu.memory_space<hbm>>) target(%dma_start3A_16 : memref<128x128xf32, #tpu.memory_space<vmem>>) offsets(%dma_start3A_19 : memref<128xi32, #tpu.memory_space<vmem>>) semaphore(%arg7 : memref<!tpu.dma_semaphore, #tpu.memory_space<semaphore_mem>>)
      %mul3A_23 = arith.constant 5 : i32
      %mul3A_24 = arith.muli %scan3A_10, %mul3A_23 : i32
      %add3A_25 = arith.constant 1 : i32
      %add3A_26 = arith.addi %mul3A_24, %add3A_25 : i32
      %dma_start3A_27 = arith.constant 128 : i32
      %dma_start3A_28 = arith.constant 0 : i32
      %dma_start3A_29 = tpu.memref_slice %arg6[%dma_start3A_27, %dma_start3A_28] : memref<640x128xf32, #tpu.memory_space<vmem>> -> memref<128x128xf32, #tpu.memory_space<vmem>>
      %dma_start3A_30 = arith.constant 0 : i32
      %dma_start3A_31 = tpu.memref_slice %arg5[%add3A_26, %dma_start3A_30] : memref<10x128xi32, #tpu.memory_space<vmem>> -> memref<1x128xi32, #tpu.memory_space<vmem>>
      %dma_start3A_32 = tpu.memref_squeeze %dma_start3A_31 : memref<1x128xi32, #tpu.memory_space<vmem>> -> memref<128xi32, #tpu.memory_space<vmem>>
      %dma_start3A_33 = arith.constant 0 : i32
      %dma_start3A_34 = arith.constant 0 : i32
      %dma_start3A_35 = tpu.memref_slice %arg3[%dma_start3A_33, %dma_start3A_34] : memref<1000x128xf32, #tpu.memory_space<hbm>> -> memref<1000x128xf32, #tpu.memory_space<hbm>>
      tpu.enqueue_indirect_dma source(%dma_start3A_35 : memref<1000x128xf32, #tpu.memory_space<hbm>>) target(%dma_start3A_29 : memref<128x128xf32, #tpu.memory_space<vmem>>) offsets(%dma_start3A_32 : memref<128xi32, #tpu.memory_space<vmem>>) semaphore(%arg7 : memref<!tpu.dma_semaphore, #tpu.memory_space<semaphore_mem>>)
      %mul3A_36 = arith.constant 5 : i32
      %mul3A_37 = arith.muli %scan3A_10, %mul3A_36 : i32
      %add3A_38 = arith.constant 2 : i32
      %add3A_39 = arith.addi %mul3A_37, %add3A_38 : i32
      %dma_start3A_40 = arith.constant 256 : i32
      %dma_start3A_41 = arith.constant 0 : i32
      %dma_start3A_42 = tpu.memref_slice %arg6[%dma_start3A_40, %dma_start3A_41] : memref<640x128xf32, #tpu.memory_space<vmem>> -> memref<128x128xf32, #tpu.memory_space<vmem>>
      %dma_start3A_43 = arith.constant 0 : i32
      %dma_start3A_44 = tpu.memref_slice %arg5[%add3A_39, %dma_start3A_43] : memref<10x128xi32, #tpu.memory_space<vmem>> -> memref<1x128xi32, #tpu.memory_space<vmem>>
      %dma_start3A_45 = tpu.memref_squeeze %dma_start3A_44 : memref<1x128xi32, #tpu.memory_space<vmem>> -> memref<128xi32, #tpu.memory_space<vmem>>
      %dma_start3A_46 = arith.constant 0 : i32
      %dma_start3A_47 = arith.constant 0 : i32
      %dma_start3A_48 = tpu.memref_slice %arg3[%dma_start3A_46, %dma_start3A_47] : memref<1000x128xf32, #tpu.memory_space<hbm>> -> memref<1000x128xf32, #tpu.memory_space<hbm>>
      tpu.enqueue_indirect_dma source(%dma_start3A_48 : memref<1000x128xf32, #tpu.memory_space<hbm>>) target(%dma_start3A_42 : memref<128x128xf32, #tpu.memory_space<vmem>>) offsets(%dma_start3A_45 : memref<128xi32, #tpu.memory_space<vmem>>) semaphore(%arg7 : memref<!tpu.dma_semaphore, #tpu.memory_space<semaphore_mem>>)
      %mul3A_49 = arith.constant 5 : i32
      %mul3A_50 = arith.muli %scan3A_10, %mul3A_49 : i32
      %add3A_51 = arith.constant 3 : i32
      %add3A_52 = arith.addi %mul3A_50, %add3A_51 : i32
      %dma_start3A_53 = arith.constant 384 : i32
      %dma_start3A_54 = arith.constant 0 : i32
      %dma_start3A_55 = tpu.memref_slice %arg6[%dma_start3A_53, %dma_start3A_54] : memref<640x128xf32, #tpu.memory_space<vmem>> -> memref<128x128xf32, #tpu.memory_space<vmem>>
      %dma_start3A_56 = arith.constant 0 : i32
      %dma_start3A_57 = tpu.memref_slice %arg5[%add3A_52, %dma_start3A_56] : memref<10x128xi32, #tpu.memory_space<vmem>> -> memref<1x128xi32, #tpu.memory_space<vmem>>
      %dma_start3A_58 = tpu.memref_squeeze %dma_start3A_57 : memref<1x128xi32, #tpu.memory_space<vmem>> -> memref<128xi32, #tpu.memory_space<vmem>>
      %dma_start3A_59 = arith.constant 0 : i32
      %dma_start3A_60 = arith.constant 0 : i32
      %dma_start3A_61 = tpu.memref_slice %arg3[%dma_start3A_59, %dma_start3A_60] : memref<1000x128xf32, #tpu.memory_space<hbm>> -> memref<1000x128xf32, #tpu.memory_space<hbm>>
      tpu.enqueue_indirect_dma source(%dma_start3A_61 : memref<1000x128xf32, #tpu.memory_space<hbm>>) target(%dma_start3A_55 : memref<128x128xf32, #tpu.memory_space<vmem>>) offsets(%dma_start3A_58 : memref<128xi32, #tpu.memory_space<vmem>>) semaphore(%arg7 : memref<!tpu.dma_semaphore, #tpu.memory_space<semaphore_mem>>)
      %mul3A_62 = arith.constant 5 : i32
      %mul3A_63 = arith.muli %scan3A_10, %mul3A_62 : i32
      %add3A_64 = arith.constant 4 : i32
      %add3A_65 = arith.addi %mul3A_63, %add3A_64 : i32
      %dma_start3A_66 = arith.constant 512 : i32
      %dma_start3A_67 = arith.constant 0 : i32
      %dma_start3A_68 = tpu.memref_slice %arg6[%dma_start3A_66, %dma_start3A_67] : memref<640x128xf32, #tpu.memory_space<vmem>> -> memref<128x128xf32, #tpu.memory_space<vmem>>
      %dma_start3A_69 = arith.constant 0 : i32
      %dma_start3A_70 = tpu.memref_slice %arg5[%add3A_65, %dma_start3A_69] : memref<10x128xi32, #tpu.memory_space<vmem>> -> memref<1x128xi32, #tpu.memory_space<vmem>>
      %dma_start3A_71 = tpu.memref_squeeze %dma_start3A_70 : memref<1x128xi32, #tpu.memory_space<vmem>> -> memref<128xi32, #tpu.memory_space<vmem>>
      %dma_start3A_72 = arith.constant 0 : i32
      %dma_start3A_73 = arith.constant 0 : i32
      %dma_start3A_74 = tpu.memref_slice %arg3[%dma_start3A_72, %dma_start3A_73] : memref<1000x128xf32, #tpu.memory_space<hbm>> -> memref<1000x128xf32, #tpu.memory_space<hbm>>
      tpu.enqueue_indirect_dma source(%dma_start3A_74 : memref<1000x128xf32, #tpu.memory_space<hbm>>) target(%dma_start3A_68 : memref<128x128xf32, #tpu.memory_space<vmem>>) offsets(%dma_start3A_71 : memref<128xi32, #tpu.memory_space<vmem>>) semaphore(%arg7 : memref<!tpu.dma_semaphore, #tpu.memory_space<semaphore_mem>>)
      %dma_wait3A = arith.constant 0 : i32
      %dma_wait3A_75 = arith.constant 0 : i32
      %dma_wait3A_76 = tpu.memref_slice %arg6[%dma_wait3A, %dma_wait3A_75] : memref<640x128xf32, #tpu.memory_space<vmem>> -> memref<128x128xf32, #tpu.memory_space<vmem>>
      %dma_wait3A_77 = arith.constant 0 : i32
      %dma_wait3A_78 = tpu.memref_slice %arg5[%add3A_14, %dma_wait3A_77] : memref<10x128xi32, #tpu.memory_space<vmem>> -> memref<1x128xi32, #tpu.memory_space<vmem>>
      %dma_wait3A_79 = tpu.memref_squeeze %dma_wait3A_78 : memref<1x128xi32, #tpu.memory_space<vmem>> -> memref<128xi32, #tpu.memory_space<vmem>>
      %dma_wait3A_80 = arith.constant 0 : i32
      %dma_wait3A_81 = arith.constant 0 : i32
      %dma_wait3A_82 = tpu.memref_slice %arg3[%dma_wait3A_80, %dma_wait3A_81] : memref<1000x128xf32, #tpu.memory_space<hbm>> -> memref<1000x128xf32, #tpu.memory_space<hbm>>
      tpu.wait_indirect_dma semaphore(%arg7 : memref<!tpu.dma_semaphore, #tpu.memory_space<semaphore_mem>>) src(%dma_wait3A_82 : memref<1000x128xf32, #tpu.memory_space<hbm>>) dst(%dma_wait3A_76 : memref<128x128xf32, #tpu.memory_space<vmem>>)
      %dma_wait3A_83 = arith.constant 128 : i32
      %dma_wait3A_84 = arith.constant 0 : i32
      %dma_wait3A_85 = tpu.memref_slice %arg6[%dma_wait3A_83, %dma_wait3A_84] : memref<640x128xf32, #tpu.memory_space<vmem>> -> memref<128x128xf32, #tpu.memory_space<vmem>>
      %dma_wait3A_86 = arith.constant 0 : i32
      %dma_wait3A_87 = tpu.memref_slice %arg5[%add3A_26, %dma_wait3A_86] : memref<10x128xi32, #tpu.memory_space<vmem>> -> memref<1x128xi32, #tpu.memory_space<vmem>>
      %dma_wait3A_88 = tpu.memref_squeeze %dma_wait3A_87 : memref<1x128xi32, #tpu.memory_space<vmem>> -> memref<128xi32, #tpu.memory_space<vmem>>
      %dma_wait3A_89 = arith.constant 0 : i32
      %dma_wait3A_90 = arith.constant 0 : i32
      %dma_wait3A_91 = tpu.memref_slice %arg3[%dma_wait3A_89, %dma_wait3A_90] : memref<1000x128xf32, #tpu.memory_space<hbm>> -> memref<1000x128xf32, #tpu.memory_space<hbm>>
      tpu.wait_indirect_dma semaphore(%arg7 : memref<!tpu.dma_semaphore, #tpu.memory_space<semaphore_mem>>) src(%dma_wait3A_91 : memref<1000x128xf32, #tpu.memory_space<hbm>>) dst(%dma_wait3A_85 : memref<128x128xf32, #tpu.memory_space<vmem>>)
      %dma_wait3A_92 = arith.constant 256 : i32
      %dma_wait3A_93 = arith.constant 0 : i32
      %dma_wait3A_94 = tpu.memref_slice %arg6[%dma_wait3A_92, %dma_wait3A_93] : memref<640x128xf32, #tpu.memory_space<vmem>> -> memref<128x128xf32, #tpu.memory_space<vmem>>
      %dma_wait3A_95 = arith.constant 0 : i32
      %dma_wait3A_96 = tpu.memref_slice %arg5[%add3A_39, %dma_wait3A_95] : memref<10x128xi32, #tpu.memory_space<vmem>> -> memref<1x128xi32, #tpu.memory_space<vmem>>
      %dma_wait3A_97 = tpu.memref_squeeze %dma_wait3A_96 : memref<1x128xi32, #tpu.memory_space<vmem>> -> memref<128xi32, #tpu.memory_space<vmem>>
      %dma_wait3A_98 = arith.constant 0 : i32
      %dma_wait3A_99 = arith.constant 0 : i32
      %dma_wait3A_100 = tpu.memref_slice %arg3[%dma_wait3A_98, %dma_wait3A_99] : memref<1000x128xf32, #tpu.memory_space<hbm>> -> memref<1000x128xf32, #tpu.memory_space<hbm>>
      tpu.wait_indirect_dma semaphore(%arg7 : memref<!tpu.dma_semaphore, #tpu.memory_space<semaphore_mem>>) src(%dma_wait3A_100 : memref<1000x128xf32, #tpu.memory_space<hbm>>) dst(%dma_wait3A_94 : memref<128x128xf32, #tpu.memory_space<vmem>>)
      %dma_wait3A_101 = arith.constant 384 : i32
      %dma_wait3A_102 = arith.constant 0 : i32
      %dma_wait3A_103 = tpu.memref_slice %arg6[%dma_wait3A_101, %dma_wait3A_102] : memref<640x128xf32, #tpu.memory_space<vmem>> -> memref<128x128xf32, #tpu.memory_space<vmem>>
      %dma_wait3A_104 = arith.constant 0 : i32
      %dma_wait3A_105 = tpu.memref_slice %arg5[%add3A_52, %dma_wait3A_104] : memref<10x128xi32, #tpu.memory_space<vmem>> -> memref<1x128xi32, #tpu.memory_space<vmem>>
      %dma_wait3A_106 = tpu.memref_squeeze %dma_wait3A_105 : memref<1x128xi32, #tpu.memory_space<vmem>> -> memref<128xi32, #tpu.memory_space<vmem>>
      %dma_wait3A_107 = arith.constant 0 : i32
      %dma_wait3A_108 = arith.constant 0 : i32
      %dma_wait3A_109 = tpu.memref_slice %arg3[%dma_wait3A_107, %dma_wait3A_108] : memref<1000x128xf32, #tpu.memory_space<hbm>> -> memref<1000x128xf32, #tpu.memory_space<hbm>>
      tpu.wait_indirect_dma semaphore(%arg7 : memref<!tpu.dma_semaphore, #tpu.memory_space<semaphore_mem>>) src(%dma_wait3A_109 : memref<1000x128xf32, #tpu.memory_space<hbm>>) dst(%dma_wait3A_103 : memref<128x128xf32, #tpu.memory_space<vmem>>)
      %dma_wait3A_110 = arith.constant 512 : i32
      %dma_wait3A_111 = arith.constant 0 : i32
      %dma_wait3A_112 = tpu.memref_slice %arg6[%dma_wait3A_110, %dma_wait3A_111] : memref<640x128xf32, #tpu.memory_space<vmem>> -> memref<128x128xf32, #tpu.memory_space<vmem>>
      %dma_wait3A_113 = arith.constant 0 : i32
      %dma_wait3A_114 = tpu.memref_slice %arg5[%add3A_65, %dma_wait3A_113] : memref<10x128xi32, #tpu.memory_space<vmem>> -> memref<1x128xi32, #tpu.memory_space<vmem>>
      %dma_wait3A_115 = tpu.memref_squeeze %dma_wait3A_114 : memref<1x128xi32, #tpu.memory_space<vmem>> -> memref<128xi32, #tpu.memory_space<vmem>>
      %dma_wait3A_116 = arith.constant 0 : i32
      %dma_wait3A_117 = arith.constant 0 : i32
      %dma_wait3A_118 = tpu.memref_slice %arg3[%dma_wait3A_116, %dma_wait3A_117] : memref<1000x128xf32, #tpu.memory_space<hbm>> -> memref<1000x128xf32, #tpu.memory_space<hbm>>
      tpu.wait_indirect_dma semaphore(%arg7 : memref<!tpu.dma_semaphore, #tpu.memory_space<semaphore_mem>>) src(%dma_wait3A_118 : memref<1000x128xf32, #tpu.memory_space<hbm>>) dst(%dma_wait3A_112 : memref<128x128xf32, #tpu.memory_space<vmem>>)
      %mul3A_119 = arith.constant 640 : i32
      %mul3A_120 = arith.muli %scan3A_10, %mul3A_119 : i32
      %add3A_121 = arith.addi %mul3A_2, %mul3A_120 : i32
      %multiple_of3A = tpu.assume_multiple %add3A_121, 8 : i32
      "tpu.region"() ({
        %run_scoped3A = tpu.sem_alloc : memref<!tpu.dma_semaphore, #tpu.memory_space<semaphore_mem>>
        %dma_start3A_122 = arith.constant 0 : i32
        %dma_start3A_123 = tpu.memref_slice %arg4[%multiple_of3A, %dma_start3A_122] : memref<40960x128xf32, #tpu.memory_space<hbm>> -> memref<640x128xf32, #tpu.memory_space<hbm>>
        %dma_start3A_124 = arith.constant 0 : i32
        %dma_start3A_125 = tpu.memref_slice %arg4[%multiple_of3A, %dma_start3A_124] : memref<40960x128xf32, #tpu.memory_space<hbm>> -> memref<640x128xf32, #tpu.memory_space<hbm>>
        tpu.enqueue_dma source(%arg6 : memref<640x128xf32, #tpu.memory_space<vmem>>) target(%dma_start3A_125 : memref<640x128xf32, #tpu.memory_space<hbm>>) target_semaphore(%run_scoped3A : memref<!tpu.dma_semaphore, #tpu.memory_space<semaphore_mem>>)
        %dma_wait3A_126 = arith.constant 0 : i32
        %dma_wait3A_127 = tpu.memref_slice %arg4[%multiple_of3A, %dma_wait3A_126] : memref<40960x128xf32, #tpu.memory_space<hbm>> -> memref<640x128xf32, #tpu.memory_space<hbm>>
        %dma_wait3A_128 = arith.constant 0 : i32
        %dma_wait3A_129 = tpu.memref_slice %arg4[%multiple_of3A, %dma_wait3A_128] : memref<40960x128xf32, #tpu.memory_space<hbm>> -> memref<640x128xf32, #tpu.memory_space<hbm>>
        tpu.wait_dma2 semaphore(%run_scoped3A : memref<!tpu.dma_semaphore, #tpu.memory_space<semaphore_mem>>) src(%arg6 : memref<640x128xf32, #tpu.memory_space<vmem>>) dst(%dma_wait3A_129 : memref<640x128xf32, #tpu.memory_space<hbm>>)
        tpu.yield
      }) : () -> ()
    }
    %scan3A_9 = arith.constant 2 : i32
    return
  }
}

module attributes {stable_mosaic.version = 14 : i64} {
  func.func @body(%arg0: memref<1000x64xf32, #tpu.memory_space<vmem>>, %arg1: memref<64x16xf32, #tpu.memory_space<vmem>>, %arg2: memref<1x64xf32, #tpu.memory_space<vmem>>, %arg3: memref<128x128xf32, #tpu.memory_space<vmem>>, %arg4: memref<1x128xf32, #tpu.memory_space<vmem>>, %arg5: memref<1000x128xf32, #tpu.memory_space<vmem>>, %arg6: memref<16x128xf32, #tpu.memory_space<vmem>>, %arg7: memref<1x128xf32, #tpu.memory_space<vmem>>) attributes {dimension_semantics = [], scalar_prefetch = 0 : i64, scratch_operands = 0 : i64, tpu.core_type = #tpu.core_type<tc>} {
    %get3A = arith.constant 0 : index
    %get3A_0 = arith.constant 0 : index
    %get3A_1 = vector.load %arg3[%get3A, %get3A_0] : memref<128x128xf32, #tpu.memory_space<vmem>>, vector<128x128xf32>
    %slice3A = vector.extract_strided_slice %get3A_1 {offsets = [0, 0], sizes = [128, 64], strides = [1, 1]} : vector<128x128xf32> to vector<128x64xf32>
    %slice3A_2 = vector.extract_strided_slice %get3A_1 {offsets = [0, 64], sizes = [128, 64], strides = [1, 1]} : vector<128x128xf32> to vector<128x64xf32>
    %get3A_3 = arith.constant 0 : index
    %get3A_4 = arith.constant 0 : index
    %get3A_5 = vector.load %arg2[%get3A_3, %get3A_4] : memref<1x64xf32, #tpu.memory_space<vmem>>, vector<1x64xf32>
    %dot_general3A = arith.constant dense<0.000000e+00> : vector<1x128xf32>
    %dot_general3A_6 = tpu.matmul %get3A_5, %slice3A_2, %dot_general3A {dimension_numbers = #tpu.dot_dimension_numbers<[1], [1], [0], [0], [0, 0, 1, 0], [], []>, transpose_lhs_hint = false} : vector<1x64xf32>, vector<128x64xf32>, vector<1x128xf32> -> vector<1x128xf32>
    %get3A_7 = arith.constant 0 : index
    %get3A_8 = arith.constant 0 : index
    %get3A_9 = vector.load %arg4[%get3A_7, %get3A_8] : memref<1x128xf32, #tpu.memory_space<vmem>>, vector<1x128xf32>
    %add3A = arith.addf %dot_general3A_6, %get3A_9 : vector<1x128xf32>
    %swap3A = arith.constant 0 : index
    %swap3A_10 = arith.constant 0 : index
    %swap3A_11 = vector.load %arg7[%swap3A, %swap3A_10] : memref<1x128xf32, #tpu.memory_space<vmem>>, vector<1x128xf32>
    tpu.vector_store %arg7[%swap3A, %swap3A_10], %add3A {strides = array<i32>} : memref<1x128xf32, #tpu.memory_space<vmem>>, vector<1x128xf32>,
    %get3A_12 = arith.constant 0 : index
    %get3A_13 = arith.constant 0 : index
    %get3A_14 = vector.load %arg0[%get3A_12, %get3A_13] : memref<1000x64xf32, #tpu.memory_space<vmem>>, vector<1000x64xf32>
    %dot_general3A_15 = arith.constant dense<0.000000e+00> : vector<1000x128xf32>
    %dot_general3A_16 = tpu.matmul %get3A_14, %slice3A, %dot_general3A_15 {dimension_numbers = #tpu.dot_dimension_numbers<[1], [1], [0], [0], [0, 0, 1, 0], [], []>, transpose_lhs_hint = false} : vector<1000x64xf32>, vector<128x64xf32>, vector<1000x128xf32> -> vector<1000x128xf32>
    %swap3A_17 = arith.constant 0 : index
    %swap3A_18 = arith.constant 0 : index
    %swap3A_19 = vector.load %arg5[%swap3A_17, %swap3A_18] : memref<1000x128xf32, #tpu.memory_space<vmem>>, vector<1000x128xf32>
    tpu.vector_store %arg5[%swap3A_17, %swap3A_18], %dot_general3A_16 {strides = array<i32>} : memref<1000x128xf32, #tpu.memory_space<vmem>>, vector<1000x128xf32>,
    %get3A_20 = arith.constant 0 : index
    %get3A_21 = arith.constant 0 : index
    %get3A_22 = vector.load %arg1[%get3A_20, %get3A_21] : memref<64x16xf32, #tpu.memory_space<vmem>>, vector<64x16xf32>
    %dot_general3A_23 = arith.constant dense<0.000000e+00> : vector<16x128xf32>
    %dot_general3A_24 = tpu.matmul %get3A_22, %slice3A_2, %dot_general3A_23 {dimension_numbers = #tpu.dot_dimension_numbers<[0], [1], [1], [0], [0, 1, 1, 0], [], []>, transpose_lhs_hint = false} : vector<64x16xf32>, vector<128x64xf32>, vector<16x128xf32> -> vector<16x128xf32>
    %swap3A_25 = arith.constant 0 : index
    %swap3A_26 = arith.constant 0 : index
    %swap3A_27 = vector.load %arg6[%swap3A_25, %swap3A_26] : memref<16x128xf32, #tpu.memory_space<vmem>>, vector<16x128xf32>
    tpu.vector_store %arg6[%swap3A_25, %swap3A_26], %dot_general3A_24 {strides = array<i32>} : memref<16x128xf32, #tpu.memory_space<vmem>>, vector<16x128xf32>,
    return
  }
}

module attributes {stable_mosaic.version = 14 : i64} {
  func.func @body(%arg0: i32, %arg1: memref<10240x128xf32, #tpu.memory_space<vmem>>, %arg2: memref<10240x16xf32, #tpu.memory_space<vmem>>, %arg3: memref<16x128xf32, #tpu.memory_space<vmem>>, %arg4: memref<1x128xf32, #tpu.memory_space<vmem>>, %arg5: memref<10240x128xf32, #tpu.memory_space<vmem>>) attributes {dimension_semantics = [#tpu.dimension_semantics<arbitrary>], iteration_bounds = array<i64: 4>, scalar_prefetch = 0 : i64, scratch_operands = 0 : i64, tpu.core_type = #tpu.core_type<tc>, window_params = [{transform_indices = @transform_0, window_bounds = array<i64: 10240, 128>}, {transform_indices = @transform_1, window_bounds = array<i64: 10240, 16>}, {pipeline_mode = #tpu.pipeline_mode<synchronous>, transform_indices = @transform_2, window_bounds = array<i64: 16, 128>}, {pipeline_mode = #tpu.pipeline_mode<synchronous>, transform_indices = @transform_3, window_bounds = array<i64: 1, 128>}, {transform_indices = @transform_4, window_bounds = array<i64: 10240, 128>}]} {
    %get3A = arith.constant 0 : index
    %get3A_0 = arith.constant 0 : index
    %get3A_1 = vector.load %arg2[%get3A, %get3A_0] : memref<10240x16xf32, #tpu.memory_space<vmem>>, vector<10240x16xf32>
    %get3A_2 = arith.constant 0 : index
    %get3A_3 = arith.constant 0 : index
    %get3A_4 = vector.load %arg3[%get3A_2, %get3A_3] : memref<16x128xf32, #tpu.memory_space<vmem>>, vector<16x128xf32>
    %dot_general3A = arith.constant dense<0.000000e+00> : vector<10240x128xf32>
    %dot_general3A_5 = tpu.matmul %get3A_1, %get3A_4, %dot_general3A {dimension_numbers = #tpu.dot_dimension_numbers<[1], [0], [0], [1], [0, 0, 1, 1], [], []>, transpose_lhs_hint = false} : vector<10240x16xf32>, vector<16x128xf32>, vector<10240x128xf32> -> vector<10240x128xf32>
    %get3A_6 = arith.constant 0 : index
    %get3A_7 = arith.constant 0 : index
    %get3A_8 = vector.load %arg1[%get3A_6, %get3A_7] : memref<10240x128xf32, #tpu.memory_space<vmem>>, vector<10240x128xf32>
    %add3A = arith.addf %get3A_8, %dot_general3A_5 : vector<10240x128xf32>
    %get3A_9 = arith.constant 0 : index
    %get3A_10 = arith.constant 0 : index
    %get3A_11 = vector.load %arg4[%get3A_9, %get3A_10] : memref<1x128xf32, #tpu.memory_space<vmem>>, vector<1x128xf32>
    %add3A_12 = vector.broadcast %get3A_11 : vector<1x128xf32> to vector<10240x128xf32>
    %add3A_13 = arith.addf %add3A, %add3A_12 : vector<10240x128xf32>
    %swap3A = arith.constant 0 : index
    %swap3A_14 = arith.constant 0 : index
    %swap3A_15 = vector.load %arg5[%swap3A, %swap3A_14] : memref<10240x128xf32, #tpu.memory_space<vmem>>, vector<10240x128xf32>
    tpu.vector_store %arg5[%swap3A, %swap3A_14], %add3A_13 {strides = array<i32>} : memref<10240x128xf32, #tpu.memory_space<vmem>>, vector<10240x128xf32>,
    return
  }
  func.func @transform_0(%arg0: i32) -> (i32, i32) {
    %c0_i32 = arith.constant 0 : i32
    %c0_i32_0 = arith.constant 0 : i32
    return %arg0, %c0_i32 : i32, i32
  }
  func.func @transform_1(%arg0: i32) -> (i32, i32) {
    %add3A = arith.constant 0 : i32
    %add3A_0 = arith.addi %add3A, %arg0 : i32
    %c0_i32 = arith.constant 0 : i32
    %c0_i32_1 = arith.constant 0 : i32
    return %add3A_0, %c0_i32 : i32, i32
  }
  func.func @transform_2(%arg0: i32) -> (i32, i32) {
    %c0_i32 = arith.constant 0 : i32
    %c0_i32_0 = arith.constant 0 : i32
    %c0_i32_1 = arith.constant 0 : i32
    return %c0_i32, %c0_i32_0 : i32, i32
  }
  func.func @transform_3(%arg0: i32) -> (i32, i32) {
    %c0_i32 = arith.constant 0 : i32
    %c0_i32_0 = arith.constant 0 : i32
    %c0_i32_1 = arith.constant 0 : i32
    return %c0_i32, %c0_i32_0 : i32, i32
  }
  func.func @transform_4(%arg0: i32) -> (i32, i32) {
    %add3A = arith.constant 0 : i32
    %add3A_0 = arith.addi %add3A, %arg0 : i32
    %c0_i32 = arith.constant 0 : i32
    %c0_i32_1 = arith.constant 0 : i32
    return %add3A_0, %c0_i32 : i32, i32
  }
}

module attributes {stable_mosaic.version = 14 : i64} {
  func.func @body(%arg0: i32, %arg1: memref<10240x128xf32, #tpu.memory_space<vmem>>, %arg2: memref<10240x16xf32, #tpu.memory_space<vmem>>, %arg3: memref<16x128xf32, #tpu.memory_space<vmem>>, %arg4: memref<1x128xf32, #tpu.memory_space<vmem>>, %arg5: memref<204800x128xf32, #tpu.memory_space<any>>, %arg6: memref<10240x128xf32, #tpu.memory_space<vmem>>) attributes {dimension_semantics = [#tpu.dimension_semantics<arbitrary>], iteration_bounds = array<i64: 4>, scalar_prefetch = 0 : i64, scratch_operands = 0 : i64, tpu.core_type = #tpu.core_type<tc>, window_params = [{transform_indices = @transform_0, window_bounds = array<i64: 10240, 128>}, {transform_indices = @transform_1, window_bounds = array<i64: 10240, 16>}, {pipeline_mode = #tpu.pipeline_mode<synchronous>, transform_indices = @transform_2, window_bounds = array<i64: 16, 128>}, {pipeline_mode = #tpu.pipeline_mode<synchronous>, transform_indices = @transform_3, window_bounds = array<i64: 1, 128>}, {}, {transform_indices = @transform_5, window_bounds = array<i64: 10240, 128>}]} {
    %get3A = arith.constant 0 : index
    %get3A_0 = arith.constant 0 : index
    %get3A_1 = vector.load %arg2[%get3A, %get3A_0] : memref<10240x16xf32, #tpu.memory_space<vmem>>, vector<10240x16xf32>
    %get3A_2 = arith.constant 0 : index
    %get3A_3 = arith.constant 0 : index
    %get3A_4 = vector.load %arg3[%get3A_2, %get3A_3] : memref<16x128xf32, #tpu.memory_space<vmem>>, vector<16x128xf32>
    %dot_general3A = arith.constant dense<0.000000e+00> : vector<10240x128xf32>
    %dot_general3A_5 = tpu.matmul %get3A_1, %get3A_4, %dot_general3A {dimension_numbers = #tpu.dot_dimension_numbers<[1], [0], [0], [1], [0, 0, 1, 1], [], []>, transpose_lhs_hint = false} : vector<10240x16xf32>, vector<16x128xf32>, vector<10240x128xf32> -> vector<10240x128xf32>
    %get3A_6 = arith.constant 0 : index
    %get3A_7 = arith.constant 0 : index
    %get3A_8 = vector.load %arg1[%get3A_6, %get3A_7] : memref<10240x128xf32, #tpu.memory_space<vmem>>, vector<10240x128xf32>
    %add3A = arith.addf %get3A_8, %dot_general3A_5 : vector<10240x128xf32>
    %get3A_9 = arith.constant 0 : index
    %get3A_10 = arith.constant 0 : index
    %get3A_11 = vector.load %arg4[%get3A_9, %get3A_10] : memref<1x128xf32, #tpu.memory_space<vmem>>, vector<1x128xf32>
    %add3A_12 = vector.broadcast %get3A_11 : vector<1x128xf32> to vector<10240x128xf32>
    %add3A_13 = arith.addf %add3A, %add3A_12 : vector<10240x128xf32>
    %swap3A = arith.constant 0 : index
    %swap3A_14 = arith.constant 0 : index
    %swap3A_15 = vector.load %arg6[%swap3A, %swap3A_14] : memref<10240x128xf32, #tpu.memory_space<vmem>>, vector<10240x128xf32>
    tpu.vector_store %arg6[%swap3A, %swap3A_14], %add3A_13 {strides = array<i32>} : memref<10240x128xf32, #tpu.memory_space<vmem>>, vector<10240x128xf32>,
    return
  }
  func.func @transform_0(%arg0: i32) -> (i32, i32) {
    %c0_i32 = arith.constant 0 : i32
    %c0_i32_0 = arith.constant 0 : i32
    return %arg0, %c0_i32 : i32, i32
  }
  func.func @transform_1(%arg0: i32) -> (i32, i32) {
    %add3A = arith.constant 4 : i32
    %add3A_0 = arith.addi %add3A, %arg0 : i32
    %c0_i32 = arith.constant 0 : i32
    %c0_i32_1 = arith.constant 0 : i32
    return %add3A_0, %c0_i32 : i32, i32
  }
  func.func @transform_2(%arg0: i32) -> (i32, i32) {
    %c0_i32 = arith.constant 0 : i32
    %c0_i32_0 = arith.constant 0 : i32
    %c0_i32_1 = arith.constant 0 : i32
    return %c0_i32, %c0_i32_0 : i32, i32
  }
  func.func @transform_3(%arg0: i32) -> (i32, i32) {
    %c0_i32 = arith.constant 0 : i32
    %c0_i32_0 = arith.constant 0 : i32
    %c0_i32_1 = arith.constant 0 : i32
    return %c0_i32, %c0_i32_0 : i32, i32
  }
  func.func @transform_5(%arg0: i32) -> (i32, i32) {
    %add3A = arith.constant 4 : i32
    %add3A_0 = arith.addi %add3A, %arg0 : i32
    %c0_i32 = arith.constant 0 : i32
    %c0_i32_1 = arith.constant 0 : i32
    return %add3A_0, %c0_i32 : i32, i32
  }
}

module attributes {stable_mosaic.version = 14 : i64} {
  func.func @body(%arg0: i32, %arg1: memref<10240x128xf32, #tpu.memory_space<vmem>>, %arg2: memref<10240x16xf32, #tpu.memory_space<vmem>>, %arg3: memref<16x128xf32, #tpu.memory_space<vmem>>, %arg4: memref<1x128xf32, #tpu.memory_space<vmem>>, %arg5: memref<204800x128xf32, #tpu.memory_space<any>>, %arg6: memref<10240x128xf32, #tpu.memory_space<vmem>>) attributes {dimension_semantics = [#tpu.dimension_semantics<arbitrary>], iteration_bounds = array<i64: 4>, scalar_prefetch = 0 : i64, scratch_operands = 0 : i64, tpu.core_type = #tpu.core_type<tc>, window_params = [{transform_indices = @transform_0, window_bounds = array<i64: 10240, 128>}, {transform_indices = @transform_1, window_bounds = array<i64: 10240, 16>}, {pipeline_mode = #tpu.pipeline_mode<synchronous>, transform_indices = @transform_2, window_bounds = array<i64: 16, 128>}, {pipeline_mode = #tpu.pipeline_mode<synchronous>, transform_indices = @transform_3, window_bounds = array<i64: 1, 128>}, {}, {transform_indices = @transform_5, window_bounds = array<i64: 10240, 128>}]} {
    %get3A = arith.constant 0 : index
    %get3A_0 = arith.constant 0 : index
    %get3A_1 = vector.load %arg2[%get3A, %get3A_0] : memref<10240x16xf32, #tpu.memory_space<vmem>>, vector<10240x16xf32>
    %get3A_2 = arith.constant 0 : index
    %get3A_3 = arith.constant 0 : index
    %get3A_4 = vector.load %arg3[%get3A_2, %get3A_3] : memref<16x128xf32, #tpu.memory_space<vmem>>, vector<16x128xf32>
    %dot_general3A = arith.constant dense<0.000000e+00> : vector<10240x128xf32>
    %dot_general3A_5 = tpu.matmul %get3A_1, %get3A_4, %dot_general3A {dimension_numbers = #tpu.dot_dimension_numbers<[1], [0], [0], [1], [0, 0, 1, 1], [], []>, transpose_lhs_hint = false} : vector<10240x16xf32>, vector<16x128xf32>, vector<10240x128xf32> -> vector<10240x128xf32>
    %get3A_6 = arith.constant 0 : index
    %get3A_7 = arith.constant 0 : index
    %get3A_8 = vector.load %arg1[%get3A_6, %get3A_7] : memref<10240x128xf32, #tpu.memory_space<vmem>>, vector<10240x128xf32>
    %add3A = arith.addf %get3A_8, %dot_general3A_5 : vector<10240x128xf32>
    %get3A_9 = arith.constant 0 : index
    %get3A_10 = arith.constant 0 : index
    %get3A_11 = vector.load %arg4[%get3A_9, %get3A_10] : memref<1x128xf32, #tpu.memory_space<vmem>>, vector<1x128xf32>
    %add3A_12 = vector.broadcast %get3A_11 : vector<1x128xf32> to vector<10240x128xf32>
    %add3A_13 = arith.addf %add3A, %add3A_12 : vector<10240x128xf32>
    %swap3A = arith.constant 0 : index
    %swap3A_14 = arith.constant 0 : index
    %swap3A_15 = vector.load %arg6[%swap3A, %swap3A_14] : memref<10240x128xf32, #tpu.memory_space<vmem>>, vector<10240x128xf32>
    tpu.vector_store %arg6[%swap3A, %swap3A_14], %add3A_13 {strides = array<i32>} : memref<10240x128xf32, #tpu.memory_space<vmem>>, vector<10240x128xf32>,
    return
  }
  func.func @transform_0(%arg0: i32) -> (i32, i32) {
    %c0_i32 = arith.constant 0 : i32
    %c0_i32_0 = arith.constant 0 : i32
    return %arg0, %c0_i32 : i32, i32
  }
  func.func @transform_1(%arg0: i32) -> (i32, i32) {
    %add3A = arith.constant 8 : i32
    %add3A_0 = arith.addi %add3A, %arg0 : i32
    %c0_i32 = arith.constant 0 : i32
    %c0_i32_1 = arith.constant 0 : i32
    return %add3A_0, %c0_i32 : i32, i32
  }
  func.func @transform_2(%arg0: i32) -> (i32, i32) {
    %c0_i32 = arith.constant 0 : i32
    %c0_i32_0 = arith.constant 0 : i32
    %c0_i32_1 = arith.constant 0 : i32
    return %c0_i32, %c0_i32_0 : i32, i32
  }
  func.func @transform_3(%arg0: i32) -> (i32, i32) {
    %c0_i32 = arith.constant 0 : i32
    %c0_i32_0 = arith.constant 0 : i32
    %c0_i32_1 = arith.constant 0 : i32
    return %c0_i32, %c0_i32_0 : i32, i32
  }
  func.func @transform_5(%arg0: i32) -> (i32, i32) {
    %add3A = arith.constant 8 : i32
    %add3A_0 = arith.addi %add3A, %arg0 : i32
    %c0_i32 = arith.constant 0 : i32
    %c0_i32_1 = arith.constant 0 : i32
    return %add3A_0, %c0_i32 : i32, i32
  }
}

module attributes {stable_mosaic.version = 14 : i64} {
  func.func @body(%arg0: i32, %arg1: memref<10240x128xf32, #tpu.memory_space<vmem>>, %arg2: memref<10240x16xf32, #tpu.memory_space<vmem>>, %arg3: memref<16x128xf32, #tpu.memory_space<vmem>>, %arg4: memref<1x128xf32, #tpu.memory_space<vmem>>, %arg5: memref<204800x128xf32, #tpu.memory_space<any>>, %arg6: memref<10240x128xf32, #tpu.memory_space<vmem>>) attributes {dimension_semantics = [#tpu.dimension_semantics<arbitrary>], iteration_bounds = array<i64: 4>, scalar_prefetch = 0 : i64, scratch_operands = 0 : i64, tpu.core_type = #tpu.core_type<tc>, window_params = [{transform_indices = @transform_0, window_bounds = array<i64: 10240, 128>}, {transform_indices = @transform_1, window_bounds = array<i64: 10240, 16>}, {pipeline_mode = #tpu.pipeline_mode<synchronous>, transform_indices = @transform_2, window_bounds = array<i64: 16, 128>}, {pipeline_mode = #tpu.pipeline_mode<synchronous>, transform_indices = @transform_3, window_bounds = array<i64: 1, 128>}, {}, {transform_indices = @transform_5, window_bounds = array<i64: 10240, 128>}]} {
    %get3A = arith.constant 0 : index
    %get3A_0 = arith.constant 0 : index
    %get3A_1 = vector.load %arg2[%get3A, %get3A_0] : memref<10240x16xf32, #tpu.memory_space<vmem>>, vector<10240x16xf32>
    %get3A_2 = arith.constant 0 : index
    %get3A_3 = arith.constant 0 : index
    %get3A_4 = vector.load %arg3[%get3A_2, %get3A_3] : memref<16x128xf32, #tpu.memory_space<vmem>>, vector<16x128xf32>
    %dot_general3A = arith.constant dense<0.000000e+00> : vector<10240x128xf32>
    %dot_general3A_5 = tpu.matmul %get3A_1, %get3A_4, %dot_general3A {dimension_numbers = #tpu.dot_dimension_numbers<[1], [0], [0], [1], [0, 0, 1, 1], [], []>, transpose_lhs_hint = false} : vector<10240x16xf32>, vector<16x128xf32>, vector<10240x128xf32> -> vector<10240x128xf32>
    %get3A_6 = arith.constant 0 : index
    %get3A_7 = arith.constant 0 : index
    %get3A_8 = vector.load %arg1[%get3A_6, %get3A_7] : memref<10240x128xf32, #tpu.memory_space<vmem>>, vector<10240x128xf32>
    %add3A = arith.addf %get3A_8, %dot_general3A_5 : vector<10240x128xf32>
    %get3A_9 = arith.constant 0 : index
    %get3A_10 = arith.constant 0 : index
    %get3A_11 = vector.load %arg4[%get3A_9, %get3A_10] : memref<1x128xf32, #tpu.memory_space<vmem>>, vector<1x128xf32>
    %add3A_12 = vector.broadcast %get3A_11 : vector<1x128xf32> to vector<10240x128xf32>
    %add3A_13 = arith.addf %add3A, %add3A_12 : vector<10240x128xf32>
    %swap3A = arith.constant 0 : index
    %swap3A_14 = arith.constant 0 : index
    %swap3A_15 = vector.load %arg6[%swap3A, %swap3A_14] : memref<10240x128xf32, #tpu.memory_space<vmem>>, vector<10240x128xf32>
    tpu.vector_store %arg6[%swap3A, %swap3A_14], %add3A_13 {strides = array<i32>} : memref<10240x128xf32, #tpu.memory_space<vmem>>, vector<10240x128xf32>,
    return
  }
  func.func @transform_0(%arg0: i32) -> (i32, i32) {
    %c0_i32 = arith.constant 0 : i32
    %c0_i32_0 = arith.constant 0 : i32
    return %arg0, %c0_i32 : i32, i32
  }
  func.func @transform_1(%arg0: i32) -> (i32, i32) {
    %add3A = arith.constant 12 : i32
    %add3A_0 = arith.addi %add3A, %arg0 : i32
    %c0_i32 = arith.constant 0 : i32
    %c0_i32_1 = arith.constant 0 : i32
    return %add3A_0, %c0_i32 : i32, i32
  }
  func.func @transform_2(%arg0: i32) -> (i32, i32) {
    %c0_i32 = arith.constant 0 : i32
    %c0_i32_0 = arith.constant 0 : i32
    %c0_i32_1 = arith.constant 0 : i32
    return %c0_i32, %c0_i32_0 : i32, i32
  }
  func.func @transform_3(%arg0: i32) -> (i32, i32) {
    %c0_i32 = arith.constant 0 : i32
    %c0_i32_0 = arith.constant 0 : i32
    %c0_i32_1 = arith.constant 0 : i32
    return %c0_i32, %c0_i32_0 : i32, i32
  }
  func.func @transform_5(%arg0: i32) -> (i32, i32) {
    %add3A = arith.constant 12 : i32
    %add3A_0 = arith.addi %add3A, %arg0 : i32
    %c0_i32 = arith.constant 0 : i32
    %c0_i32_1 = arith.constant 0 : i32
    return %add3A_0, %c0_i32 : i32, i32
  }
}

module attributes {stable_mosaic.version = 14 : i64} {
  func.func @body(%arg0: i32, %arg1: memref<10240x128xf32, #tpu.memory_space<vmem>>, %arg2: memref<10240x16xf32, #tpu.memory_space<vmem>>, %arg3: memref<16x128xf32, #tpu.memory_space<vmem>>, %arg4: memref<1x128xf32, #tpu.memory_space<vmem>>, %arg5: memref<204800x128xf32, #tpu.memory_space<any>>, %arg6: memref<10240x128xf32, #tpu.memory_space<vmem>>) attributes {dimension_semantics = [#tpu.dimension_semantics<arbitrary>], iteration_bounds = array<i64: 4>, scalar_prefetch = 0 : i64, scratch_operands = 0 : i64, tpu.core_type = #tpu.core_type<tc>, window_params = [{transform_indices = @transform_0, window_bounds = array<i64: 10240, 128>}, {transform_indices = @transform_1, window_bounds = array<i64: 10240, 16>}, {pipeline_mode = #tpu.pipeline_mode<synchronous>, transform_indices = @transform_2, window_bounds = array<i64: 16, 128>}, {pipeline_mode = #tpu.pipeline_mode<synchronous>, transform_indices = @transform_3, window_bounds = array<i64: 1, 128>}, {}, {transform_indices = @transform_5, window_bounds = array<i64: 10240, 128>}]} {
    %get3A = arith.constant 0 : index
    %get3A_0 = arith.constant 0 : index
    %get3A_1 = vector.load %arg2[%get3A, %get3A_0] : memref<10240x16xf32, #tpu.memory_space<vmem>>, vector<10240x16xf32>
    %get3A_2 = arith.constant 0 : index
    %get3A_3 = arith.constant 0 : index
    %get3A_4 = vector.load %arg3[%get3A_2, %get3A_3] : memref<16x128xf32, #tpu.memory_space<vmem>>, vector<16x128xf32>
    %dot_general3A = arith.constant dense<0.000000e+00> : vector<10240x128xf32>
    %dot_general3A_5 = tpu.matmul %get3A_1, %get3A_4, %dot_general3A {dimension_numbers = #tpu.dot_dimension_numbers<[1], [0], [0], [1], [0, 0, 1, 1], [], []>, transpose_lhs_hint = false} : vector<10240x16xf32>, vector<16x128xf32>, vector<10240x128xf32> -> vector<10240x128xf32>
    %get3A_6 = arith.constant 0 : index
    %get3A_7 = arith.constant 0 : index
    %get3A_8 = vector.load %arg1[%get3A_6, %get3A_7] : memref<10240x128xf32, #tpu.memory_space<vmem>>, vector<10240x128xf32>
    %add3A = arith.addf %get3A_8, %dot_general3A_5 : vector<10240x128xf32>
    %get3A_9 = arith.constant 0 : index
    %get3A_10 = arith.constant 0 : index
    %get3A_11 = vector.load %arg4[%get3A_9, %get3A_10] : memref<1x128xf32, #tpu.memory_space<vmem>>, vector<1x128xf32>
    %add3A_12 = vector.broadcast %get3A_11 : vector<1x128xf32> to vector<10240x128xf32>
    %add3A_13 = arith.addf %add3A, %add3A_12 : vector<10240x128xf32>
    %swap3A = arith.constant 0 : index
    %swap3A_14 = arith.constant 0 : index
    %swap3A_15 = vector.load %arg6[%swap3A, %swap3A_14] : memref<10240x128xf32, #tpu.memory_space<vmem>>, vector<10240x128xf32>
    tpu.vector_store %arg6[%swap3A, %swap3A_14], %add3A_13 {strides = array<i32>} : memref<10240x128xf32, #tpu.memory_space<vmem>>, vector<10240x128xf32>,
    return
  }
  func.func @transform_0(%arg0: i32) -> (i32, i32) {
    %c0_i32 = arith.constant 0 : i32
    %c0_i32_0 = arith.constant 0 : i32
    return %arg0, %c0_i32 : i32, i32
  }
  func.func @transform_1(%arg0: i32) -> (i32, i32) {
    %add3A = arith.constant 16 : i32
    %add3A_0 = arith.addi %add3A, %arg0 : i32
    %c0_i32 = arith.constant 0 : i32
    %c0_i32_1 = arith.constant 0 : i32
    return %add3A_0, %c0_i32 : i32, i32
  }
  func.func @transform_2(%arg0: i32) -> (i32, i32) {
    %c0_i32 = arith.constant 0 : i32
    %c0_i32_0 = arith.constant 0 : i32
    %c0_i32_1 = arith.constant 0 : i32
    return %c0_i32, %c0_i32_0 : i32, i32
  }
  func.func @transform_3(%arg0: i32) -> (i32, i32) {
    %c0_i32 = arith.constant 0 : i32
    %c0_i32_0 = arith.constant 0 : i32
    %c0_i32_1 = arith.constant 0 : i32
    return %c0_i32, %c0_i32_0 : i32, i32
  }
  func.func @transform_5(%arg0: i32) -> (i32, i32) {
    %add3A = arith.constant 16 : i32
    %add3A_0 = arith.addi %add3A, %arg0 : i32
    %c0_i32 = arith.constant 0 : i32
    %c0_i32_1 = arith.constant 0 : i32
    return %add3A_0, %c0_i32 : i32, i32
  }
}

</mosaic_0001>

<sc_bundles>
// kernel: kernel.13.cloned.1.call-start
scs
__scs_entry_jumppad:
0x0: {  	(pc) =	sbr.rel $0x88, $3  }
0x1: {  	(tag) =	ssettag $0x0;
	lr =	simm.s32 $0x1  }
0x2: {  	[smem:$0x3F9A] =	sst lr;
	_ =	strace $0xD0000000  }
0x3: {  	_ = 	snop  }
0x4: {  	_ = 	snop  }
0x5: {  	_ = 	snop  }
0x6: {  	_ = 	snop  }
0x7: {  	_ = 	snop  }
__scs_overlays_trampoline_lowered:
0x8: {  	[smem:$0x3FA9] =	sst s0  }
0x9: {  	[smem:$0x3FAA] =	sst s1  }
0xa: {  	[smem:$0x3FAB] =	sst s2  }
0xb: {  	[smem:$0x3FAC] =	sst s3  }
0xc: {  	[smem:$0x3FAD] =	sst s4  }
0xd: {  	[smem:$0x3FAE] =	sst s5  }
0xe: {  	[smem:$0x3FAF] =	sst s6  }
0xf: {  	[smem:$0x3FB0] =	sst s7  }
0x10: {  	[smem:$0x3FB1] =	sst s8  }
0x11: {  	[smem:$0x3FB2] =	sst s9;
	s0 =	simm.s32 @!p0 $0x0  }
0x12: {  	s1 =	sld [smem:$0x3F98];
	s0 =	simm.s32 @p0 $0x1  }
0x13: {  	[smem:$0x3FB3] =	sst s0;
	s0 =	simm.s32 @!p1 $0x0  }
0x14: {  	s2 =	sld [smem:$0x3F97];
	s0 =	simm.s32 @p1 $0x1  }
0x15: {  	[smem:$0x3FB4] =	sst s0;
	s0 =	simm.s32 @!p2 $0x0  }
0x16: {  	s3 =	sld [smem:$0x3FDB];
	s0 =	simm.s32 @p2 $0x1  }
0x17: {  	s4 =	simm.s32 $0x1BF5;
	[smem:$0x3FB6] =	sst s0  }
0x18: {  	s0 =	sld [smem:$0x3F99];
	_ =	swait.ge [sflag:s4], $0x0  }
0x19: {  	s7 =	sld [smem:$0x3F9A]  }
0x1a: {  	s8 =	sadd.s32 $0xFFFFE003, lr  }
0x1b: {  	s9 =	sadd.s32 $0xFFFFFEF7, lr;
	s5 =	simm.s32 $0xFFFFFFFF;
	p2 =	slt.u32 s8, $0xFFFFF086  }
0x1c: {  	p1 =	slt.u32 s9, $0xF7A;
	s5 =	simm.s32 @!p2 $0x0  }
0x1d: {  	s5 =	simm.s32 @p1 $0x1;
	p0 =	seq.s32 s7, s2  }
0x1e: {  	s7 =	smul.u32 @!p0 $0xF7A, s2;
	p2 =	seq.s32 @!p0 s5, $0x0  }
0x1f: {  	s9 =	smul.u32 $0xF7A, s1;
	s8 =	simm.s32 @!p0 $0x1BF5;
	p2 =	por !p2, p0  }
0x20: {  	[sflag:s8] =	ssyncset.s32 @!p0 $0xFFFFF086;
	s6 =	sadd.s32 @!p0 s3, s7;
	s7 =	simm.s32 @!p0 $0x108  }
0x21: {  	s3 =	sadd.s32 s3, s9;
	s6 =	sadd.s32 @!p0 $0x88, s6;
	s7 =	simm.s32 @p2 $0x1082  }
0x22: {  	[simem:s7], [sflag:s8] =	dma.local @!p0 [hbm:s6], $0xF7A  }
0x23: {  	s9 =	sor.u32 $0xD0000000, s2;
	s6 =	simm.s32 $0x108;
	_ =	swait.ge @!p0 [sflag:s8], $0x0  }
0x24: {  	s3 =	sadd.s32 $0x88, s3;
	s6 =	simm.s32 @!p1 $0x1082;
	[sflag:s4] =	ssyncset.s32 $0xFFFFF086  }
0x25: {  	[simem:s6], [sflag:s4] =	dma.local [hbm:s3], $0xF7A  }
0x26: {  	[smem:$0x3F9A] =	sst s1;
	(tag) =	ssettag s2;
	_ =	strace s9  }
0x27: {  	s1 =	sld [smem:$0x3FAA]  }
0x28: {  	s2 =	sld [smem:$0x3FAB]  }
0x29: {  	s4 =	sld [smem:$0x3FAD]  }
0x2a: {  	p0 =	seq.s32 s5, $0x0;
	s5 =	sld [smem:$0x3FAE]  }
0x2b: {  	s6 =	sld [smem:$0x3FAF]  }
0x2c: {  	s7 =	sld [smem:$0x3FB0]  }
0x2d: {  	s3 =	simm.s32 $0x108;
	s8 =	sld [smem:$0x3FB1]  }
0x2e: {  	s3 =	simm.s32 @!p0 $0x1082;
	s9 =	sld [smem:$0x3FB2]  }
0x2f: {  	lr =	sadd.s32 s0, s3;
	s0 =	sld [smem:$0x3FA9]  }
0x30: {  	s3 =	sld [smem:$0x3FAC]  }
0x31: {  	[smem:$0x3FB5] =	sst s10  }
0x32: {  	s10 =	sld [smem:$0x3FB3];
	_ =	sdelay $0x3  }
0x33: {  	p0 =	seq.s32 s10, $0x1;
	s10 =	sld [smem:$0x3FB5];
	_ =	sdelay $0x3  }
0x34: {  	[smem:$0x3FB5] =	sst s10  }
0x35: {  	s10 =	sld [smem:$0x3FB4];
	_ =	sdelay $0x3  }
0x36: {  	p1 =	seq.s32 s10, $0x1;
	s10 =	sld [smem:$0x3FB5];
	_ =	sdelay $0x3  }
0x37: {  	[smem:$0x3FB5] =	sst s10  }
0x38: {  	s10 =	sld [smem:$0x3FB6]  }
0x39: {  	_ = 	snop;
	(pc) =	sbr.ind lr, $3  }
0x3a: {  	_ = 	snop  }
0x3b: {  	_ = 	snop  }
0x3c: {  	p2 =	seq.s32 s10, $0x1;
	s10 =	sld [smem:$0x3FB5]  }
0x3d: {  	_ =	shalt  }
0x3e: {  	_ =	shalt  }
0x3f: {  	_ =	shalt  }
0x40: {  	_ =	shalt  }
0x41: {  	_ =	shalt  }
0x42: {  	_ =	shalt  }
0x43: {  	_ =	shalt  }
0x44: {  	_ =	shalt  }
0x45: {  	_ =	shalt  }
0x46: {  	_ =	shalt  }
0x47: {  	_ =	shalt  }
0x48: {  	_ =	shalt  }
0x49: {  	_ =	shalt  }
0x4a: {  	_ =	shalt  }
0x4b: {  	_ =	shalt  }
0x4c: {  	_ =	shalt  }
0x4d: {  	_ =	shalt  }
0x4e: {  	_ =	shalt  }
0x4f: {  	_ =	shalt  }
0x50: {  	_ =	shalt  }
0x51: {  	_ =	shalt  }
0x52: {  	_ =	shalt  }
0x53: {  	_ =	shalt  }
0x54: {  	_ =	shalt  }
0x55: {  	_ =	shalt  }
0x56: {  	_ =	shalt  }
0x57: {  	_ =	shalt  }
0x58: {  	_ =	shalt  }
0x59: {  	_ =	shalt  }
0x5a: {  	_ =	shalt  }
0x5b: {  	_ =	shalt  }
0x5c: {  	_ =	shalt  }
0x5d: {  	_ =	shalt  }
0x5e: {  	_ =	shalt  }
0x5f: {  	_ =	shalt  }
0x60: {  	_ =	shalt  }
0x61: {  	_ =	shalt  }
0x62: {  	_ =	shalt  }
0x63: {  	_ =	shalt  }
0x64: {  	_ =	shalt  }
0x65: {  	_ =	shalt  }
0x66: {  	_ =	shalt  }
0x67: {  	_ =	shalt  }
0x68: {  	_ =	shalt  }
0x69: {  	_ =	shalt  }
0x6a: {  	_ =	shalt  }
0x6b: {  	_ =	shalt  }
0x6c: {  	_ =	shalt  }
0x6d: {  	_ =	shalt  }
0x6e: {  	_ =	shalt  }
0x6f: {  	_ =	shalt  }
0x70: {  	_ =	shalt  }
0x71: {  	_ =	shalt  }
0x72: {  	_ =	shalt  }
0x73: {  	_ =	shalt  }
0x74: {  	_ =	shalt  }
0x75: {  	_ =	shalt  }
0x76: {  	_ =	shalt  }
0x77: {  	_ =	shalt  }
0x78: {  	_ =	shalt  }
0x79: {  	_ =	shalt  }
0x7a: {  	_ =	shalt  }
0x7b: {  	_ =	shalt  }
0x7c: {  	_ =	shalt  }
0x7d: {  	_ =	shalt  }
0x7e: {  	_ =	shalt  }
0x7f: {  	_ =	shalt  }
0x80: {  	_ =	shalt  }
0x81: {  	_ =	shalt  }
0x82: {  	_ =	shalt  }
0x83: {  	_ =	shalt  }
0x84: {  	_ =	shalt  }
0x85: {  	_ =	shalt  }
0x86: {  	_ =	shalt  }
0x87: {  	_ =	shalt  }
.Lfunc_end0:
.L_simem_size_0:
called_computation_lowered:
.L_overlay_start_0:
0x88: {  	s2 =	sld [smem:$0x3FD9]  }
0x89: {  	s3 =	sld [smem:$0x3FFE];
	_ =	sdelay $0x1  }
0x8a: {  	s1 =	srdreg.scid  }
0x8b: {  	s0 =	sand.u32 $0x1, s1  }
0x8c: {  	s17 =	sshll.u32 s0, $0xA;
	s2 =	sadd.s32 s3, s2  }
0x8d: {  	s2 =	sadd.s32 s2, s17  }
0x8e: {  	[smem:$0x3FC1] =	sst s2  }
0x8f: {  	_ = 	snop  }
0x90: {  	s2 =	sld [smem:$0x3FD0];
	(tm) =	ssettm $0x1  }
0x91: {  	s18 =	sld [smem:$0x3FFB];
	_ =	sdelay $0x3  }
0x92: {  	_ =	strace s18  }
0x93: {  	s3 =	sld [smem:$0x3FFC];
	_ =	sdelay $0x3  }
0x94: {  	_ =	strace s3  }
0x95: {  	s3 =	sld [smem:$0x3FFD];
	_ =	sdelay $0x3  }
0x96: {  	_ =	strace s3  }
0x97: {  	_ =	strace $0x8FFFFFFF  }
0x98: {  	s19 =	sld [smem:$0x3FDB];
	_ =	sdelay $0x1  }
0x99: {  	s4 =	simm.s32 $_scs_section_size  }
0x9a: {  	s5 =	simm.s32 $_size__tile_overlayer_lowered;
	s6 =	simm.s32 $_tile_overlayer_lowered  }
0x9b: {  	s22 =	simm.s32 $0x1BFF;
	s21 =	sshll.u32 s6, $0x1;
	s3 =	sadd.s32 s4, s19  }
0x9c: {  	s7 =	simm.s32 $0x0;
	s20 =	sshll.u32 s5, $0x1;
	s5 =	sadd.s32 s21, s3  }
0x9d: {  	[timem:s7], [sflag:s22] =	dma.local [hbm:s5], s20  }
0x9e: {  	_ =	swait.ge [sflag:s22], s20  }
0x9f: {  	s4 =	ssub.s32 $0x0, s20;
	[sflag:s22] =	ssyncset.done $0x0  }
0xa0: {  	[sflag:s22] =	ssyncadd.s32 s4;
	_ =	sdelay $0x1  }
0xa1: {  	s23 =	simm.s32 $0x1B8B  }
0xa2: {  	_ =	swait.ge [sflag:s23], $0x1  }
0xa3: {  	[sflag:s23] =	ssyncset.done $0x0  }
0xa4: {  	s25 =	simm.s32 $0x1B8E;
	s24 =	sld [smem:$0x3FFE];
	[sflag:s23] =	ssyncadd.s32 $0xFFFFFFFF  }
0xa5: {  	s26 =	simm.s32 $execute0_lowered;
	[smem:$0x3FD2] =	sst s25  }
0xa6: {  	s5 =	sshll.u32 s26, $0x1;
	_ =	strace $0x80000046;
	[dreg:$0x1] =	wrdreg $0xFFFFFFFF  }
0xa7: {  	s28 =	simm.s32 $_size_execute0_lowered;
	s3 =	sadd.s32 s3, s5;
	[dreg:$0x0] =	wrdreg $0x0  }
0xa8: {  	s5 =	sshll.u32 s28, $0x1;
	[dreg:$0x2] =	wrdreg s3  }
0xa9: {  	[dreg:$0x3] =	wrdreg s5  }
0xaa: {  	[dreg:$0x4] =	wrdreg $0xC0  }
0xab: {  	_ =	task [dreg:s7], $0x5FFFF  }
0xac: {  	[dreg:$0x1] =	wrdreg $0xFFFFFFFF  }
0xad: {  	[dreg:$0x0] =	wrdreg $0x60  }
0xae: {  	[dreg:$0x2] =	wrdreg s24  }
0xaf: {  	[dreg:$0x3] =	wrdreg s2  }
0xb0: {  	[dreg:$0x4] =	wrdreg $0x9  }
0xb1: {  	_ =	task.clear_ibuf [dreg:s7], $0x5FFFF;
	_ =	strace $0x90000046  }
0xb2: {  	s29 =	simm.s32 $0x9;
	_ =	strace $0x80000048  }
0xb3: {  	_ =	swait.ge [sflag:s29], $0x1  }
0xb4: {  	[sflag:s29] =	ssyncadd.s32 $0xFFFFFFFF  }
0xb5: {  	_ =	strace $0x90000048  }
0xb6: {  	_ =	sfence  }
0xb7: {  	s30 =	sld [smem:$0x0];
	_ =	sdelay $0x2  }
0xb8: {  	s31 =	sshll.u32 s1, $0xD;
	s1 =	sshrl.u32 s1, $0x2  }
0xb9: {  	s3 =	sand.u32 $0x4000, s31;
	s1 =	sadd.s32 s1, s30  }
0xba: {  	s0 =	sor.u32 s3, s0;
	s1 =	sshll.u32 s1, $0x11  }
0xbb: {  	s0 =	sor.u32 s1, s0  }
0xbc: {  	s0 =	sadd.s32 $0x8F2B, s0  }
0xbd: {  	[sflag:s0] =	ssyncadd.remote.s32 $0x1  }
0xbe: {  	_ =	sfence.sel $0xFFFF  }
0xbf: {  	[dreg:$0x0] =	wrdreg $0xFFFFFFFF;
	(pc) =	sbr.abs _section_cstart, $3  }
0xc0: {  	[dreg:$0x1] =	wrdreg $0xFFFFFFFF  }
0xc1: {  	_ =	task.clear_ibuf [dreg:s7], $0x2FFFF;
	_ =	strace $0x9FFFFFFF  }
0xc2: {  	(tm) =	ssettm $0x7FFFFFFF  }
0xc3: {  	_ =	shalt  }
tec
execute0_lowered:
.L_overlay_start_1:
0x0: {  	(tag) =	ssettag $0x1  }
0x1: {  	s1 =	srdreg.scid;
	s0 =	stileid.u32  }
0x2: {  	s5 =	rddreg [dreg:$0x0];
	s22 =	sand.u32 $0x1, s1;
	s31 =	sshll.u32 s0, $0x1  }
0x3: {  	s16 =	rddreg [dreg:$0x1];
	s17 =	sor.u32 s22, s31  }
0x4: {  	s2 =	simm.s32 $0x0;
	s1 =	rddreg [dreg:$0x2];
	s3 =	sshll.u32 s17, $0x8  }
0x5: {  	[smem:$0x7FF] =	sst s2;
	s3 =	sadd.s32 s3, s5  }
0x6: {  	_ =	strace $0x80000047;
	s4 =	sadd.s32 $0x4000, s3;
	s3 =	simm.s32 $0x2  }
0x7: {  	[tilespmem:s2], [sflag:$0x2] =	stream.linear.gather [hbm4b:s4+s2], $0x500, $0x38;
	[tilespmem:$0x14800] =	vst v63  }
0x8: {  	_ =	swait.ge [sflag:s3], $0x500  }
0x9: {  	s6 =	simm.s32 $0x80;
	[sflag:s3] =	ssyncset.done $0x0  }
0xa: {  	s7 =	simm.s32 $0x800;
	s5 =	sadd.s32 $0xE000, s5;
	[sflag:s3] =	ssyncadd.s32 $0xFFFFFB00  }
0xb: {  	[tilespmem:s7], [sflag:$0x1] =	stream.indirect.gather [hbm4b:s5+s6], $0x80, s2, s6, $0xb8;
	[tilespmem:$0x14800] =	vst v63  }
0xc: {  	s8 =	simm.s32 $0x4800  }
0xd: {  	[tilespmem:s8], [sflag:$0x1] =	stream.indirect.gather [hbm4b:s5+s6], $0x80, s6, s6, $0xb8;
	[tilespmem:$0x14800] =	vst v63  }
0xe: {  	s9 =	simm.s32 $0x100;
	s10 =	simm.s32 $0x8800  }
0xf: {  	[tilespmem:s10], [sflag:$0x1] =	stream.indirect.gather [hbm4b:s5+s6], $0x80, s9, s6, $0xb8;
	[tilespmem:$0x14800] =	vst v63  }
0x10: {  	s11 =	simm.s32 $0x180;
	s12 =	simm.s32 $0xC800  }
0x11: {  	[tilespmem:s12], [sflag:$0x1] =	stream.indirect.gather [hbm4b:s5+s6], $0x80, s11, s6, $0xb8;
	[tilespmem:$0x14800] =	vst v63  }
0x12: {  	s13 =	simm.s32 $0x200;
	s14 =	simm.s32 $0x10800;
	s15 =	simm.s32 $0x1  }
0x13: {  	[tilespmem:s14], [sflag:$0x1] =	stream.indirect.gather [hbm4b:s5+s6], $0x80, s13, s6, $0xb8;
	[tilespmem:$0x14800] =	vst v63  }
0x14: {  	_ =	swait.ge [sflag:s15], $0x4000  }
0x15: {  	[sflag:s15] =	ssyncset.done $0x0  }
0x16: {  	[sflag:s15] =	ssyncadd.s32 $0xFFFFC000  }
0x17: {  	_ =	swait.ge [sflag:s15], $0x4000  }
0x18: {  	[sflag:s15] =	ssyncset.done $0x0  }
0x19: {  	[sflag:s15] =	ssyncadd.s32 $0xFFFFC000  }
0x1a: {  	_ =	swait.ge [sflag:s15], $0x4000  }
0x1b: {  	[sflag:s15] =	ssyncset.done $0x0  }
0x1c: {  	[sflag:s15] =	ssyncadd.s32 $0xFFFFC000  }
0x1d: {  	_ =	swait.ge [sflag:s15], $0x4000  }
0x1e: {  	[sflag:s15] =	ssyncset.done $0x0  }
0x1f: {  	[sflag:s15] =	ssyncadd.s32 $0xFFFFC000  }
0x20: {  	s17 =	smul.u32 $0x5000, s17;
	_ =	swait.ge [sflag:s15], $0x4000  }
0x21: {  	[sflag:s15] =	ssyncset.done $0x0  }
0x22: {  	s16 =	sadd.s32 s16, s17;
	[sflag:s15] =	ssyncadd.s32 $0xFFFFC000  }
0x23: {  	[hbm4b:s16+s2] =	stream.linear.scatter [tilespmem:s7], [sflag:$0x2], $0x14000, $0x38;
	[tilespmem:$0x14800] =	vst v63  }
0x24: {  	_ =	swait.ge [sflag:s3], $0x14000  }
0x25: {  	[sflag:s3] =	ssyncset.done $0x0  }
0x26: {  	s17 =	simm.s32 $0x280;
	[sflag:s3] =	ssyncadd.s32 $0xFFFEC000  }
0x27: {  	[tilespmem:s7], [sflag:$0x1] =	stream.indirect.gather [hbm4b:s5+s6], $0x80, s17, s6, $0xb8;
	[tilespmem:$0x14800] =	vst v63  }
0x28: {  	s18 =	simm.s32 $0x300  }
0x29: {  	[tilespmem:s8], [sflag:$0x1] =	stream.indirect.gather [hbm4b:s5+s6], $0x80, s18, s6, $0xb8;
	[tilespmem:$0x14800] =	vst v63  }
0x2a: {  	s19 =	simm.s32 $0x380  }
0x2b: {  	[tilespmem:s10], [sflag:$0x1] =	stream.indirect.gather [hbm4b:s5+s6], $0x80, s19, s6, $0xb8;
	[tilespmem:$0x14800] =	vst v63  }
0x2c: {  	s20 =	simm.s32 $0x400  }
0x2d: {  	[tilespmem:s12], [sflag:$0x1] =	stream.indirect.gather [hbm4b:s5+s6], $0x80, s20, s6, $0xb8;
	[tilespmem:$0x14800] =	vst v63  }
0x2e: {  	s21 =	simm.s32 $0x480  }
0x2f: {  	[tilespmem:s14], [sflag:$0x1] =	stream.indirect.gather [hbm4b:s5+s6], $0x80, s21, s6, $0xb8;
	[tilespmem:$0x14800] =	vst v63  }
0x30: {  	_ =	swait.ge [sflag:s15], $0x4000  }
0x31: {  	[sflag:s15] =	ssyncset.done $0x0  }
0x32: {  	[sflag:s15] =	ssyncadd.s32 $0xFFFFC000  }
0x33: {  	_ =	swait.ge [sflag:s15], $0x4000  }
0x34: {  	[sflag:s15] =	ssyncset.done $0x0  }
0x35: {  	[sflag:s15] =	ssyncadd.s32 $0xFFFFC000  }
0x36: {  	_ =	swait.ge [sflag:s15], $0x4000  }
0x37: {  	[sflag:s15] =	ssyncset.done $0x0  }
0x38: {  	s22 =	ssub.s32 $0x2, s22;
	[sflag:s15] =	ssyncadd.s32 $0xFFFFC000  }
0x39: {  	s23 =	sshrl.u32 s22, $0x1;
	_ =	swait.ge [sflag:s15], $0x4000  }
0x3a: {  	s22 =	ssub.s32 s22, s23;
	[sflag:s15] =	ssyncset.done $0x0  }
0x3b: {  	s23 =	smax.u32 s22, $0x1;
	[sflag:s15] =	ssyncadd.s32 $0xFFFFC000  }
0x3c: {  	p0 =	sne.s32 s23, $0x1;
	_ =	swait.ge [sflag:s15], $0x4000  }
.Ltmp0:
0x3d: {  	[sflag:s15] =	ssyncset.done $0x0;
	(pc) =	sbr.rel @!p0 .LBB2_2-.Ltmp0, $4  }
0x3e: {  	s22 =	sadd.s32 $0x2800, s16;
	[sflag:s15] =	ssyncadd.s32 $0xFFFFC000  }
0x3f: {  	[hbm4b:s22+s2] =	stream.linear.scatter [tilespmem:s7], [sflag:$0x2], $0x14000, $0x38;
	[tilespmem:$0x14800] =	vst v63  }
0x40: {  	_ =	swait.ge [sflag:s3], $0x14000  }
0x41: {  	s23 =	sadd.s32 $0xFFFFFFFF, s23;
	[sflag:s3] =	ssyncset.done $0x0  }
.LBB2_1:
0x42: {  	p0 =	sne.s32 s23, $0x1;
	s23 =	sadd.s32 $0xFFFFFFFF, s23;
	[sflag:s3] =	ssyncadd.s32 $0xFFFEC000  }
0x43: {  	[tilespmem:s2], [sflag:$0x2] =	stream.linear.gather [hbm4b:s4+s2], $0x500, $0x38;
	[tilespmem:$0x14800] =	vst v63  }
0x44: {  	_ =	swait.ge [sflag:s3], $0x500  }
0x45: {  	[sflag:s3] =	ssyncset.done $0x0  }
0x46: {  	[sflag:s3] =	ssyncadd.s32 $0xFFFFFB00  }
0x47: {  	[tilespmem:s7], [sflag:$0x1] =	stream.indirect.gather [hbm4b:s5+s6], $0x80, s2, s6, $0xb8;
	[tilespmem:$0x14800] =	vst v63  }
0x48: {  	_ = 	snop  }
0x49: {  	[tilespmem:s8], [sflag:$0x1] =	stream.indirect.gather [hbm4b:s5+s6], $0x80, s6, s6, $0xb8;
	[tilespmem:$0x14800] =	vst v63  }
0x4a: {  	_ = 	snop  }
0x4b: {  	[tilespmem:s10], [sflag:$0x1] =	stream.indirect.gather [hbm4b:s5+s6], $0x80, s9, s6, $0xb8;
	[tilespmem:$0x14800] =	vst v63  }
0x4c: {  	_ = 	snop  }
0x4d: {  	[tilespmem:s12], [sflag:$0x1] =	stream.indirect.gather [hbm4b:s5+s6], $0x80, s11, s6, $0xb8;
	[tilespmem:$0x14800] =	vst v63  }
0x4e: {  	_ = 	snop  }
0x4f: {  	[tilespmem:s14], [sflag:$0x1] =	stream.indirect.gather [hbm4b:s5+s6], $0x80, s13, s6, $0xb8;
	[tilespmem:$0x14800] =	vst v63  }
0x50: {  	_ =	swait.ge [sflag:s15], $0x4000  }
0x51: {  	[sflag:s15] =	ssyncset.done $0x0  }
0x52: {  	[sflag:s15] =	ssyncadd.s32 $0xFFFFC000  }
0x53: {  	_ =	swait.ge [sflag:s15], $0x4000  }
0x54: {  	[sflag:s15] =	ssyncset.done $0x0  }
0x55: {  	[sflag:s15] =	ssyncadd.s32 $0xFFFFC000  }
0x56: {  	_ =	swait.ge [sflag:s15], $0x4000  }
0x57: {  	[sflag:s15] =	ssyncset.done $0x0  }
0x58: {  	[sflag:s15] =	ssyncadd.s32 $0xFFFFC000  }
0x59: {  	_ =	swait.ge [sflag:s15], $0x4000  }
0x5a: {  	[sflag:s15] =	ssyncset.done $0x0  }
0x5b: {  	[sflag:s15] =	ssyncadd.s32 $0xFFFFC000  }
0x5c: {  	_ =	swait.ge [sflag:s15], $0x4000  }
0x5d: {  	[sflag:s15] =	ssyncset.done $0x0  }
0x5e: {  	[sflag:s15] =	ssyncadd.s32 $0xFFFFC000  }
0x5f: {  	[hbm4b:s16+s2] =	stream.linear.scatter [tilespmem:s7], [sflag:$0x2], $0x14000, $0x38;
	[tilespmem:$0x14800] =	vst v63  }
0x60: {  	_ =	swait.ge [sflag:s3], $0x14000  }
0x61: {  	[sflag:s3] =	ssyncset.done $0x0  }
0x62: {  	[sflag:s3] =	ssyncadd.s32 $0xFFFEC000  }
0x63: {  	[tilespmem:s7], [sflag:$0x1] =	stream.indirect.gather [hbm4b:s5+s6], $0x80, s17, s6, $0xb8;
	[tilespmem:$0x14800] =	vst v63  }
0x64: {  	_ = 	snop  }
0x65: {  	[tilespmem:s8], [sflag:$0x1] =	stream.indirect.gather [hbm4b:s5+s6], $0x80, s18, s6, $0xb8;
	[tilespmem:$0x14800] =	vst v63  }
0x66: {  	_ = 	snop  }
0x67: {  	[tilespmem:s10], [sflag:$0x1] =	stream.indirect.gather [hbm4b:s5+s6], $0x80, s19, s6, $0xb8;
	[tilespmem:$0x14800] =	vst v63  }
0x68: {  	_ = 	snop  }
0x69: {  	[tilespmem:s12], [sflag:$0x1] =	stream.indirect.gather [hbm4b:s5+s6], $0x80, s20, s6, $0xb8;
	[tilespmem:$0x14800] =	vst v63  }
0x6a: {  	_ = 	snop  }
0x6b: {  	[tilespmem:s14], [sflag:$0x1] =	stream.indirect.gather [hbm4b:s5+s6], $0x80, s21, s6, $0xb8;
	[tilespmem:$0x14800] =	vst v63  }
0x6c: {  	_ =	swait.ge [sflag:s15], $0x4000  }
0x6d: {  	[sflag:s15] =	ssyncset.done $0x0  }
0x6e: {  	[sflag:s15] =	ssyncadd.s32 $0xFFFFC000  }
0x6f: {  	_ =	swait.ge [sflag:s15], $0x4000  }
0x70: {  	[sflag:s15] =	ssyncset.done $0x0  }
0x71: {  	[sflag:s15] =	ssyncadd.s32 $0xFFFFC000  }
0x72: {  	_ =	swait.ge [sflag:s15], $0x4000  }
0x73: {  	[sflag:s15] =	ssyncset.done $0x0  }
0x74: {  	[sflag:s15] =	ssyncadd.s32 $0xFFFFC000  }
0x75: {  	_ =	swait.ge [sflag:s15], $0x4000  }
0x76: {  	[sflag:s15] =	ssyncset.done $0x0  }
0x77: {  	[sflag:s15] =	ssyncadd.s32 $0xFFFFC000  }
0x78: {  	_ =	swait.ge [sflag:s15], $0x4000  }
.Ltmp1:
0x79: {  	[sflag:s15] =	ssyncset.done $0x0;
	(pc) =	sbr.rel @p0 .LBB2_1-.Ltmp1, $4  }
0x7a: {  	[sflag:s15] =	ssyncadd.s32 $0xFFFFC000  }
0x7b: {  	[hbm4b:s22+s2] =	stream.linear.scatter [tilespmem:s7], [sflag:$0x2], $0x14000, $0x38;
	[tilespmem:$0x14800] =	vst v63  }
0x7c: {  	_ =	swait.ge [sflag:s3], $0x14000  }
0x7d: {  	[sflag:s3] =	ssyncset.done $0x0  }
.LBB2_2:
0x7e: {  	[sflag:s3] =	ssyncadd.s32 $0xFFFEC000  }
0x7f: {  	_ =	sfence.sel $0x180000  }
0x80: {  	[bflag:$0x0] =	sbarrier.arrive $0xFFFF  }
0x81: {  	p0 =	sne.s32 s0, $0x0;
	_ =	strace $0x90000047  }
0x82: {  	s0 =	sadd.s32 @!p0 $0x100000, s1;
	[bflag:$0x2] =	sbarrier.arrive $0xFFFF  }
0x83: {  	[sflag:s0] =	ssyncadd.tile.s32 @!p0 $0x1;
	_ =	shalt  }
.Lfunc_end2:
_tile_overlayer_lowered:
.L_overlay_start_2:
0x84: {  	(tag) =	ssettag $0x2  }
0x85: {  	s0 =	rddreg [dreg:$0x0];
	s2 =	stileid.u32  }
0x86: {  	s1 =	rddreg [dreg:$0x1];
	p0 =	sne.s32 s2, $0x0  }
0x87: {  	s3 =	rddreg [dreg:$0x2];
	[bflag:$0x3] =	sbarrier.arrive $0xFFFF;
	s2 =	simm.s32 @!p0 $0x1C02  }
0x88: {  	[timem:s3], [sflag:s2] =	dma.local @!p0 [hbm:s0], s1  }
0x89: {  	s0 =	simm.s32 @!p0 $0x2  }
0x8a: {  	_ =	swait.ge @!p0 [sflag:s0], s1  }
0x8b: {  	s1 =	ssub.s32 @!p0 $0x0, s1;
	[sflag:s0] =	ssyncset.done @!p0 $0x0  }
0x8c: {  	[sflag:s0] =	ssyncadd.s32 @!p0 s1  }
0x8d: {  	[bflag:$0x3] =	sbarrier.arrive $0xFFFF  }
0x8e: {  	_ =	shalt  }

// kernel: kernel.16.cloned.1.call-start
scs
__scs_entry_jumppad:
0x0: {  	(pc) =	sbr.rel $0x88, $3  }
0x1: {  	(tag) =	ssettag $0x0;
	lr =	simm.s32 $0x1  }
0x2: {  	[smem:$0x3F9A] =	sst lr;
	_ =	strace $0xD0000000  }
0x3: {  	_ = 	snop  }
0x4: {  	_ = 	snop  }
0x5: {  	_ = 	snop  }
0x6: {  	_ = 	snop  }
0x7: {  	_ = 	snop  }
__scs_overlays_trampoline_lowered:
0x8: {  	[smem:$0x3FA9] =	sst s0  }
0x9: {  	[smem:$0x3FAA] =	sst s1  }
0xa: {  	[smem:$0x3FAB] =	sst s2  }
0xb: {  	[smem:$0x3FAC] =	sst s3  }
0xc: {  	[smem:$0x3FAD] =	sst s4  }
0xd: {  	[smem:$0x3FAE] =	sst s5  }
0xe: {  	[smem:$0x3FAF] =	sst s6  }
0xf: {  	[smem:$0x3FB0] =	sst s7  }
0x10: {  	[smem:$0x3FB1] =	sst s8  }
0x11: {  	[smem:$0x3FB2] =	sst s9;
	s0 =	simm.s32 @!p0 $0x0  }
0x12: {  	s1 =	sld [smem:$0x3F98];
	s0 =	simm.s32 @p0 $0x1  }
0x13: {  	[smem:$0x3FB3] =	sst s0;
	s0 =	simm.s32 @!p1 $0x0  }
0x14: {  	s2 =	sld [smem:$0x3F97];
	s0 =	simm.s32 @p1 $0x1  }
0x15: {  	[smem:$0x3FB4] =	sst s0;
	s0 =	simm.s32 @!p2 $0x0  }
0x16: {  	s3 =	sld [smem:$0x3FDB];
	s0 =	simm.s32 @p2 $0x1  }
0x17: {  	s4 =	simm.s32 $0x1BF5;
	[smem:$0x3FB6] =	sst s0  }
0x18: {  	s0 =	sld [smem:$0x3F99];
	_ =	swait.ge [sflag:s4], $0x0  }
0x19: {  	s7 =	sld [smem:$0x3F9A]  }
0x1a: {  	s8 =	sadd.s32 $0xFFFFE003, lr  }
0x1b: {  	s9 =	sadd.s32 $0xFFFFFEF7, lr;
	s5 =	simm.s32 $0xFFFFFFFF;
	p2 =	slt.u32 s8, $0xFFFFF086  }
0x1c: {  	p1 =	slt.u32 s9, $0xF7A;
	s5 =	simm.s32 @!p2 $0x0  }
0x1d: {  	s5 =	simm.s32 @p1 $0x1;
	p0 =	seq.s32 s7, s2  }
0x1e: {  	s7 =	smul.u32 @!p0 $0xF7A, s2;
	p2 =	seq.s32 @!p0 s5, $0x0  }
0x1f: {  	s9 =	smul.u32 $0xF7A, s1;
	s8 =	simm.s32 @!p0 $0x1BF5;
	p2 =	por !p2, p0  }
0x20: {  	[sflag:s8] =	ssyncset.s32 @!p0 $0xFFFFF086;
	s6 =	sadd.s32 @!p0 s3, s7;
	s7 =	simm.s32 @!p0 $0x108  }
0x21: {  	s3 =	sadd.s32 s3, s9;
	s6 =	sadd.s32 @!p0 $0x88, s6;
	s7 =	simm.s32 @p2 $0x1082  }
0x22: {  	[simem:s7], [sflag:s8] =	dma.local @!p0 [hbm:s6], $0xF7A  }
0x23: {  	s9 =	sor.u32 $0xD0000000, s2;
	s6 =	simm.s32 $0x108;
	_ =	swait.ge @!p0 [sflag:s8], $0x0  }
0x24: {  	s3 =	sadd.s32 $0x88, s3;
	s6 =	simm.s32 @!p1 $0x1082;
	[sflag:s4] =	ssyncset.s32 $0xFFFFF086  }
0x25: {  	[simem:s6], [sflag:s4] =	dma.local [hbm:s3], $0xF7A  }
0x26: {  	[smem:$0x3F9A] =	sst s1;
	(tag) =	ssettag s2;
	_ =	strace s9  }
0x27: {  	s1 =	sld [smem:$0x3FAA]  }
0x28: {  	s2 =	sld [smem:$0x3FAB]  }
0x29: {  	s4 =	sld [smem:$0x3FAD]  }
0x2a: {  	p0 =	seq.s32 s5, $0x0;
	s5 =	sld [smem:$0x3FAE]  }
0x2b: {  	s6 =	sld [smem:$0x3FAF]  }
0x2c: {  	s7 =	sld [smem:$0x3FB0]  }
0x2d: {  	s3 =	simm.s32 $0x108;
	s8 =	sld [smem:$0x3FB1]  }
0x2e: {  	s3 =	simm.s32 @!p0 $0x1082;
	s9 =	sld [smem:$0x3FB2]  }
0x2f: {  	lr =	sadd.s32 s0, s3;
	s0 =	sld [smem:$0x3FA9]  }
0x30: {  	s3 =	sld [smem:$0x3FAC]  }
0x31: {  	[smem:$0x3FB5] =	sst s10  }
0x32: {  	s10 =	sld [smem:$0x3FB3];
	_ =	sdelay $0x3  }
0x33: {  	p0 =	seq.s32 s10, $0x1;
	s10 =	sld [smem:$0x3FB5];
	_ =	sdelay $0x3  }
0x34: {  	[smem:$0x3FB5] =	sst s10  }
0x35: {  	s10 =	sld [smem:$0x3FB4];
	_ =	sdelay $0x3  }
0x36: {  	p1 =	seq.s32 s10, $0x1;
	s10 =	sld [smem:$0x3FB5];
	_ =	sdelay $0x3  }
0x37: {  	[smem:$0x3FB5] =	sst s10  }
0x38: {  	s10 =	sld [smem:$0x3FB6]  }
0x39: {  	_ = 	snop;
	(pc) =	sbr.ind lr, $3  }
0x3a: {  	_ = 	snop  }
0x3b: {  	_ = 	snop  }
0x3c: {  	p2 =	seq.s32 s10, $0x1;
	s10 =	sld [smem:$0x3FB5]  }
0x3d: {  	_ =	shalt  }
0x3e: {  	_ =	shalt  }
0x3f: {  	_ =	shalt  }
0x40: {  	_ =	shalt  }
0x41: {  	_ =	shalt  }
0x42: {  	_ =	shalt  }
0x43: {  	_ =	shalt  }
0x44: {  	_ =	shalt  }
0x45: {  	_ =	shalt  }
0x46: {  	_ =	shalt  }
0x47: {  	_ =	shalt  }
0x48: {  	_ =	shalt  }
0x49: {  	_ =	shalt  }
0x4a: {  	_ =	shalt  }
0x4b: {  	_ =	shalt  }
0x4c: {  	_ =	shalt  }
0x4d: {  	_ =	shalt  }
0x4e: {  	_ =	shalt  }
0x4f: {  	_ =	shalt  }
0x50: {  	_ =	shalt  }
0x51: {  	_ =	shalt  }
0x52: {  	_ =	shalt  }
0x53: {  	_ =	shalt  }
0x54: {  	_ =	shalt  }
0x55: {  	_ =	shalt  }
0x56: {  	_ =	shalt  }
0x57: {  	_ =	shalt  }
0x58: {  	_ =	shalt  }
0x59: {  	_ =	shalt  }
0x5a: {  	_ =	shalt  }
0x5b: {  	_ =	shalt  }
0x5c: {  	_ =	shalt  }
0x5d: {  	_ =	shalt  }
0x5e: {  	_ =	shalt  }
0x5f: {  	_ =	shalt  }
0x60: {  	_ =	shalt  }
0x61: {  	_ =	shalt  }
0x62: {  	_ =	shalt  }
0x63: {  	_ =	shalt  }
0x64: {  	_ =	shalt  }
0x65: {  	_ =	shalt  }
0x66: {  	_ =	shalt  }
0x67: {  	_ =	shalt  }
0x68: {  	_ =	shalt  }
0x69: {  	_ =	shalt  }
0x6a: {  	_ =	shalt  }
0x6b: {  	_ =	shalt  }
0x6c: {  	_ =	shalt  }
0x6d: {  	_ =	shalt  }
0x6e: {  	_ =	shalt  }
0x6f: {  	_ =	shalt  }
0x70: {  	_ =	shalt  }
0x71: {  	_ =	shalt  }
0x72: {  	_ =	shalt  }
0x73: {  	_ =	shalt  }
0x74: {  	_ =	shalt  }
0x75: {  	_ =	shalt  }
0x76: {  	_ =	shalt  }
0x77: {  	_ =	shalt  }
0x78: {  	_ =	shalt  }
0x79: {  	_ =	shalt  }
0x7a: {  	_ =	shalt  }
0x7b: {  	_ =	shalt  }
0x7c: {  	_ =	shalt  }
0x7d: {  	_ =	shalt  }
0x7e: {  	_ =	shalt  }
0x7f: {  	_ =	shalt  }
0x80: {  	_ =	shalt  }
0x81: {  	_ =	shalt  }
0x82: {  	_ =	shalt  }
0x83: {  	_ =	shalt  }
0x84: {  	_ =	shalt  }
0x85: {  	_ =	shalt  }
0x86: {  	_ =	shalt  }
0x87: {  	_ =	shalt  }
.Lfunc_end0:
.L_simem_size_0:
called_computation.1_lowered:
.L_overlay_start_0:
0x88: {  	s2 =	sld [smem:$0x3FD9]  }
0x89: {  	s3 =	sld [smem:$0x3FFE];
	_ =	sdelay $0x1  }
0x8a: {  	s1 =	srdreg.scid  }
0x8b: {  	s0 =	sand.u32 $0x1, s1  }
0x8c: {  	s17 =	sshll.u32 s0, $0xA;
	s2 =	sadd.s32 s3, s2  }
0x8d: {  	s2 =	sadd.s32 s2, s17  }
0x8e: {  	[smem:$0x3FC1] =	sst s2  }
0x8f: {  	_ = 	snop  }
0x90: {  	(tm) =	ssettm $0x1  }
0x91: {  	s18 =	sld [smem:$0x3FFB];
	_ =	sdelay $0x3  }
0x92: {  	_ =	strace s18  }
0x93: {  	s2 =	sld [smem:$0x3FFC];
	_ =	sdelay $0x3  }
0x94: {  	_ =	strace s2  }
0x95: {  	s2 =	sld [smem:$0x3FFD];
	_ =	sdelay $0x3  }
0x96: {  	_ =	strace s2  }
0x97: {  	_ =	strace $0x8FFFFFFF  }
0x98: {  	s19 =	sld [smem:$0x3FDB];
	_ =	sdelay $0x1  }
0x99: {  	s20 =	simm.s32 $_scs_section_size  }
0x9a: {  	s4 =	simm.s32 $_size__tile_overlayer_lowered;
	s5 =	simm.s32 $_tile_overlayer_lowered  }
0x9b: {  	s6 =	simm.s32 $0x1BFF;
	s21 =	sshll.u32 s5, $0x1;
	s3 =	sadd.s32 s20, s19  }
0x9c: {  	s22 =	simm.s32 $0x0;
	s4 =	sshll.u32 s4, $0x1;
	s5 =	sadd.s32 s21, s3  }
0x9d: {  	[timem:s22], [sflag:s6] =	dma.local [hbm:s5], s4  }
0x9e: {  	_ =	swait.ge [sflag:s6], s4  }
0x9f: {  	s4 =	ssub.s32 $0x0, s4;
	[sflag:s6] =	ssyncset.done $0x0  }
0xa0: {  	[sflag:s6] =	ssyncadd.s32 s4;
	_ =	sdelay $0x1  }
0xa1: {  	s23 =	simm.s32 $0x1B8B  }
0xa2: {  	_ =	swait.ge [sflag:s23], $0x1  }
0xa3: {  	[sflag:s23] =	ssyncset.done $0x0  }
0xa4: {  	[sflag:s23] =	ssyncadd.s32 $0xFFFFFFFF  }
0xa5: {  	s4 =	sld [smem:$0x0]  }
0xa6: {  	s5 =	sand.u32 $0xFFFFFFFE, s1  }
0xa7: {  	p0 =	sne.s32 s1, s5  }
0xa8: {  	s5 =	sshll.u32 @p0 s5, $0xE  }
0xa9: {  	s5 =	sadd.s32 @p0 $0x11B8D, s5;
	s6 =	sshll.u32 @p0 s4, $0x11  }
0xaa: {  	s5 =	sor.u32 @p0 s6, s5  }
0xab: {  	[sflag:s5] =	ssyncadd.remote.s32 @p0 $0x1;
	_ =	sdelay $0x1  }
0xac: {  	s5 =	simm.s32 @p0 $0x1B8D  }
0xad: {  	_ =	swait.eq @p0 [sflag:s5], $0x1  }
0xae: {  	[sflag:s5] =	ssyncadd.s32 @p0 $0xFFFFFFFF  }
0xaf: {  	s6 =	sshll.u32 @!p0 s1, $0xE  }
0xb0: {  	s6 =	sor.u32 @!p0 $0x4000, s6;
	s5 =	simm.s32 @!p0 $0x1B8D  }
0xb1: {  	s4 =	sshll.u32 @!p0 s4, $0x11;
	s6 =	sadd.s32 @!p0 $0x11B8D, s6;
	_ =	swait.eq @!p0 [sflag:s5], $0x1  }
0xb2: {  	s4 =	sor.u32 @!p0 s4, s6;
	[sflag:s5] =	ssyncadd.s32 @!p0 $0xFFFFFFFF  }
0xb3: {  	s25 =	simm.s32 $0x1B8E;
	s24 =	sld [smem:$0x3FFE];
	[sflag:s4] =	ssyncadd.remote.s32 @!p0 $0x1  }
0xb4: {  	s26 =	simm.s32 $execute0_lowered;
	[smem:$0x3FD2] =	sst s25  }
0xb5: {  	s5 =	sshll.u32 s26, $0x1;
	_ =	strace $0x80000049;
	[dreg:$0x1] =	wrdreg $0xFFFFFFFF  }
0xb6: {  	s28 =	simm.s32 $_size_execute0_lowered;
	s3 =	sadd.s32 s3, s5;
	[dreg:$0x0] =	wrdreg $0x0  }
0xb7: {  	s5 =	sshll.u32 s28, $0x1;
	[dreg:$0x2] =	wrdreg s3  }
0xb8: {  	[dreg:$0x3] =	wrdreg s5  }
0xb9: {  	[dreg:$0x4] =	wrdreg $0xC0  }
0xba: {  	_ =	task [dreg:s22], $0x5FFFF  }
0xbb: {  	[dreg:$0x1] =	wrdreg $0xFFFFFFFF  }
0xbc: {  	[dreg:$0x0] =	wrdreg $0x60  }
0xbd: {  	[dreg:$0x2] =	wrdreg s24  }
0xbe: {  	[dreg:$0x3] =	wrdreg $0xA  }
0xbf: {  	_ =	task.clear_ibuf [dreg:s22], $0x4FFFF;
	_ =	strace $0x90000049  }
0xc0: {  	s29 =	simm.s32 $0xA;
	_ =	strace $0x8000004B  }
0xc1: {  	_ =	swait.ge [sflag:s29], $0x1  }
0xc2: {  	[sflag:s29] =	ssyncadd.s32 $0xFFFFFFFF  }
0xc3: {  	_ =	strace $0x9000004B  }
0xc4: {  	_ =	sfence  }
0xc5: {  	s30 =	sld [smem:$0x0];
	_ =	sdelay $0x2  }
0xc6: {  	s31 =	sshll.u32 s1, $0xD;
	s1 =	sshrl.u32 s1, $0x2  }
0xc7: {  	s4 =	sand.u32 $0x4000, s31;
	s1 =	sadd.s32 s1, s30  }
0xc8: {  	s0 =	sor.u32 s4, s0;
	s1 =	sshll.u32 s1, $0x11  }
0xc9: {  	s0 =	sor.u32 s1, s0  }
0xca: {  	s0 =	sadd.s32 $0x8F2B, s0  }
0xcb: {  	[sflag:s0] =	ssyncadd.remote.s32 $0x1  }
0xcc: {  	_ =	sfence.sel $0xFFFF  }
0xcd: {  	[dreg:$0x0] =	wrdreg $0xFFFFFFFF;
	(pc) =	sbr.abs _section_cstart, $3  }
0xce: {  	[dreg:$0x1] =	wrdreg $0xFFFFFFFF  }
0xcf: {  	_ =	task.clear_ibuf [dreg:s22], $0x2FFFF;
	_ =	strace $0x9FFFFFFF  }
0xd0: {  	(tm) =	ssettm $0x7FFFFFFF  }
0xd1: {  	_ =	shalt  }
tec
execute0_lowered:
.L_overlay_start_1:
0x0: {  	(tag) =	ssettag $0x1  }
0x1: {  	s1 =	srdreg.scid;
	s0 =	stileid.u32  }
0x2: {  	s22 =	sand.u32 $0x1, s1;
	s31 =	sshll.u32 s0, $0x1  }
0x3: {  	s16 =	rddreg [dreg:$0x0];
	s17 =	sor.u32 s22, s31  }
0x4: {  	s2 =	simm.s32 $0x0;
	s1 =	rddreg [dreg:$0x1];
	s3 =	sshll.u32 s17, $0x8  }
0x5: {  	[smem:$0x7FF] =	sst s2;
	s3 =	sadd.s32 s3, s16  }
0x6: {  	_ =	strace $0x8000004A;
	s4 =	sadd.s32 $0x6000, s3;
	s3 =	simm.s32 $0x2  }
0x7: {  	[tilespmem:s2], [sflag:$0x2] =	stream.linear.gather [hbm4b:s4+s2], $0x500, $0x38;
	[tilespmem:$0x14800] =	vst v63  }
0x8: {  	_ =	swait.ge [sflag:s3], $0x500  }
0x9: {  	s6 =	simm.s32 $0x80;
	[sflag:s3] =	ssyncset.done $0x0  }
0xa: {  	s7 =	simm.s32 $0x800;
	s5 =	sadd.s32 $0xE000, s16;
	[sflag:s3] =	ssyncadd.s32 $0xFFFFFB00  }
0xb: {  	[tilespmem:s7], [sflag:$0x1] =	stream.indirect.gather [hbm4b:s5+s6], $0x80, s2, s6, $0xb8;
	[tilespmem:$0x14800] =	vst v63  }
0xc: {  	s8 =	simm.s32 $0x4800  }
0xd: {  	[tilespmem:s8], [sflag:$0x1] =	stream.indirect.gather [hbm4b:s5+s6], $0x80, s6, s6, $0xb8;
	[tilespmem:$0x14800] =	vst v63  }
0xe: {  	s9 =	simm.s32 $0x100;
	s10 =	simm.s32 $0x8800  }
0xf: {  	[tilespmem:s10], [sflag:$0x1] =	stream.indirect.gather [hbm4b:s5+s6], $0x80, s9, s6, $0xb8;
	[tilespmem:$0x14800] =	vst v63  }
0x10: {  	s11 =	simm.s32 $0x180;
	s12 =	simm.s32 $0xC800  }
0x11: {  	[tilespmem:s12], [sflag:$0x1] =	stream.indirect.gather [hbm4b:s5+s6], $0x80, s11, s6, $0xb8;
	[tilespmem:$0x14800] =	vst v63  }
0x12: {  	s13 =	simm.s32 $0x200;
	s14 =	simm.s32 $0x10800;
	s15 =	simm.s32 $0x1  }
0x13: {  	[tilespmem:s14], [sflag:$0x1] =	stream.indirect.gather [hbm4b:s5+s6], $0x80, s13, s6, $0xb8;
	[tilespmem:$0x14800] =	vst v63  }
0x14: {  	_ =	swait.ge [sflag:s15], $0x4000  }
0x15: {  	[sflag:s15] =	ssyncset.done $0x0  }
0x16: {  	[sflag:s15] =	ssyncadd.s32 $0xFFFFC000  }
0x17: {  	_ =	swait.ge [sflag:s15], $0x4000  }
0x18: {  	[sflag:s15] =	ssyncset.done $0x0  }
0x19: {  	[sflag:s15] =	ssyncadd.s32 $0xFFFFC000  }
0x1a: {  	_ =	swait.ge [sflag:s15], $0x4000  }
0x1b: {  	[sflag:s15] =	ssyncset.done $0x0  }
0x1c: {  	[sflag:s15] =	ssyncadd.s32 $0xFFFFC000  }
0x1d: {  	_ =	swait.ge [sflag:s15], $0x4000  }
0x1e: {  	[sflag:s15] =	ssyncset.done $0x0  }
0x1f: {  	s17 =	smul.u32 $0x5000, s17;
	[sflag:s15] =	ssyncadd.s32 $0xFFFFC000  }
0x20: {  	_ =	swait.ge [sflag:s15], $0x4000  }
0x21: {  	s23 =	sadd.s32 s17, s16;
	[sflag:s15] =	ssyncset.done $0x0  }
0x22: {  	s16 =	sadd.s32 $0x12400, s23;
	[sflag:s15] =	ssyncadd.s32 $0xFFFFC000  }
0x23: {  	[hbm4b:s16+s2] =	stream.linear.scatter [tilespmem:s7], [sflag:$0x2], $0x14000, $0x38;
	[tilespmem:$0x14800] =	vst v63  }
0x24: {  	_ =	swait.ge [sflag:s3], $0x14000  }
0x25: {  	[sflag:s3] =	ssyncset.done $0x0  }
0x26: {  	s17 =	simm.s32 $0x280;
	[sflag:s3] =	ssyncadd.s32 $0xFFFEC000  }
0x27: {  	[tilespmem:s7], [sflag:$0x1] =	stream.indirect.gather [hbm4b:s5+s6], $0x80, s17, s6, $0xb8;
	[tilespmem:$0x14800] =	vst v63  }
0x28: {  	s18 =	simm.s32 $0x300  }
0x29: {  	[tilespmem:s8], [sflag:$0x1] =	stream.indirect.gather [hbm4b:s5+s6], $0x80, s18, s6, $0xb8;
	[tilespmem:$0x14800] =	vst v63  }
0x2a: {  	s19 =	simm.s32 $0x380  }
0x2b: {  	[tilespmem:s10], [sflag:$0x1] =	stream.indirect.gather [hbm4b:s5+s6], $0x80, s19, s6, $0xb8;
	[tilespmem:$0x14800] =	vst v63  }
0x2c: {  	s20 =	simm.s32 $0x400  }
0x2d: {  	[tilespmem:s12], [sflag:$0x1] =	stream.indirect.gather [hbm4b:s5+s6], $0x80, s20, s6, $0xb8;
	[tilespmem:$0x14800] =	vst v63  }
0x2e: {  	s21 =	simm.s32 $0x480  }
0x2f: {  	[tilespmem:s14], [sflag:$0x1] =	stream.indirect.gather [hbm4b:s5+s6], $0x80, s21, s6, $0xb8;
	[tilespmem:$0x14800] =	vst v63  }
0x30: {  	_ =	swait.ge [sflag:s15], $0x4000  }
0x31: {  	[sflag:s15] =	ssyncset.done $0x0  }
0x32: {  	[sflag:s15] =	ssyncadd.s32 $0xFFFFC000  }
0x33: {  	_ =	swait.ge [sflag:s15], $0x4000  }
0x34: {  	[sflag:s15] =	ssyncset.done $0x0  }
0x35: {  	[sflag:s15] =	ssyncadd.s32 $0xFFFFC000  }
0x36: {  	_ =	swait.ge [sflag:s15], $0x4000  }
0x37: {  	[sflag:s15] =	ssyncset.done $0x0  }
0x38: {  	s22 =	ssub.s32 $0x2, s22;
	[sflag:s15] =	ssyncadd.s32 $0xFFFFC000  }
0x39: {  	s24 =	sshrl.u32 s22, $0x1;
	_ =	swait.ge [sflag:s15], $0x4000  }
0x3a: {  	s22 =	ssub.s32 s22, s24;
	[sflag:s15] =	ssyncset.done $0x0  }
0x3b: {  	s24 =	smax.u32 s22, $0x1;
	[sflag:s15] =	ssyncadd.s32 $0xFFFFC000  }
0x3c: {  	p0 =	sne.s32 s24, $0x1;
	_ =	swait.ge [sflag:s15], $0x4000  }
.Ltmp0:
0x3d: {  	[sflag:s15] =	ssyncset.done $0x0;
	(pc) =	sbr.rel @!p0 .LBB2_2-.Ltmp0, $4  }
0x3e: {  	s22 =	sadd.s32 $0x14C00, s23;
	[sflag:s15] =	ssyncadd.s32 $0xFFFFC000  }
0x3f: {  	[hbm4b:s22+s2] =	stream.linear.scatter [tilespmem:s7], [sflag:$0x2], $0x14000, $0x38;
	[tilespmem:$0x14800] =	vst v63  }
0x40: {  	_ =	swait.ge [sflag:s3], $0x14000  }
0x41: {  	s23 =	sadd.s32 $0xFFFFFFFF, s24;
	[sflag:s3] =	ssyncset.done $0x0  }
.LBB2_1:
0x42: {  	p0 =	sne.s32 s23, $0x1;
	s23 =	sadd.s32 $0xFFFFFFFF, s23;
	[sflag:s3] =	ssyncadd.s32 $0xFFFEC000  }
0x43: {  	[tilespmem:s2], [sflag:$0x2] =	stream.linear.gather [hbm4b:s4+s2], $0x500, $0x38;
	[tilespmem:$0x14800] =	vst v63  }
0x44: {  	_ =	swait.ge [sflag:s3], $0x500  }
0x45: {  	[sflag:s3] =	ssyncset.done $0x0  }
0x46: {  	[sflag:s3] =	ssyncadd.s32 $0xFFFFFB00  }
0x47: {  	[tilespmem:s7], [sflag:$0x1] =	stream.indirect.gather [hbm4b:s5+s6], $0x80, s2, s6, $0xb8;
	[tilespmem:$0x14800] =	vst v63  }
0x48: {  	_ = 	snop  }
0x49: {  	[tilespmem:s8], [sflag:$0x1] =	stream.indirect.gather [hbm4b:s5+s6], $0x80, s6, s6, $0xb8;
	[tilespmem:$0x14800] =	vst v63  }
0x4a: {  	_ = 	snop  }
0x4b: {  	[tilespmem:s10], [sflag:$0x1] =	stream.indirect.gather [hbm4b:s5+s6], $0x80, s9, s6, $0xb8;
	[tilespmem:$0x14800] =	vst v63  }
0x4c: {  	_ = 	snop  }
0x4d: {  	[tilespmem:s12], [sflag:$0x1] =	stream.indirect.gather [hbm4b:s5+s6], $0x80, s11, s6, $0xb8;
	[tilespmem:$0x14800] =	vst v63  }
0x4e: {  	_ = 	snop  }
0x4f: {  	[tilespmem:s14], [sflag:$0x1] =	stream.indirect.gather [hbm4b:s5+s6], $0x80, s13, s6, $0xb8;
	[tilespmem:$0x14800] =	vst v63  }
0x50: {  	_ =	swait.ge [sflag:s15], $0x4000  }
0x51: {  	[sflag:s15] =	ssyncset.done $0x0  }
0x52: {  	[sflag:s15] =	ssyncadd.s32 $0xFFFFC000  }
0x53: {  	_ =	swait.ge [sflag:s15], $0x4000  }
0x54: {  	[sflag:s15] =	ssyncset.done $0x0  }
0x55: {  	[sflag:s15] =	ssyncadd.s32 $0xFFFFC000  }
0x56: {  	_ =	swait.ge [sflag:s15], $0x4000  }
0x57: {  	[sflag:s15] =	ssyncset.done $0x0  }
0x58: {  	[sflag:s15] =	ssyncadd.s32 $0xFFFFC000  }
0x59: {  	_ =	swait.ge [sflag:s15], $0x4000  }
0x5a: {  	[sflag:s15] =	ssyncset.done $0x0  }
0x5b: {  	[sflag:s15] =	ssyncadd.s32 $0xFFFFC000  }
0x5c: {  	_ =	swait.ge [sflag:s15], $0x4000  }
0x5d: {  	[sflag:s15] =	ssyncset.done $0x0  }
0x5e: {  	[sflag:s15] =	ssyncadd.s32 $0xFFFFC000  }
0x5f: {  	[hbm4b:s16+s2] =	stream.linear.scatter [tilespmem:s7], [sflag:$0x2], $0x14000, $0x38;
	[tilespmem:$0x14800] =	vst v63  }
0x60: {  	_ =	swait.ge [sflag:s3], $0x14000  }
0x61: {  	[sflag:s3] =	ssyncset.done $0x0  }
0x62: {  	[sflag:s3] =	ssyncadd.s32 $0xFFFEC000  }
0x63: {  	[tilespmem:s7], [sflag:$0x1] =	stream.indirect.gather [hbm4b:s5+s6], $0x80, s17, s6, $0xb8;
	[tilespmem:$0x14800] =	vst v63  }
0x64: {  	_ = 	snop  }
0x65: {  	[tilespmem:s8], [sflag:$0x1] =	stream.indirect.gather [hbm4b:s5+s6], $0x80, s18, s6, $0xb8;
	[tilespmem:$0x14800] =	vst v63  }
0x66: {  	_ = 	snop  }
0x67: {  	[tilespmem:s10], [sflag:$0x1] =	stream.indirect.gather [hbm4b:s5+s6], $0x80, s19, s6, $0xb8;
	[tilespmem:$0x14800] =	vst v63  }
0x68: {  	_ = 	snop  }
0x69: {  	[tilespmem:s12], [sflag:$0x1] =	stream.indirect.gather [hbm4b:s5+s6], $0x80, s20, s6, $0xb8;
	[tilespmem:$0x14800] =	vst v63  }
0x6a: {  	_ = 	snop  }
0x6b: {  	[tilespmem:s14], [sflag:$0x1] =	stream.indirect.gather [hbm4b:s5+s6], $0x80, s21, s6, $0xb8;
	[tilespmem:$0x14800] =	vst v63  }
0x6c: {  	_ =	swait.ge [sflag:s15], $0x4000  }
0x6d: {  	[sflag:s15] =	ssyncset.done $0x0  }
0x6e: {  	[sflag:s15] =	ssyncadd.s32 $0xFFFFC000  }
0x6f: {  	_ =	swait.ge [sflag:s15], $0x4000  }
0x70: {  	[sflag:s15] =	ssyncset.done $0x0  }
0x71: {  	[sflag:s15] =	ssyncadd.s32 $0xFFFFC000  }
0x72: {  	_ =	swait.ge [sflag:s15], $0x4000  }
0x73: {  	[sflag:s15] =	ssyncset.done $0x0  }
0x74: {  	[sflag:s15] =	ssyncadd.s32 $0xFFFFC000  }
0x75: {  	_ =	swait.ge [sflag:s15], $0x4000  }
0x76: {  	[sflag:s15] =	ssyncset.done $0x0  }
0x77: {  	[sflag:s15] =	ssyncadd.s32 $0xFFFFC000  }
0x78: {  	_ =	swait.ge [sflag:s15], $0x4000  }
.Ltmp1:
0x79: {  	[sflag:s15] =	ssyncset.done $0x0;
	(pc) =	sbr.rel @p0 .LBB2_1-.Ltmp1, $4  }
0x7a: {  	[sflag:s15] =	ssyncadd.s32 $0xFFFFC000  }
0x7b: {  	[hbm4b:s22+s2] =	stream.linear.scatter [tilespmem:s7], [sflag:$0x2], $0x14000, $0x38;
	[tilespmem:$0x14800] =	vst v63  }
0x7c: {  	_ =	swait.ge [sflag:s3], $0x14000  }
0x7d: {  	[sflag:s3] =	ssyncset.done $0x0  }
.LBB2_2:
0x7e: {  	[sflag:s3] =	ssyncadd.s32 $0xFFFEC000  }
0x7f: {  	_ =	sfence.sel $0x180000  }
0x80: {  	[bflag:$0x0] =	sbarrier.arrive $0xFFFF  }
0x81: {  	p0 =	sne.s32 s0, $0x0;
	_ =	strace $0x9000004A  }
0x82: {  	s0 =	sadd.s32 @!p0 $0x100000, s1;
	[bflag:$0x2] =	sbarrier.arrive $0xFFFF  }
0x83: {  	[sflag:s0] =	ssyncadd.tile.s32 @!p0 $0x1;
	_ =	shalt  }
.Lfunc_end2:
_tile_overlayer_lowered:
.L_overlay_start_2:
0x84: {  	(tag) =	ssettag $0x2  }
0x85: {  	s0 =	rddreg [dreg:$0x0];
	s2 =	stileid.u32  }
0x86: {  	s1 =	rddreg [dreg:$0x1];
	p0 =	sne.s32 s2, $0x0  }
0x87: {  	s3 =	rddreg [dreg:$0x2];
	[bflag:$0x3] =	sbarrier.arrive $0xFFFF;
	s2 =	simm.s32 @!p0 $0x1C02  }
0x88: {  	[timem:s3], [sflag:s2] =	dma.local @!p0 [hbm:s0], s1  }
0x89: {  	s0 =	simm.s32 @!p0 $0x2  }
0x8a: {  	_ =	swait.ge @!p0 [sflag:s0], s1  }
0x8b: {  	s1 =	ssub.s32 @!p0 $0x0, s1;
	[sflag:s0] =	ssyncset.done @!p0 $0x0  }
0x8c: {  	[sflag:s0] =	ssyncadd.s32 @!p0 s1  }
0x8d: {  	[bflag:$0x3] =	sbarrier.arrive $0xFFFF  }
0x8e: {  	_ =	shalt  }

// kernel: kernel.19.cloned.1.call-start
scs
__scs_entry_jumppad:
0x0: {  	(pc) =	sbr.rel $0x88, $3  }
0x1: {  	(tag) =	ssettag $0x0;
	lr =	simm.s32 $0x1  }
0x2: {  	[smem:$0x3F9A] =	sst lr;
	_ =	strace $0xD0000000  }
0x3: {  	_ = 	snop  }
0x4: {  	_ = 	snop  }
0x5: {  	_ = 	snop  }
0x6: {  	_ = 	snop  }
0x7: {  	_ = 	snop  }
__scs_overlays_trampoline_lowered:
0x8: {  	[smem:$0x3FA9] =	sst s0  }
0x9: {  	[smem:$0x3FAA] =	sst s1  }
0xa: {  	[smem:$0x3FAB] =	sst s2  }
0xb: {  	[smem:$0x3FAC] =	sst s3  }
0xc: {  	[smem:$0x3FAD] =	sst s4  }
0xd: {  	[smem:$0x3FAE] =	sst s5  }
0xe: {  	[smem:$0x3FAF] =	sst s6  }
0xf: {  	[smem:$0x3FB0] =	sst s7  }
0x10: {  	[smem:$0x3FB1] =	sst s8  }
0x11: {  	[smem:$0x3FB2] =	sst s9;
	s0 =	simm.s32 @!p0 $0x0  }
0x12: {  	s1 =	sld [smem:$0x3F98];
	s0 =	simm.s32 @p0 $0x1  }
0x13: {  	[smem:$0x3FB3] =	sst s0;
	s0 =	simm.s32 @!p1 $0x0  }
0x14: {  	s2 =	sld [smem:$0x3F97];
	s0 =	simm.s32 @p1 $0x1  }
0x15: {  	[smem:$0x3FB4] =	sst s0;
	s0 =	simm.s32 @!p2 $0x0  }
0x16: {  	s3 =	sld [smem:$0x3FDB];
	s0 =	simm.s32 @p2 $0x1  }
0x17: {  	s4 =	simm.s32 $0x1BF5;
	[smem:$0x3FB6] =	sst s0  }
0x18: {  	s0 =	sld [smem:$0x3F99];
	_ =	swait.ge [sflag:s4], $0x0  }
0x19: {  	s7 =	sld [smem:$0x3F9A]  }
0x1a: {  	s8 =	sadd.s32 $0xFFFFE003, lr  }
0x1b: {  	s9 =	sadd.s32 $0xFFFFFEF7, lr;
	s5 =	simm.s32 $0xFFFFFFFF;
	p2 =	slt.u32 s8, $0xFFFFF086  }
0x1c: {  	p1 =	slt.u32 s9, $0xF7A;
	s5 =	simm.s32 @!p2 $0x0  }
0x1d: {  	s5 =	simm.s32 @p1 $0x1;
	p0 =	seq.s32 s7, s2  }
0x1e: {  	s7 =	smul.u32 @!p0 $0xF7A, s2;
	p2 =	seq.s32 @!p0 s5, $0x0  }
0x1f: {  	s9 =	smul.u32 $0xF7A, s1;
	s8 =	simm.s32 @!p0 $0x1BF5;
	p2 =	por !p2, p0  }
0x20: {  	[sflag:s8] =	ssyncset.s32 @!p0 $0xFFFFF086;
	s6 =	sadd.s32 @!p0 s3, s7;
	s7 =	simm.s32 @!p0 $0x108  }
0x21: {  	s3 =	sadd.s32 s3, s9;
	s6 =	sadd.s32 @!p0 $0x88, s6;
	s7 =	simm.s32 @p2 $0x1082  }
0x22: {  	[simem:s7], [sflag:s8] =	dma.local @!p0 [hbm:s6], $0xF7A  }
0x23: {  	s9 =	sor.u32 $0xD0000000, s2;
	s6 =	simm.s32 $0x108;
	_ =	swait.ge @!p0 [sflag:s8], $0x0  }
0x24: {  	s3 =	sadd.s32 $0x88, s3;
	s6 =	simm.s32 @!p1 $0x1082;
	[sflag:s4] =	ssyncset.s32 $0xFFFFF086  }
0x25: {  	[simem:s6], [sflag:s4] =	dma.local [hbm:s3], $0xF7A  }
0x26: {  	[smem:$0x3F9A] =	sst s1;
	(tag) =	ssettag s2;
	_ =	strace s9  }
0x27: {  	s1 =	sld [smem:$0x3FAA]  }
0x28: {  	s2 =	sld [smem:$0x3FAB]  }
0x29: {  	s4 =	sld [smem:$0x3FAD]  }
0x2a: {  	p0 =	seq.s32 s5, $0x0;
	s5 =	sld [smem:$0x3FAE]  }
0x2b: {  	s6 =	sld [smem:$0x3FAF]  }
0x2c: {  	s7 =	sld [smem:$0x3FB0]  }
0x2d: {  	s3 =	simm.s32 $0x108;
	s8 =	sld [smem:$0x3FB1]  }
0x2e: {  	s3 =	simm.s32 @!p0 $0x1082;
	s9 =	sld [smem:$0x3FB2]  }
0x2f: {  	lr =	sadd.s32 s0, s3;
	s0 =	sld [smem:$0x3FA9]  }
0x30: {  	s3 =	sld [smem:$0x3FAC]  }
0x31: {  	[smem:$0x3FB5] =	sst s10  }
0x32: {  	s10 =	sld [smem:$0x3FB3];
	_ =	sdelay $0x3  }
0x33: {  	p0 =	seq.s32 s10, $0x1;
	s10 =	sld [smem:$0x3FB5];
	_ =	sdelay $0x3  }
0x34: {  	[smem:$0x3FB5] =	sst s10  }
0x35: {  	s10 =	sld [smem:$0x3FB4];
	_ =	sdelay $0x3  }
0x36: {  	p1 =	seq.s32 s10, $0x1;
	s10 =	sld [smem:$0x3FB5];
	_ =	sdelay $0x3  }
0x37: {  	[smem:$0x3FB5] =	sst s10  }
0x38: {  	s10 =	sld [smem:$0x3FB6]  }
0x39: {  	_ = 	snop;
	(pc) =	sbr.ind lr, $3  }
0x3a: {  	_ = 	snop  }
0x3b: {  	_ = 	snop  }
0x3c: {  	p2 =	seq.s32 s10, $0x1;
	s10 =	sld [smem:$0x3FB5]  }
0x3d: {  	_ =	shalt  }
0x3e: {  	_ =	shalt  }
0x3f: {  	_ =	shalt  }
0x40: {  	_ =	shalt  }
0x41: {  	_ =	shalt  }
0x42: {  	_ =	shalt  }
0x43: {  	_ =	shalt  }
0x44: {  	_ =	shalt  }
0x45: {  	_ =	shalt  }
0x46: {  	_ =	shalt  }
0x47: {  	_ =	shalt  }
0x48: {  	_ =	shalt  }
0x49: {  	_ =	shalt  }
0x4a: {  	_ =	shalt  }
0x4b: {  	_ =	shalt  }
0x4c: {  	_ =	shalt  }
0x4d: {  	_ =	shalt  }
0x4e: {  	_ =	shalt  }
0x4f: {  	_ =	shalt  }
0x50: {  	_ =	shalt  }
0x51: {  	_ =	shalt  }
0x52: {  	_ =	shalt  }
0x53: {  	_ =	shalt  }
0x54: {  	_ =	shalt  }
0x55: {  	_ =	shalt  }
0x56: {  	_ =	shalt  }
0x57: {  	_ =	shalt  }
0x58: {  	_ =	shalt  }
0x59: {  	_ =	shalt  }
0x5a: {  	_ =	shalt  }
0x5b: {  	_ =	shalt  }
0x5c: {  	_ =	shalt  }
0x5d: {  	_ =	shalt  }
0x5e: {  	_ =	shalt  }
0x5f: {  	_ =	shalt  }
0x60: {  	_ =	shalt  }
0x61: {  	_ =	shalt  }
0x62: {  	_ =	shalt  }
0x63: {  	_ =	shalt  }
0x64: {  	_ =	shalt  }
0x65: {  	_ =	shalt  }
0x66: {  	_ =	shalt  }
0x67: {  	_ =	shalt  }
0x68: {  	_ =	shalt  }
0x69: {  	_ =	shalt  }
0x6a: {  	_ =	shalt  }
0x6b: {  	_ =	shalt  }
0x6c: {  	_ =	shalt  }
0x6d: {  	_ =	shalt  }
0x6e: {  	_ =	shalt  }
0x6f: {  	_ =	shalt  }
0x70: {  	_ =	shalt  }
0x71: {  	_ =	shalt  }
0x72: {  	_ =	shalt  }
0x73: {  	_ =	shalt  }
0x74: {  	_ =	shalt  }
0x75: {  	_ =	shalt  }
0x76: {  	_ =	shalt  }
0x77: {  	_ =	shalt  }
0x78: {  	_ =	shalt  }
0x79: {  	_ =	shalt  }
0x7a: {  	_ =	shalt  }
0x7b: {  	_ =	shalt  }
0x7c: {  	_ =	shalt  }
0x7d: {  	_ =	shalt  }
0x7e: {  	_ =	shalt  }
0x7f: {  	_ =	shalt  }
0x80: {  	_ =	shalt  }
0x81: {  	_ =	shalt  }
0x82: {  	_ =	shalt  }
0x83: {  	_ =	shalt  }
0x84: {  	_ =	shalt  }
0x85: {  	_ =	shalt  }
0x86: {  	_ =	shalt  }
0x87: {  	_ =	shalt  }
.Lfunc_end0:
.L_simem_size_0:
called_computation.2_lowered:
.L_overlay_start_0:
0x88: {  	s2 =	sld [smem:$0x3FD9]  }
0x89: {  	s3 =	sld [smem:$0x3FFE];
	_ =	sdelay $0x1  }
0x8a: {  	s1 =	srdreg.scid  }
0x8b: {  	s0 =	sand.u32 $0x1, s1  }
0x8c: {  	s17 =	sshll.u32 s0, $0xA;
	s2 =	sadd.s32 s3, s2  }
0x8d: {  	s2 =	sadd.s32 s2, s17  }
0x8e: {  	[smem:$0x3FC1] =	sst s2  }
0x8f: {  	_ = 	snop  }
0x90: {  	(tm) =	ssettm $0x1  }
0x91: {  	s18 =	sld [smem:$0x3FFB];
	_ =	sdelay $0x3  }
0x92: {  	_ =	strace s18  }
0x93: {  	s2 =	sld [smem:$0x3FFC];
	_ =	sdelay $0x3  }
0x94: {  	_ =	strace s2  }
0x95: {  	s2 =	sld [smem:$0x3FFD];
	_ =	sdelay $0x3  }
0x96: {  	_ =	strace s2  }
0x97: {  	_ =	strace $0x8FFFFFFF  }
0x98: {  	s19 =	sld [smem:$0x3FDB];
	_ =	sdelay $0x1  }
0x99: {  	s20 =	simm.s32 $_scs_section_size  }
0x9a: {  	s4 =	simm.s32 $_size__tile_overlayer_lowered;
	s5 =	simm.s32 $_tile_overlayer_lowered  }
0x9b: {  	s6 =	simm.s32 $0x1BFF;
	s21 =	sshll.u32 s5, $0x1;
	s3 =	sadd.s32 s20, s19  }
0x9c: {  	s22 =	simm.s32 $0x0;
	s4 =	sshll.u32 s4, $0x1;
	s5 =	sadd.s32 s21, s3  }
0x9d: {  	[timem:s22], [sflag:s6] =	dma.local [hbm:s5], s4  }
0x9e: {  	_ =	swait.ge [sflag:s6], s4  }
0x9f: {  	s4 =	ssub.s32 $0x0, s4;
	[sflag:s6] =	ssyncset.done $0x0  }
0xa0: {  	[sflag:s6] =	ssyncadd.s32 s4;
	_ =	sdelay $0x1  }
0xa1: {  	s23 =	simm.s32 $0x1B8B  }
0xa2: {  	_ =	swait.ge [sflag:s23], $0x1  }
0xa3: {  	[sflag:s23] =	ssyncset.done $0x0  }
0xa4: {  	[sflag:s23] =	ssyncadd.s32 $0xFFFFFFFF  }
0xa5: {  	s4 =	sld [smem:$0x0]  }
0xa6: {  	s5 =	sand.u32 $0xFFFFFFFE, s1  }
0xa7: {  	p0 =	sne.s32 s1, s5  }
0xa8: {  	s5 =	sshll.u32 @p0 s5, $0xE  }
0xa9: {  	s5 =	sadd.s32 @p0 $0x11B8D, s5;
	s6 =	sshll.u32 @p0 s4, $0x11  }
0xaa: {  	s5 =	sor.u32 @p0 s6, s5  }
0xab: {  	[sflag:s5] =	ssyncadd.remote.s32 @p0 $0x1;
	_ =	sdelay $0x1  }
0xac: {  	s5 =	simm.s32 @p0 $0x1B8D  }
0xad: {  	_ =	swait.eq @p0 [sflag:s5], $0x1  }
0xae: {  	[sflag:s5] =	ssyncadd.s32 @p0 $0xFFFFFFFF  }
0xaf: {  	s6 =	sshll.u32 @!p0 s1, $0xE  }
0xb0: {  	s6 =	sor.u32 @!p0 $0x4000, s6;
	s5 =	simm.s32 @!p0 $0x1B8D  }
0xb1: {  	s4 =	sshll.u32 @!p0 s4, $0x11;
	s6 =	sadd.s32 @!p0 $0x11B8D, s6;
	_ =	swait.eq @!p0 [sflag:s5], $0x1  }
0xb2: {  	s4 =	sor.u32 @!p0 s4, s6;
	[sflag:s5] =	ssyncadd.s32 @!p0 $0xFFFFFFFF  }
0xb3: {  	s25 =	simm.s32 $0x1B8E;
	s24 =	sld [smem:$0x3FFE];
	[sflag:s4] =	ssyncadd.remote.s32 @!p0 $0x1  }
0xb4: {  	s26 =	simm.s32 $execute0_lowered;
	[smem:$0x3FD2] =	sst s25  }
0xb5: {  	s5 =	sshll.u32 s26, $0x1;
	_ =	strace $0x8000004C;
	[dreg:$0x1] =	wrdreg $0xFFFFFFFF  }
0xb6: {  	s28 =	simm.s32 $_size_execute0_lowered;
	s3 =	sadd.s32 s3, s5;
	[dreg:$0x0] =	wrdreg $0x0  }
0xb7: {  	s5 =	sshll.u32 s28, $0x1;
	[dreg:$0x2] =	wrdreg s3  }
0xb8: {  	[dreg:$0x3] =	wrdreg s5  }
0xb9: {  	[dreg:$0x4] =	wrdreg $0xC0  }
0xba: {  	_ =	task [dreg:s22], $0x5FFFF  }
0xbb: {  	[dreg:$0x1] =	wrdreg $0xFFFFFFFF  }
0xbc: {  	[dreg:$0x0] =	wrdreg $0x60  }
0xbd: {  	[dreg:$0x2] =	wrdreg s24  }
0xbe: {  	[dreg:$0x3] =	wrdreg $0xB  }
0xbf: {  	_ =	task.clear_ibuf [dreg:s22], $0x4FFFF;
	_ =	strace $0x9000004C  }
0xc0: {  	s29 =	simm.s32 $0xB;
	_ =	strace $0x8000004E  }
0xc1: {  	_ =	swait.ge [sflag:s29], $0x1  }
0xc2: {  	[sflag:s29] =	ssyncadd.s32 $0xFFFFFFFF  }
0xc3: {  	_ =	strace $0x9000004E  }
0xc4: {  	_ =	sfence  }
0xc5: {  	s30 =	sld [smem:$0x0];
	_ =	sdelay $0x2  }
0xc6: {  	s31 =	sshll.u32 s1, $0xD;
	s1 =	sshrl.u32 s1, $0x2  }
0xc7: {  	s4 =	sand.u32 $0x4000, s31;
	s1 =	sadd.s32 s1, s30  }
0xc8: {  	s0 =	sor.u32 s4, s0;
	s1 =	sshll.u32 s1, $0x11  }
0xc9: {  	s0 =	sor.u32 s1, s0  }
0xca: {  	s0 =	sadd.s32 $0x8F2B, s0  }
0xcb: {  	[sflag:s0] =	ssyncadd.remote.s32 $0x1  }
0xcc: {  	_ =	sfence.sel $0xFFFF  }
0xcd: {  	[dreg:$0x0] =	wrdreg $0xFFFFFFFF;
	(pc) =	sbr.abs _section_cstart, $3  }
0xce: {  	[dreg:$0x1] =	wrdreg $0xFFFFFFFF  }
0xcf: {  	_ =	task.clear_ibuf [dreg:s22], $0x2FFFF;
	_ =	strace $0x9FFFFFFF  }
0xd0: {  	(tm) =	ssettm $0x7FFFFFFF  }
0xd1: {  	_ =	shalt  }
tec
execute0_lowered:
.L_overlay_start_1:
0x0: {  	(tag) =	ssettag $0x1  }
0x1: {  	s1 =	srdreg.scid;
	s0 =	stileid.u32  }
0x2: {  	s22 =	sand.u32 $0x1, s1;
	s31 =	sshll.u32 s0, $0x1  }
0x3: {  	s16 =	rddreg [dreg:$0x0];
	s17 =	sor.u32 s22, s31  }
0x4: {  	s2 =	simm.s32 $0x0;
	s1 =	rddreg [dreg:$0x1];
	s3 =	sshll.u32 s17, $0x8  }
0x5: {  	[smem:$0x7FF] =	sst s2;
	s3 =	sadd.s32 s3, s16  }
0x6: {  	_ =	strace $0x8000004D;
	s4 =	sadd.s32 $0x8000, s3;
	s3 =	simm.s32 $0x2  }
0x7: {  	[tilespmem:s2], [sflag:$0x2] =	stream.linear.gather [hbm4b:s4+s2], $0x500, $0x38;
	[tilespmem:$0x14800] =	vst v63  }
0x8: {  	_ =	swait.ge [sflag:s3], $0x500  }
0x9: {  	s6 =	simm.s32 $0x80;
	[sflag:s3] =	ssyncset.done $0x0  }
0xa: {  	s7 =	simm.s32 $0x800;
	s5 =	sadd.s32 $0xE000, s16;
	[sflag:s3] =	ssyncadd.s32 $0xFFFFFB00  }
0xb: {  	[tilespmem:s7], [sflag:$0x1] =	stream.indirect.gather [hbm4b:s5+s6], $0x80, s2, s6, $0xb8;
	[tilespmem:$0x14800] =	vst v63  }
0xc: {  	s8 =	simm.s32 $0x4800  }
0xd: {  	[tilespmem:s8], [sflag:$0x1] =	stream.indirect.gather [hbm4b:s5+s6], $0x80, s6, s6, $0xb8;
	[tilespmem:$0x14800] =	vst v63  }
0xe: {  	s9 =	simm.s32 $0x100;
	s10 =	simm.s32 $0x8800  }
0xf: {  	[tilespmem:s10], [sflag:$0x1] =	stream.indirect.gather [hbm4b:s5+s6], $0x80, s9, s6, $0xb8;
	[tilespmem:$0x14800] =	vst v63  }
0x10: {  	s11 =	simm.s32 $0x180;
	s12 =	simm.s32 $0xC800  }
0x11: {  	[tilespmem:s12], [sflag:$0x1] =	stream.indirect.gather [hbm4b:s5+s6], $0x80, s11, s6, $0xb8;
	[tilespmem:$0x14800] =	vst v63  }
0x12: {  	s13 =	simm.s32 $0x200;
	s14 =	simm.s32 $0x10800;
	s15 =	simm.s32 $0x1  }
0x13: {  	[tilespmem:s14], [sflag:$0x1] =	stream.indirect.gather [hbm4b:s5+s6], $0x80, s13, s6, $0xb8;
	[tilespmem:$0x14800] =	vst v63  }
0x14: {  	_ =	swait.ge [sflag:s15], $0x4000  }
0x15: {  	[sflag:s15] =	ssyncset.done $0x0  }
0x16: {  	[sflag:s15] =	ssyncadd.s32 $0xFFFFC000  }
0x17: {  	_ =	swait.ge [sflag:s15], $0x4000  }
0x18: {  	[sflag:s15] =	ssyncset.done $0x0  }
0x19: {  	[sflag:s15] =	ssyncadd.s32 $0xFFFFC000  }
0x1a: {  	_ =	swait.ge [sflag:s15], $0x4000  }
0x1b: {  	[sflag:s15] =	ssyncset.done $0x0  }
0x1c: {  	[sflag:s15] =	ssyncadd.s32 $0xFFFFC000  }
0x1d: {  	_ =	swait.ge [sflag:s15], $0x4000  }
0x1e: {  	[sflag:s15] =	ssyncset.done $0x0  }
0x1f: {  	s17 =	smul.u32 $0x5000, s17;
	[sflag:s15] =	ssyncadd.s32 $0xFFFFC000  }
0x20: {  	_ =	swait.ge [sflag:s15], $0x4000  }
0x21: {  	s23 =	sadd.s32 s17, s16;
	[sflag:s15] =	ssyncset.done $0x0  }
0x22: {  	s16 =	sadd.s32 $0xB2400, s23;
	[sflag:s15] =	ssyncadd.s32 $0xFFFFC000  }
0x23: {  	[hbm4b:s16+s2] =	stream.linear.scatter [tilespmem:s7], [sflag:$0x2], $0x14000, $0x38;
	[tilespmem:$0x14800] =	vst v63  }
0x24: {  	_ =	swait.ge [sflag:s3], $0x14000  }
0x25: {  	[sflag:s3] =	ssyncset.done $0x0  }
0x26: {  	s17 =	simm.s32 $0x280;
	[sflag:s3] =	ssyncadd.s32 $0xFFFEC000  }
0x27: {  	[tilespmem:s7], [sflag:$0x1] =	stream.indirect.gather [hbm4b:s5+s6], $0x80, s17, s6, $0xb8;
	[tilespmem:$0x14800] =	vst v63  }
0x28: {  	s18 =	simm.s32 $0x300  }
0x29: {  	[tilespmem:s8], [sflag:$0x1] =	stream.indirect.gather [hbm4b:s5+s6], $0x80, s18, s6, $0xb8;
	[tilespmem:$0x14800] =	vst v63  }
0x2a: {  	s19 =	simm.s32 $0x380  }
0x2b: {  	[tilespmem:s10], [sflag:$0x1] =	stream.indirect.gather [hbm4b:s5+s6], $0x80, s19, s6, $0xb8;
	[tilespmem:$0x14800] =	vst v63  }
0x2c: {  	s20 =	simm.s32 $0x400  }
0x2d: {  	[tilespmem:s12], [sflag:$0x1] =	stream.indirect.gather [hbm4b:s5+s6], $0x80, s20, s6, $0xb8;
	[tilespmem:$0x14800] =	vst v63  }
0x2e: {  	s21 =	simm.s32 $0x480  }
0x2f: {  	[tilespmem:s14], [sflag:$0x1] =	stream.indirect.gather [hbm4b:s5+s6], $0x80, s21, s6, $0xb8;
	[tilespmem:$0x14800] =	vst v63  }
0x30: {  	_ =	swait.ge [sflag:s15], $0x4000  }
0x31: {  	[sflag:s15] =	ssyncset.done $0x0  }
0x32: {  	[sflag:s15] =	ssyncadd.s32 $0xFFFFC000  }
0x33: {  	_ =	swait.ge [sflag:s15], $0x4000  }
0x34: {  	[sflag:s15] =	ssyncset.done $0x0  }
0x35: {  	[sflag:s15] =	ssyncadd.s32 $0xFFFFC000  }
0x36: {  	_ =	swait.ge [sflag:s15], $0x4000  }
0x37: {  	[sflag:s15] =	ssyncset.done $0x0  }
0x38: {  	s22 =	ssub.s32 $0x2, s22;
	[sflag:s15] =	ssyncadd.s32 $0xFFFFC000  }
0x39: {  	s24 =	sshrl.u32 s22, $0x1;
	_ =	swait.ge [sflag:s15], $0x4000  }
0x3a: {  	s22 =	ssub.s32 s22, s24;
	[sflag:s15] =	ssyncset.done $0x0  }
0x3b: {  	s24 =	smax.u32 s22, $0x1;
	[sflag:s15] =	ssyncadd.s32 $0xFFFFC000  }
0x3c: {  	p0 =	sne.s32 s24, $0x1;
	_ =	swait.ge [sflag:s15], $0x4000  }
.Ltmp0:
0x3d: {  	[sflag:s15] =	ssyncset.done $0x0;
	(pc) =	sbr.rel @!p0 .LBB2_2-.Ltmp0, $4  }
0x3e: {  	s22 =	sadd.s32 $0xB4C00, s23;
	[sflag:s15] =	ssyncadd.s32 $0xFFFFC000  }
0x3f: {  	[hbm4b:s22+s2] =	stream.linear.scatter [tilespmem:s7], [sflag:$0x2], $0x14000, $0x38;
	[tilespmem:$0x14800] =	vst v63  }
0x40: {  	_ =	swait.ge [sflag:s3], $0x14000  }
0x41: {  	s23 =	sadd.s32 $0xFFFFFFFF, s24;
	[sflag:s3] =	ssyncset.done $0x0  }
.LBB2_1:
0x42: {  	p0 =	sne.s32 s23, $0x1;
	s23 =	sadd.s32 $0xFFFFFFFF, s23;
	[sflag:s3] =	ssyncadd.s32 $0xFFFEC000  }
0x43: {  	[tilespmem:s2], [sflag:$0x2] =	stream.linear.gather [hbm4b:s4+s2], $0x500, $0x38;
	[tilespmem:$0x14800] =	vst v63  }
0x44: {  	_ =	swait.ge [sflag:s3], $0x500  }
0x45: {  	[sflag:s3] =	ssyncset.done $0x0  }
0x46: {  	[sflag:s3] =	ssyncadd.s32 $0xFFFFFB00  }
0x47: {  	[tilespmem:s7], [sflag:$0x1] =	stream.indirect.gather [hbm4b:s5+s6], $0x80, s2, s6, $0xb8;
	[tilespmem:$0x14800] =	vst v63  }
0x48: {  	_ = 	snop  }
0x49: {  	[tilespmem:s8], [sflag:$0x1] =	stream.indirect.gather [hbm4b:s5+s6], $0x80, s6, s6, $0xb8;
	[tilespmem:$0x14800] =	vst v63  }
0x4a: {  	_ = 	snop  }
0x4b: {  	[tilespmem:s10], [sflag:$0x1] =	stream.indirect.gather [hbm4b:s5+s6], $0x80, s9, s6, $0xb8;
	[tilespmem:$0x14800] =	vst v63  }
0x4c: {  	_ = 	snop  }
0x4d: {  	[tilespmem:s12], [sflag:$0x1] =	stream.indirect.gather [hbm4b:s5+s6], $0x80, s11, s6, $0xb8;
	[tilespmem:$0x14800] =	vst v63  }
0x4e: {  	_ = 	snop  }
0x4f: {  	[tilespmem:s14], [sflag:$0x1] =	stream.indirect.gather [hbm4b:s5+s6], $0x80, s13, s6, $0xb8;
	[tilespmem:$0x14800] =	vst v63  }
0x50: {  	_ =	swait.ge [sflag:s15], $0x4000  }
0x51: {  	[sflag:s15] =	ssyncset.done $0x0  }
0x52: {  	[sflag:s15] =	ssyncadd.s32 $0xFFFFC000  }
0x53: {  	_ =	swait.ge [sflag:s15], $0x4000  }
0x54: {  	[sflag:s15] =	ssyncset.done $0x0  }
0x55: {  	[sflag:s15] =	ssyncadd.s32 $0xFFFFC000  }
0x56: {  	_ =	swait.ge [sflag:s15], $0x4000  }
0x57: {  	[sflag:s15] =	ssyncset.done $0x0  }
0x58: {  	[sflag:s15] =	ssyncadd.s32 $0xFFFFC000  }
0x59: {  	_ =	swait.ge [sflag:s15], $0x4000  }
0x5a: {  	[sflag:s15] =	ssyncset.done $0x0  }
0x5b: {  	[sflag:s15] =	ssyncadd.s32 $0xFFFFC000  }
0x5c: {  	_ =	swait.ge [sflag:s15], $0x4000  }
0x5d: {  	[sflag:s15] =	ssyncset.done $0x0  }
0x5e: {  	[sflag:s15] =	ssyncadd.s32 $0xFFFFC000  }
0x5f: {  	[hbm4b:s16+s2] =	stream.linear.scatter [tilespmem:s7], [sflag:$0x2], $0x14000, $0x38;
	[tilespmem:$0x14800] =	vst v63  }
0x60: {  	_ =	swait.ge [sflag:s3], $0x14000  }
0x61: {  	[sflag:s3] =	ssyncset.done $0x0  }
0x62: {  	[sflag:s3] =	ssyncadd.s32 $0xFFFEC000  }
0x63: {  	[tilespmem:s7], [sflag:$0x1] =	stream.indirect.gather [hbm4b:s5+s6], $0x80, s17, s6, $0xb8;
	[tilespmem:$0x14800] =	vst v63  }
0x64: {  	_ = 	snop  }
0x65: {  	[tilespmem:s8], [sflag:$0x1] =	stream.indirect.gather [hbm4b:s5+s6], $0x80, s18, s6, $0xb8;
	[tilespmem:$0x14800] =	vst v63  }
0x66: {  	_ = 	snop  }
0x67: {  	[tilespmem:s10], [sflag:$0x1] =	stream.indirect.gather [hbm4b:s5+s6], $0x80, s19, s6, $0xb8;
	[tilespmem:$0x14800] =	vst v63  }
0x68: {  	_ = 	snop  }
0x69: {  	[tilespmem:s12], [sflag:$0x1] =	stream.indirect.gather [hbm4b:s5+s6], $0x80, s20, s6, $0xb8;
	[tilespmem:$0x14800] =	vst v63  }
0x6a: {  	_ = 	snop  }
0x6b: {  	[tilespmem:s14], [sflag:$0x1] =	stream.indirect.gather [hbm4b:s5+s6], $0x80, s21, s6, $0xb8;
	[tilespmem:$0x14800] =	vst v63  }
0x6c: {  	_ =	swait.ge [sflag:s15], $0x4000  }
0x6d: {  	[sflag:s15] =	ssyncset.done $0x0  }
0x6e: {  	[sflag:s15] =	ssyncadd.s32 $0xFFFFC000  }
0x6f: {  	_ =	swait.ge [sflag:s15], $0x4000  }
0x70: {  	[sflag:s15] =	ssyncset.done $0x0  }
0x71: {  	[sflag:s15] =	ssyncadd.s32 $0xFFFFC000  }
0x72: {  	_ =	swait.ge [sflag:s15], $0x4000  }
0x73: {  	[sflag:s15] =	ssyncset.done $0x0  }
0x74: {  	[sflag:s15] =	ssyncadd.s32 $0xFFFFC000  }
0x75: {  	_ =	swait.ge [sflag:s15], $0x4000  }
0x76: {  	[sflag:s15] =	ssyncset.done $0x0  }
0x77: {  	[sflag:s15] =	ssyncadd.s32 $0xFFFFC000  }
0x78: {  	_ =	swait.ge [sflag:s15], $0x4000  }
.Ltmp1:
0x79: {  	[sflag:s15] =	ssyncset.done $0x0;
	(pc) =	sbr.rel @p0 .LBB2_1-.Ltmp1, $4  }
0x7a: {  	[sflag:s15] =	ssyncadd.s32 $0xFFFFC000  }
0x7b: {  	[hbm4b:s22+s2] =	stream.linear.scatter [tilespmem:s7], [sflag:$0x2], $0x14000, $0x38;
	[tilespmem:$0x14800] =	vst v63  }
0x7c: {  	_ =	swait.ge [sflag:s3], $0x14000  }
0x7d: {  	[sflag:s3] =	ssyncset.done $0x0  }
.LBB2_2:
0x7e: {  	[sflag:s3] =	ssyncadd.s32 $0xFFFEC000  }
0x7f: {  	_ =	sfence.sel $0x180000  }
0x80: {  	[bflag:$0x0] =	sbarrier.arrive $0xFFFF  }
0x81: {  	p0 =	sne.s32 s0, $0x0;
	_ =	strace $0x9000004D  }
0x82: {  	s0 =	sadd.s32 @!p0 $0x100000, s1;
	[bflag:$0x2] =	sbarrier.arrive $0xFFFF  }
0x83: {  	[sflag:s0] =	ssyncadd.tile.s32 @!p0 $0x1;
	_ =	shalt  }
.Lfunc_end2:
_tile_overlayer_lowered:
.L_overlay_start_2:
0x84: {  	(tag) =	ssettag $0x2  }
0x85: {  	s0 =	rddreg [dreg:$0x0];
	s2 =	stileid.u32  }
0x86: {  	s1 =	rddreg [dreg:$0x1];
	p0 =	sne.s32 s2, $0x0  }
0x87: {  	s3 =	rddreg [dreg:$0x2];
	[bflag:$0x3] =	sbarrier.arrive $0xFFFF;
	s2 =	simm.s32 @!p0 $0x1C02  }
0x88: {  	[timem:s3], [sflag:s2] =	dma.local @!p0 [hbm:s0], s1  }
0x89: {  	s0 =	simm.s32 @!p0 $0x2  }
0x8a: {  	_ =	swait.ge @!p0 [sflag:s0], s1  }
0x8b: {  	s1 =	ssub.s32 @!p0 $0x0, s1;
	[sflag:s0] =	ssyncset.done @!p0 $0x0  }
0x8c: {  	[sflag:s0] =	ssyncadd.s32 @!p0 s1  }
0x8d: {  	[bflag:$0x3] =	sbarrier.arrive $0xFFFF  }
0x8e: {  	_ =	shalt  }

// kernel: kernel.22.cloned.1.call-start
scs
__scs_entry_jumppad:
0x0: {  	(pc) =	sbr.rel $0x88, $3  }
0x1: {  	(tag) =	ssettag $0x0;
	lr =	simm.s32 $0x1  }
0x2: {  	[smem:$0x3F9A] =	sst lr;
	_ =	strace $0xD0000000  }
0x3: {  	_ = 	snop  }
0x4: {  	_ = 	snop  }
0x5: {  	_ = 	snop  }
0x6: {  	_ = 	snop  }
0x7: {  	_ = 	snop  }
__scs_overlays_trampoline_lowered:
0x8: {  	[smem:$0x3FA9] =	sst s0  }
0x9: {  	[smem:$0x3FAA] =	sst s1  }
0xa: {  	[smem:$0x3FAB] =	sst s2  }
0xb: {  	[smem:$0x3FAC] =	sst s3  }
0xc: {  	[smem:$0x3FAD] =	sst s4  }
0xd: {  	[smem:$0x3FAE] =	sst s5  }
0xe: {  	[smem:$0x3FAF] =	sst s6  }
0xf: {  	[smem:$0x3FB0] =	sst s7  }
0x10: {  	[smem:$0x3FB1] =	sst s8  }
0x11: {  	[smem:$0x3FB2] =	sst s9;
	s0 =	simm.s32 @!p0 $0x0  }
0x12: {  	s1 =	sld [smem:$0x3F98];
	s0 =	simm.s32 @p0 $0x1  }
0x13: {  	[smem:$0x3FB3] =	sst s0;
	s0 =	simm.s32 @!p1 $0x0  }
0x14: {  	s2 =	sld [smem:$0x3F97];
	s0 =	simm.s32 @p1 $0x1  }
0x15: {  	[smem:$0x3FB4] =	sst s0;
	s0 =	simm.s32 @!p2 $0x0  }
0x16: {  	s3 =	sld [smem:$0x3FDB];
	s0 =	simm.s32 @p2 $0x1  }
0x17: {  	s4 =	simm.s32 $0x1BF5;
	[smem:$0x3FB6] =	sst s0  }
0x18: {  	s0 =	sld [smem:$0x3F99];
	_ =	swait.ge [sflag:s4], $0x0  }
0x19: {  	s7 =	sld [smem:$0x3F9A]  }
0x1a: {  	s8 =	sadd.s32 $0xFFFFE003, lr  }
0x1b: {  	s9 =	sadd.s32 $0xFFFFFEF7, lr;
	s5 =	simm.s32 $0xFFFFFFFF;
	p2 =	slt.u32 s8, $0xFFFFF086  }
0x1c: {  	p1 =	slt.u32 s9, $0xF7A;
	s5 =	simm.s32 @!p2 $0x0  }
0x1d: {  	s5 =	simm.s32 @p1 $0x1;
	p0 =	seq.s32 s7, s2  }
0x1e: {  	s7 =	smul.u32 @!p0 $0xF7A, s2;
	p2 =	seq.s32 @!p0 s5, $0x0  }
0x1f: {  	s9 =	smul.u32 $0xF7A, s1;
	s8 =	simm.s32 @!p0 $0x1BF5;
	p2 =	por !p2, p0  }
0x20: {  	[sflag:s8] =	ssyncset.s32 @!p0 $0xFFFFF086;
	s6 =	sadd.s32 @!p0 s3, s7;
	s7 =	simm.s32 @!p0 $0x108  }
0x21: {  	s3 =	sadd.s32 s3, s9;
	s6 =	sadd.s32 @!p0 $0x88, s6;
	s7 =	simm.s32 @p2 $0x1082  }
0x22: {  	[simem:s7], [sflag:s8] =	dma.local @!p0 [hbm:s6], $0xF7A  }
0x23: {  	s9 =	sor.u32 $0xD0000000, s2;
	s6 =	simm.s32 $0x108;
	_ =	swait.ge @!p0 [sflag:s8], $0x0  }
0x24: {  	s3 =	sadd.s32 $0x88, s3;
	s6 =	simm.s32 @!p1 $0x1082;
	[sflag:s4] =	ssyncset.s32 $0xFFFFF086  }
0x25: {  	[simem:s6], [sflag:s4] =	dma.local [hbm:s3], $0xF7A  }
0x26: {  	[smem:$0x3F9A] =	sst s1;
	(tag) =	ssettag s2;
	_ =	strace s9  }
0x27: {  	s1 =	sld [smem:$0x3FAA]  }
0x28: {  	s2 =	sld [smem:$0x3FAB]  }
0x29: {  	s4 =	sld [smem:$0x3FAD]  }
0x2a: {  	p0 =	seq.s32 s5, $0x0;
	s5 =	sld [smem:$0x3FAE]  }
0x2b: {  	s6 =	sld [smem:$0x3FAF]  }
0x2c: {  	s7 =	sld [smem:$0x3FB0]  }
0x2d: {  	s3 =	simm.s32 $0x108;
	s8 =	sld [smem:$0x3FB1]  }
0x2e: {  	s3 =	simm.s32 @!p0 $0x1082;
	s9 =	sld [smem:$0x3FB2]  }
0x2f: {  	lr =	sadd.s32 s0, s3;
	s0 =	sld [smem:$0x3FA9]  }
0x30: {  	s3 =	sld [smem:$0x3FAC]  }
0x31: {  	[smem:$0x3FB5] =	sst s10  }
0x32: {  	s10 =	sld [smem:$0x3FB3];
	_ =	sdelay $0x3  }
0x33: {  	p0 =	seq.s32 s10, $0x1;
	s10 =	sld [smem:$0x3FB5];
	_ =	sdelay $0x3  }
0x34: {  	[smem:$0x3FB5] =	sst s10  }
0x35: {  	s10 =	sld [smem:$0x3FB4];
	_ =	sdelay $0x3  }
0x36: {  	p1 =	seq.s32 s10, $0x1;
	s10 =	sld [smem:$0x3FB5];
	_ =	sdelay $0x3  }
0x37: {  	[smem:$0x3FB5] =	sst s10  }
0x38: {  	s10 =	sld [smem:$0x3FB6]  }
0x39: {  	_ = 	snop;
	(pc) =	sbr.ind lr, $3  }
0x3a: {  	_ = 	snop  }
0x3b: {  	_ = 	snop  }
0x3c: {  	p2 =	seq.s32 s10, $0x1;
	s10 =	sld [smem:$0x3FB5]  }
0x3d: {  	_ =	shalt  }
0x3e: {  	_ =	shalt  }
0x3f: {  	_ =	shalt  }
0x40: {  	_ =	shalt  }
0x41: {  	_ =	shalt  }
0x42: {  	_ =	shalt  }
0x43: {  	_ =	shalt  }
0x44: {  	_ =	shalt  }
0x45: {  	_ =	shalt  }
0x46: {  	_ =	shalt  }
0x47: {  	_ =	shalt  }
0x48: {  	_ =	shalt  }
0x49: {  	_ =	shalt  }
0x4a: {  	_ =	shalt  }
0x4b: {  	_ =	shalt  }
0x4c: {  	_ =	shalt  }
0x4d: {  	_ =	shalt  }
0x4e: {  	_ =	shalt  }
0x4f: {  	_ =	shalt  }
0x50: {  	_ =	shalt  }
0x51: {  	_ =	shalt  }
0x52: {  	_ =	shalt  }
0x53: {  	_ =	shalt  }
0x54: {  	_ =	shalt  }
0x55: {  	_ =	shalt  }
0x56: {  	_ =	shalt  }
0x57: {  	_ =	shalt  }
0x58: {  	_ =	shalt  }
0x59: {  	_ =	shalt  }
0x5a: {  	_ =	shalt  }
0x5b: {  	_ =	shalt  }
0x5c: {  	_ =	shalt  }
0x5d: {  	_ =	shalt  }
0x5e: {  	_ =	shalt  }
0x5f: {  	_ =	shalt  }
0x60: {  	_ =	shalt  }
0x61: {  	_ =	shalt  }
0x62: {  	_ =	shalt  }
0x63: {  	_ =	shalt  }
0x64: {  	_ =	shalt  }
0x65: {  	_ =	shalt  }
0x66: {  	_ =	shalt  }
0x67: {  	_ =	shalt  }
0x68: {  	_ =	shalt  }
0x69: {  	_ =	shalt  }
0x6a: {  	_ =	shalt  }
0x6b: {  	_ =	shalt  }
0x6c: {  	_ =	shalt  }
0x6d: {  	_ =	shalt  }
0x6e: {  	_ =	shalt  }
0x6f: {  	_ =	shalt  }
0x70: {  	_ =	shalt  }
0x71: {  	_ =	shalt  }
0x72: {  	_ =	shalt  }
0x73: {  	_ =	shalt  }
0x74: {  	_ =	shalt  }
0x75: {  	_ =	shalt  }
0x76: {  	_ =	shalt  }
0x77: {  	_ =	shalt  }
0x78: {  	_ =	shalt  }
0x79: {  	_ =	shalt  }
0x7a: {  	_ =	shalt  }
0x7b: {  	_ =	shalt  }
0x7c: {  	_ =	shalt  }
0x7d: {  	_ =	shalt  }
0x7e: {  	_ =	shalt  }
0x7f: {  	_ =	shalt  }
0x80: {  	_ =	shalt  }
0x81: {  	_ =	shalt  }
0x82: {  	_ =	shalt  }
0x83: {  	_ =	shalt  }
0x84: {  	_ =	shalt  }
0x85: {  	_ =	shalt  }
0x86: {  	_ =	shalt  }
0x87: {  	_ =	shalt  }
.Lfunc_end0:
.L_simem_size_0:
called_computation.3_lowered:
.L_overlay_start_0:
0x88: {  	s2 =	sld [smem:$0x3FD9]  }
0x89: {  	s3 =	sld [smem:$0x3FFE];
	_ =	sdelay $0x1  }
0x8a: {  	s1 =	srdreg.scid  }
0x8b: {  	s0 =	sand.u32 $0x1, s1  }
0x8c: {  	s17 =	sshll.u32 s0, $0xA;
	s2 =	sadd.s32 s3, s2  }
0x8d: {  	s2 =	sadd.s32 s2, s17  }
0x8e: {  	[smem:$0x3FC1] =	sst s2  }
0x8f: {  	_ = 	snop  }
0x90: {  	(tm) =	ssettm $0x1  }
0x91: {  	s18 =	sld [smem:$0x3FFB];
	_ =	sdelay $0x3  }
0x92: {  	_ =	strace s18  }
0x93: {  	s2 =	sld [smem:$0x3FFC];
	_ =	sdelay $0x3  }
0x94: {  	_ =	strace s2  }
0x95: {  	s2 =	sld [smem:$0x3FFD];
	_ =	sdelay $0x3  }
0x96: {  	_ =	strace s2  }
0x97: {  	_ =	strace $0x8FFFFFFF  }
0x98: {  	s19 =	sld [smem:$0x3FDB];
	_ =	sdelay $0x1  }
0x99: {  	s20 =	simm.s32 $_scs_section_size  }
0x9a: {  	s4 =	simm.s32 $_size__tile_overlayer_lowered;
	s5 =	simm.s32 $_tile_overlayer_lowered  }
0x9b: {  	s6 =	simm.s32 $0x1BFF;
	s21 =	sshll.u32 s5, $0x1;
	s3 =	sadd.s32 s20, s19  }
0x9c: {  	s22 =	simm.s32 $0x0;
	s4 =	sshll.u32 s4, $0x1;
	s5 =	sadd.s32 s21, s3  }
0x9d: {  	[timem:s22], [sflag:s6] =	dma.local [hbm:s5], s4  }
0x9e: {  	_ =	swait.ge [sflag:s6], s4  }
0x9f: {  	s4 =	ssub.s32 $0x0, s4;
	[sflag:s6] =	ssyncset.done $0x0  }
0xa0: {  	[sflag:s6] =	ssyncadd.s32 s4;
	_ =	sdelay $0x1  }
0xa1: {  	s23 =	simm.s32 $0x1B8B  }
0xa2: {  	_ =	swait.ge [sflag:s23], $0x1  }
0xa3: {  	[sflag:s23] =	ssyncset.done $0x0  }
0xa4: {  	[sflag:s23] =	ssyncadd.s32 $0xFFFFFFFF  }
0xa5: {  	s4 =	sld [smem:$0x0]  }
0xa6: {  	s5 =	sand.u32 $0xFFFFFFFE, s1  }
0xa7: {  	p0 =	sne.s32 s1, s5  }
0xa8: {  	s5 =	sshll.u32 @p0 s5, $0xE  }
0xa9: {  	s5 =	sadd.s32 @p0 $0x11B8D, s5;
	s6 =	sshll.u32 @p0 s4, $0x11  }
0xaa: {  	s5 =	sor.u32 @p0 s6, s5  }
0xab: {  	[sflag:s5] =	ssyncadd.remote.s32 @p0 $0x1;
	_ =	sdelay $0x1  }
0xac: {  	s5 =	simm.s32 @p0 $0x1B8D  }
0xad: {  	_ =	swait.eq @p0 [sflag:s5], $0x1  }
0xae: {  	[sflag:s5] =	ssyncadd.s32 @p0 $0xFFFFFFFF  }
0xaf: {  	s6 =	sshll.u32 @!p0 s1, $0xE  }
0xb0: {  	s6 =	sor.u32 @!p0 $0x4000, s6;
	s5 =	simm.s32 @!p0 $0x1B8D  }
0xb1: {  	s4 =	sshll.u32 @!p0 s4, $0x11;
	s6 =	sadd.s32 @!p0 $0x11B8D, s6;
	_ =	swait.eq @!p0 [sflag:s5], $0x1  }
0xb2: {  	s4 =	sor.u32 @!p0 s4, s6;
	[sflag:s5] =	ssyncadd.s32 @!p0 $0xFFFFFFFF  }
0xb3: {  	s25 =	simm.s32 $0x1B8E;
	s24 =	sld [smem:$0x3FFE];
	[sflag:s4] =	ssyncadd.remote.s32 @!p0 $0x1  }
0xb4: {  	s26 =	simm.s32 $execute0_lowered;
	[smem:$0x3FD2] =	sst s25  }
0xb5: {  	s5 =	sshll.u32 s26, $0x1;
	_ =	strace $0x8000004F;
	[dreg:$0x1] =	wrdreg $0xFFFFFFFF  }
0xb6: {  	s28 =	simm.s32 $_size_execute0_lowered;
	s3 =	sadd.s32 s3, s5;
	[dreg:$0x0] =	wrdreg $0x0  }
0xb7: {  	s5 =	sshll.u32 s28, $0x1;
	[dreg:$0x2] =	wrdreg s3  }
0xb8: {  	[dreg:$0x3] =	wrdreg s5  }
0xb9: {  	[dreg:$0x4] =	wrdreg $0xC0  }
0xba: {  	_ =	task [dreg:s22], $0x5FFFF  }
0xbb: {  	[dreg:$0x1] =	wrdreg $0xFFFFFFFF  }
0xbc: {  	[dreg:$0x0] =	wrdreg $0x60  }
0xbd: {  	[dreg:$0x2] =	wrdreg s24  }
0xbe: {  	[dreg:$0x3] =	wrdreg $0xC  }
0xbf: {  	_ =	task.clear_ibuf [dreg:s22], $0x4FFFF;
	_ =	strace $0x9000004F  }
0xc0: {  	s29 =	simm.s32 $0xC;
	_ =	strace $0x80000051  }
0xc1: {  	_ =	swait.ge [sflag:s29], $0x1  }
0xc2: {  	[sflag:s29] =	ssyncadd.s32 $0xFFFFFFFF  }
0xc3: {  	_ =	strace $0x90000051  }
0xc4: {  	_ =	sfence  }
0xc5: {  	s30 =	sld [smem:$0x0];
	_ =	sdelay $0x2  }
0xc6: {  	s31 =	sshll.u32 s1, $0xD;
	s1 =	sshrl.u32 s1, $0x2  }
0xc7: {  	s4 =	sand.u32 $0x4000, s31;
	s1 =	sadd.s32 s1, s30  }
0xc8: {  	s0 =	sor.u32 s4, s0;
	s1 =	sshll.u32 s1, $0x11  }
0xc9: {  	s0 =	sor.u32 s1, s0  }
0xca: {  	s0 =	sadd.s32 $0x8F2B, s0  }
0xcb: {  	[sflag:s0] =	ssyncadd.remote.s32 $0x1  }
0xcc: {  	_ =	sfence.sel $0xFFFF  }
0xcd: {  	[dreg:$0x0] =	wrdreg $0xFFFFFFFF;
	(pc) =	sbr.abs _section_cstart, $3  }
0xce: {  	[dreg:$0x1] =	wrdreg $0xFFFFFFFF  }
0xcf: {  	_ =	task.clear_ibuf [dreg:s22], $0x2FFFF;
	_ =	strace $0x9FFFFFFF  }
0xd0: {  	(tm) =	ssettm $0x7FFFFFFF  }
0xd1: {  	_ =	shalt  }
tec
execute0_lowered:
.L_overlay_start_1:
0x0: {  	(tag) =	ssettag $0x1  }
0x1: {  	s1 =	srdreg.scid;
	s0 =	stileid.u32  }
0x2: {  	s22 =	sand.u32 $0x1, s1;
	s31 =	sshll.u32 s0, $0x1  }
0x3: {  	s16 =	rddreg [dreg:$0x0];
	s17 =	sor.u32 s22, s31  }
0x4: {  	s2 =	simm.s32 $0x0;
	s1 =	rddreg [dreg:$0x1];
	s3 =	sshll.u32 s17, $0x8  }
0x5: {  	[smem:$0x7FF] =	sst s2;
	s3 =	sadd.s32 s3, s16  }
0x6: {  	_ =	strace $0x80000050;
	s4 =	sadd.s32 $0xA000, s3;
	s3 =	simm.s32 $0x2  }
0x7: {  	[tilespmem:s2], [sflag:$0x2] =	stream.linear.gather [hbm4b:s4+s2], $0x500, $0x38;
	[tilespmem:$0x14800] =	vst v63  }
0x8: {  	_ =	swait.ge [sflag:s3], $0x500  }
0x9: {  	s6 =	simm.s32 $0x80;
	[sflag:s3] =	ssyncset.done $0x0  }
0xa: {  	s7 =	simm.s32 $0x800;
	s5 =	sadd.s32 $0xE000, s16;
	[sflag:s3] =	ssyncadd.s32 $0xFFFFFB00  }
0xb: {  	[tilespmem:s7], [sflag:$0x1] =	stream.indirect.gather [hbm4b:s5+s6], $0x80, s2, s6, $0xb8;
	[tilespmem:$0x14800] =	vst v63  }
0xc: {  	s8 =	simm.s32 $0x4800  }
0xd: {  	[tilespmem:s8], [sflag:$0x1] =	stream.indirect.gather [hbm4b:s5+s6], $0x80, s6, s6, $0xb8;
	[tilespmem:$0x14800] =	vst v63  }
0xe: {  	s9 =	simm.s32 $0x100;
	s10 =	simm.s32 $0x8800  }
0xf: {  	[tilespmem:s10], [sflag:$0x1] =	stream.indirect.gather [hbm4b:s5+s6], $0x80, s9, s6, $0xb8;
	[tilespmem:$0x14800] =	vst v63  }
0x10: {  	s11 =	simm.s32 $0x180;
	s12 =	simm.s32 $0xC800  }
0x11: {  	[tilespmem:s12], [sflag:$0x1] =	stream.indirect.gather [hbm4b:s5+s6], $0x80, s11, s6, $0xb8;
	[tilespmem:$0x14800] =	vst v63  }
0x12: {  	s13 =	simm.s32 $0x200;
	s14 =	simm.s32 $0x10800;
	s15 =	simm.s32 $0x1  }
0x13: {  	[tilespmem:s14], [sflag:$0x1] =	stream.indirect.gather [hbm4b:s5+s6], $0x80, s13, s6, $0xb8;
	[tilespmem:$0x14800] =	vst v63  }
0x14: {  	_ =	swait.ge [sflag:s15], $0x4000  }
0x15: {  	[sflag:s15] =	ssyncset.done $0x0  }
0x16: {  	[sflag:s15] =	ssyncadd.s32 $0xFFFFC000  }
0x17: {  	_ =	swait.ge [sflag:s15], $0x4000  }
0x18: {  	[sflag:s15] =	ssyncset.done $0x0  }
0x19: {  	[sflag:s15] =	ssyncadd.s32 $0xFFFFC000  }
0x1a: {  	_ =	swait.ge [sflag:s15], $0x4000  }
0x1b: {  	[sflag:s15] =	ssyncset.done $0x0  }
0x1c: {  	[sflag:s15] =	ssyncadd.s32 $0xFFFFC000  }
0x1d: {  	_ =	swait.ge [sflag:s15], $0x4000  }
0x1e: {  	[sflag:s15] =	ssyncset.done $0x0  }
0x1f: {  	s17 =	smul.u32 $0x5000, s17;
	[sflag:s15] =	ssyncadd.s32 $0xFFFFC000  }
0x20: {  	_ =	swait.ge [sflag:s15], $0x4000  }
0x21: {  	s23 =	sadd.s32 s17, s16;
	[sflag:s15] =	ssyncset.done $0x0  }
0x22: {  	s16 =	sadd.s32 $0x152400, s23;
	[sflag:s15] =	ssyncadd.s32 $0xFFFFC000  }
0x23: {  	[hbm4b:s16+s2] =	stream.linear.scatter [tilespmem:s7], [sflag:$0x2], $0x14000, $0x38;
	[tilespmem:$0x14800] =	vst v63  }
0x24: {  	_ =	swait.ge [sflag:s3], $0x14000  }
0x25: {  	[sflag:s3] =	ssyncset.done $0x0  }
0x26: {  	s17 =	simm.s32 $0x280;
	[sflag:s3] =	ssyncadd.s32 $0xFFFEC000  }
0x27: {  	[tilespmem:s7], [sflag:$0x1] =	stream.indirect.gather [hbm4b:s5+s6], $0x80, s17, s6, $0xb8;
	[tilespmem:$0x14800] =	vst v63  }
0x28: {  	s18 =	simm.s32 $0x300  }
0x29: {  	[tilespmem:s8], [sflag:$0x1] =	stream.indirect.gather [hbm4b:s5+s6], $0x80, s18, s6, $0xb8;
	[tilespmem:$0x14800] =	vst v63  }
0x2a: {  	s19 =	simm.s32 $0x380  }
0x2b: {  	[tilespmem:s10], [sflag:$0x1] =	stream.indirect.gather [hbm4b:s5+s6], $0x80, s19, s6, $0xb8;
	[tilespmem:$0x14800] =	vst v63  }
0x2c: {  	s20 =	simm.s32 $0x400  }
0x2d: {  	[tilespmem:s12], [sflag:$0x1] =	stream.indirect.gather [hbm4b:s5+s6], $0x80, s20, s6, $0xb8;
	[tilespmem:$0x14800] =	vst v63  }
0x2e: {  	s21 =	simm.s32 $0x480  }
0x2f: {  	[tilespmem:s14], [sflag:$0x1] =	stream.indirect.gather [hbm4b:s5+s6], $0x80, s21, s6, $0xb8;
	[tilespmem:$0x14800] =	vst v63  }
0x30: {  	_ =	swait.ge [sflag:s15], $0x4000  }
0x31: {  	[sflag:s15] =	ssyncset.done $0x0  }
0x32: {  	[sflag:s15] =	ssyncadd.s32 $0xFFFFC000  }
0x33: {  	_ =	swait.ge [sflag:s15], $0x4000  }
0x34: {  	[sflag:s15] =	ssyncset.done $0x0  }
0x35: {  	[sflag:s15] =	ssyncadd.s32 $0xFFFFC000  }
0x36: {  	_ =	swait.ge [sflag:s15], $0x4000  }
0x37: {  	[sflag:s15] =	ssyncset.done $0x0  }
0x38: {  	s22 =	ssub.s32 $0x2, s22;
	[sflag:s15] =	ssyncadd.s32 $0xFFFFC000  }
0x39: {  	s24 =	sshrl.u32 s22, $0x1;
	_ =	swait.ge [sflag:s15], $0x4000  }
0x3a: {  	s22 =	ssub.s32 s22, s24;
	[sflag:s15] =	ssyncset.done $0x0  }
0x3b: {  	s24 =	smax.u32 s22, $0x1;
	[sflag:s15] =	ssyncadd.s32 $0xFFFFC000  }
0x3c: {  	p0 =	sne.s32 s24, $0x1;
	_ =	swait.ge [sflag:s15], $0x4000  }
.Ltmp0:
0x3d: {  	[sflag:s15] =	ssyncset.done $0x0;
	(pc) =	sbr.rel @!p0 .LBB2_2-.Ltmp0, $4  }
0x3e: {  	s22 =	sadd.s32 $0x154C00, s23;
	[sflag:s15] =	ssyncadd.s32 $0xFFFFC000  }
0x3f: {  	[hbm4b:s22+s2] =	stream.linear.scatter [tilespmem:s7], [sflag:$0x2], $0x14000, $0x38;
	[tilespmem:$0x14800] =	vst v63  }
0x40: {  	_ =	swait.ge [sflag:s3], $0x14000  }
0x41: {  	s23 =	sadd.s32 $0xFFFFFFFF, s24;
	[sflag:s3] =	ssyncset.done $0x0  }
.LBB2_1:
0x42: {  	p0 =	sne.s32 s23, $0x1;
	s23 =	sadd.s32 $0xFFFFFFFF, s23;
	[sflag:s3] =	ssyncadd.s32 $0xFFFEC000  }
0x43: {  	[tilespmem:s2], [sflag:$0x2] =	stream.linear.gather [hbm4b:s4+s2], $0x500, $0x38;
	[tilespmem:$0x14800] =	vst v63  }
0x44: {  	_ =	swait.ge [sflag:s3], $0x500  }
0x45: {  	[sflag:s3] =	ssyncset.done $0x0  }
0x46: {  	[sflag:s3] =	ssyncadd.s32 $0xFFFFFB00  }
0x47: {  	[tilespmem:s7], [sflag:$0x1] =	stream.indirect.gather [hbm4b:s5+s6], $0x80, s2, s6, $0xb8;
	[tilespmem:$0x14800] =	vst v63  }
0x48: {  	_ = 	snop  }
0x49: {  	[tilespmem:s8], [sflag:$0x1] =	stream.indirect.gather [hbm4b:s5+s6], $0x80, s6, s6, $0xb8;
	[tilespmem:$0x14800] =	vst v63  }
0x4a: {  	_ = 	snop  }
0x4b: {  	[tilespmem:s10], [sflag:$0x1] =	stream.indirect.gather [hbm4b:s5+s6], $0x80, s9, s6, $0xb8;
	[tilespmem:$0x14800] =	vst v63  }
0x4c: {  	_ = 	snop  }
0x4d: {  	[tilespmem:s12], [sflag:$0x1] =	stream.indirect.gather [hbm4b:s5+s6], $0x80, s11, s6, $0xb8;
	[tilespmem:$0x14800] =	vst v63  }
0x4e: {  	_ = 	snop  }
0x4f: {  	[tilespmem:s14], [sflag:$0x1] =	stream.indirect.gather [hbm4b:s5+s6], $0x80, s13, s6, $0xb8;
	[tilespmem:$0x14800] =	vst v63  }
0x50: {  	_ =	swait.ge [sflag:s15], $0x4000  }
0x51: {  	[sflag:s15] =	ssyncset.done $0x0  }
0x52: {  	[sflag:s15] =	ssyncadd.s32 $0xFFFFC000  }
0x53: {  	_ =	swait.ge [sflag:s15], $0x4000  }
0x54: {  	[sflag:s15] =	ssyncset.done $0x0  }
0x55: {  	[sflag:s15] =	ssyncadd.s32 $0xFFFFC000  }
0x56: {  	_ =	swait.ge [sflag:s15], $0x4000  }
0x57: {  	[sflag:s15] =	ssyncset.done $0x0  }
0x58: {  	[sflag:s15] =	ssyncadd.s32 $0xFFFFC000  }
0x59: {  	_ =	swait.ge [sflag:s15], $0x4000  }
0x5a: {  	[sflag:s15] =	ssyncset.done $0x0  }
0x5b: {  	[sflag:s15] =	ssyncadd.s32 $0xFFFFC000  }
0x5c: {  	_ =	swait.ge [sflag:s15], $0x4000  }
0x5d: {  	[sflag:s15] =	ssyncset.done $0x0  }
0x5e: {  	[sflag:s15] =	ssyncadd.s32 $0xFFFFC000  }
0x5f: {  	[hbm4b:s16+s2] =	stream.linear.scatter [tilespmem:s7], [sflag:$0x2], $0x14000, $0x38;
	[tilespmem:$0x14800] =	vst v63  }
0x60: {  	_ =	swait.ge [sflag:s3], $0x14000  }
0x61: {  	[sflag:s3] =	ssyncset.done $0x0  }
0x62: {  	[sflag:s3] =	ssyncadd.s32 $0xFFFEC000  }
0x63: {  	[tilespmem:s7], [sflag:$0x1] =	stream.indirect.gather [hbm4b:s5+s6], $0x80, s17, s6, $0xb8;
	[tilespmem:$0x14800] =	vst v63  }
0x64: {  	_ = 	snop  }
0x65: {  	[tilespmem:s8], [sflag:$0x1] =	stream.indirect.gather [hbm4b:s5+s6], $0x80, s18, s6, $0xb8;
	[tilespmem:$0x14800] =	vst v63  }
0x66: {  	_ = 	snop  }
0x67: {  	[tilespmem:s10], [sflag:$0x1] =	stream.indirect.gather [hbm4b:s5+s6], $0x80, s19, s6, $0xb8;
	[tilespmem:$0x14800] =	vst v63  }
0x68: {  	_ = 	snop  }
0x69: {  	[tilespmem:s12], [sflag:$0x1] =	stream.indirect.gather [hbm4b:s5+s6], $0x80, s20, s6, $0xb8;
	[tilespmem:$0x14800] =	vst v63  }
0x6a: {  	_ = 	snop  }
0x6b: {  	[tilespmem:s14], [sflag:$0x1] =	stream.indirect.gather [hbm4b:s5+s6], $0x80, s21, s6, $0xb8;
	[tilespmem:$0x14800] =	vst v63  }
0x6c: {  	_ =	swait.ge [sflag:s15], $0x4000  }
0x6d: {  	[sflag:s15] =	ssyncset.done $0x0  }
0x6e: {  	[sflag:s15] =	ssyncadd.s32 $0xFFFFC000  }
0x6f: {  	_ =	swait.ge [sflag:s15], $0x4000  }
0x70: {  	[sflag:s15] =	ssyncset.done $0x0  }
0x71: {  	[sflag:s15] =	ssyncadd.s32 $0xFFFFC000  }
0x72: {  	_ =	swait.ge [sflag:s15], $0x4000  }
0x73: {  	[sflag:s15] =	ssyncset.done $0x0  }
0x74: {  	[sflag:s15] =	ssyncadd.s32 $0xFFFFC000  }
0x75: {  	_ =	swait.ge [sflag:s15], $0x4000  }
0x76: {  	[sflag:s15] =	ssyncset.done $0x0  }
0x77: {  	[sflag:s15] =	ssyncadd.s32 $0xFFFFC000  }
0x78: {  	_ =	swait.ge [sflag:s15], $0x4000  }
.Ltmp1:
0x79: {  	[sflag:s15] =	ssyncset.done $0x0;
	(pc) =	sbr.rel @p0 .LBB2_1-.Ltmp1, $4  }
0x7a: {  	[sflag:s15] =	ssyncadd.s32 $0xFFFFC000  }
0x7b: {  	[hbm4b:s22+s2] =	stream.linear.scatter [tilespmem:s7], [sflag:$0x2], $0x14000, $0x38;
	[tilespmem:$0x14800] =	vst v63  }
0x7c: {  	_ =	swait.ge [sflag:s3], $0x14000  }
0x7d: {  	[sflag:s3] =	ssyncset.done $0x0  }
.LBB2_2:
0x7e: {  	[sflag:s3] =	ssyncadd.s32 $0xFFFEC000  }
0x7f: {  	_ =	sfence.sel $0x180000  }
0x80: {  	[bflag:$0x0] =	sbarrier.arrive $0xFFFF  }
0x81: {  	p0 =	sne.s32 s0, $0x0;
	_ =	strace $0x90000050  }
0x82: {  	s0 =	sadd.s32 @!p0 $0x100000, s1;
	[bflag:$0x2] =	sbarrier.arrive $0xFFFF  }
0x83: {  	[sflag:s0] =	ssyncadd.tile.s32 @!p0 $0x1;
	_ =	shalt  }
.Lfunc_end2:
_tile_overlayer_lowered:
.L_overlay_start_2:
0x84: {  	(tag) =	ssettag $0x2  }
0x85: {  	s0 =	rddreg [dreg:$0x0];
	s2 =	stileid.u32  }
0x86: {  	s1 =	rddreg [dreg:$0x1];
	p0 =	sne.s32 s2, $0x0  }
0x87: {  	s3 =	rddreg [dreg:$0x2];
	[bflag:$0x3] =	sbarrier.arrive $0xFFFF;
	s2 =	simm.s32 @!p0 $0x1C02  }
0x88: {  	[timem:s3], [sflag:s2] =	dma.local @!p0 [hbm:s0], s1  }
0x89: {  	s0 =	simm.s32 @!p0 $0x2  }
0x8a: {  	_ =	swait.ge @!p0 [sflag:s0], s1  }
0x8b: {  	s1 =	ssub.s32 @!p0 $0x0, s1;
	[sflag:s0] =	ssyncset.done @!p0 $0x0  }
0x8c: {  	[sflag:s0] =	ssyncadd.s32 @!p0 s1  }
0x8d: {  	[bflag:$0x3] =	sbarrier.arrive $0xFFFF  }
0x8e: {  	_ =	shalt  }

// kernel: kernel.25.cloned.1.call-start
scs
__scs_entry_jumppad:
0x0: {  	(pc) =	sbr.rel $0x88, $3  }
0x1: {  	(tag) =	ssettag $0x0;
	lr =	simm.s32 $0x1  }
0x2: {  	[smem:$0x3F9A] =	sst lr;
	_ =	strace $0xD0000000  }
0x3: {  	_ = 	snop  }
0x4: {  	_ = 	snop  }
0x5: {  	_ = 	snop  }
0x6: {  	_ = 	snop  }
0x7: {  	_ = 	snop  }
__scs_overlays_trampoline_lowered:
0x8: {  	[smem:$0x3FA9] =	sst s0  }
0x9: {  	[smem:$0x3FAA] =	sst s1  }
0xa: {  	[smem:$0x3FAB] =	sst s2  }
0xb: {  	[smem:$0x3FAC] =	sst s3  }
0xc: {  	[smem:$0x3FAD] =	sst s4  }
0xd: {  	[smem:$0x3FAE] =	sst s5  }
0xe: {  	[smem:$0x3FAF] =	sst s6  }
0xf: {  	[smem:$0x3FB0] =	sst s7  }
0x10: {  	[smem:$0x3FB1] =	sst s8  }
0x11: {  	[smem:$0x3FB2] =	sst s9;
	s0 =	simm.s32 @!p0 $0x0  }
0x12: {  	s1 =	sld [smem:$0x3F98];
	s0 =	simm.s32 @p0 $0x1  }
0x13: {  	[smem:$0x3FB3] =	sst s0;
	s0 =	simm.s32 @!p1 $0x0  }
0x14: {  	s2 =	sld [smem:$0x3F97];
	s0 =	simm.s32 @p1 $0x1  }
0x15: {  	[smem:$0x3FB4] =	sst s0;
	s0 =	simm.s32 @!p2 $0x0  }
0x16: {  	s3 =	sld [smem:$0x3FDB];
	s0 =	simm.s32 @p2 $0x1  }
0x17: {  	s4 =	simm.s32 $0x1BF5;
	[smem:$0x3FB6] =	sst s0  }
0x18: {  	s0 =	sld [smem:$0x3F99];
	_ =	swait.ge [sflag:s4], $0x0  }
0x19: {  	s7 =	sld [smem:$0x3F9A]  }
0x1a: {  	s8 =	sadd.s32 $0xFFFFE003, lr  }
0x1b: {  	s9 =	sadd.s32 $0xFFFFFEF7, lr;
	s5 =	simm.s32 $0xFFFFFFFF;
	p2 =	slt.u32 s8, $0xFFFFF086  }
0x1c: {  	p1 =	slt.u32 s9, $0xF7A;
	s5 =	simm.s32 @!p2 $0x0  }
0x1d: {  	s5 =	simm.s32 @p1 $0x1;
	p0 =	seq.s32 s7, s2  }
0x1e: {  	s7 =	smul.u32 @!p0 $0xF7A, s2;
	p2 =	seq.s32 @!p0 s5, $0x0  }
0x1f: {  	s9 =	smul.u32 $0xF7A, s1;
	s8 =	simm.s32 @!p0 $0x1BF5;
	p2 =	por !p2, p0  }
0x20: {  	[sflag:s8] =	ssyncset.s32 @!p0 $0xFFFFF086;
	s6 =	sadd.s32 @!p0 s3, s7;
	s7 =	simm.s32 @!p0 $0x108  }
0x21: {  	s3 =	sadd.s32 s3, s9;
	s6 =	sadd.s32 @!p0 $0x88, s6;
	s7 =	simm.s32 @p2 $0x1082  }
0x22: {  	[simem:s7], [sflag:s8] =	dma.local @!p0 [hbm:s6], $0xF7A  }
0x23: {  	s9 =	sor.u32 $0xD0000000, s2;
	s6 =	simm.s32 $0x108;
	_ =	swait.ge @!p0 [sflag:s8], $0x0  }
0x24: {  	s3 =	sadd.s32 $0x88, s3;
	s6 =	simm.s32 @!p1 $0x1082;
	[sflag:s4] =	ssyncset.s32 $0xFFFFF086  }
0x25: {  	[simem:s6], [sflag:s4] =	dma.local [hbm:s3], $0xF7A  }
0x26: {  	[smem:$0x3F9A] =	sst s1;
	(tag) =	ssettag s2;
	_ =	strace s9  }
0x27: {  	s1 =	sld [smem:$0x3FAA]  }
0x28: {  	s2 =	sld [smem:$0x3FAB]  }
0x29: {  	s4 =	sld [smem:$0x3FAD]  }
0x2a: {  	p0 =	seq.s32 s5, $0x0;
	s5 =	sld [smem:$0x3FAE]  }
0x2b: {  	s6 =	sld [smem:$0x3FAF]  }
0x2c: {  	s7 =	sld [smem:$0x3FB0]  }
0x2d: {  	s3 =	simm.s32 $0x108;
	s8 =	sld [smem:$0x3FB1]  }
0x2e: {  	s3 =	simm.s32 @!p0 $0x1082;
	s9 =	sld [smem:$0x3FB2]  }
0x2f: {  	lr =	sadd.s32 s0, s3;
	s0 =	sld [smem:$0x3FA9]  }
0x30: {  	s3 =	sld [smem:$0x3FAC]  }
0x31: {  	[smem:$0x3FB5] =	sst s10  }
0x32: {  	s10 =	sld [smem:$0x3FB3];
	_ =	sdelay $0x3  }
0x33: {  	p0 =	seq.s32 s10, $0x1;
	s10 =	sld [smem:$0x3FB5];
	_ =	sdelay $0x3  }
0x34: {  	[smem:$0x3FB5] =	sst s10  }
0x35: {  	s10 =	sld [smem:$0x3FB4];
	_ =	sdelay $0x3  }
0x36: {  	p1 =	seq.s32 s10, $0x1;
	s10 =	sld [smem:$0x3FB5];
	_ =	sdelay $0x3  }
0x37: {  	[smem:$0x3FB5] =	sst s10  }
0x38: {  	s10 =	sld [smem:$0x3FB6]  }
0x39: {  	_ = 	snop;
	(pc) =	sbr.ind lr, $3  }
0x3a: {  	_ = 	snop  }
0x3b: {  	_ = 	snop  }
0x3c: {  	p2 =	seq.s32 s10, $0x1;
	s10 =	sld [smem:$0x3FB5]  }
0x3d: {  	_ =	shalt  }
0x3e: {  	_ =	shalt  }
0x3f: {  	_ =	shalt  }
0x40: {  	_ =	shalt  }
0x41: {  	_ =	shalt  }
0x42: {  	_ =	shalt  }
0x43: {  	_ =	shalt  }
0x44: {  	_ =	shalt  }
0x45: {  	_ =	shalt  }
0x46: {  	_ =	shalt  }
0x47: {  	_ =	shalt  }
0x48: {  	_ =	shalt  }
0x49: {  	_ =	shalt  }
0x4a: {  	_ =	shalt  }
0x4b: {  	_ =	shalt  }
0x4c: {  	_ =	shalt  }
0x4d: {  	_ =	shalt  }
0x4e: {  	_ =	shalt  }
0x4f: {  	_ =	shalt  }
0x50: {  	_ =	shalt  }
0x51: {  	_ =	shalt  }
0x52: {  	_ =	shalt  }
0x53: {  	_ =	shalt  }
0x54: {  	_ =	shalt  }
0x55: {  	_ =	shalt  }
0x56: {  	_ =	shalt  }
0x57: {  	_ =	shalt  }
0x58: {  	_ =	shalt  }
0x59: {  	_ =	shalt  }
0x5a: {  	_ =	shalt  }
0x5b: {  	_ =	shalt  }
0x5c: {  	_ =	shalt  }
0x5d: {  	_ =	shalt  }
0x5e: {  	_ =	shalt  }
0x5f: {  	_ =	shalt  }
0x60: {  	_ =	shalt  }
0x61: {  	_ =	shalt  }
0x62: {  	_ =	shalt  }
0x63: {  	_ =	shalt  }
0x64: {  	_ =	shalt  }
0x65: {  	_ =	shalt  }
0x66: {  	_ =	shalt  }
0x67: {  	_ =	shalt  }
0x68: {  	_ =	shalt  }
0x69: {  	_ =	shalt  }
0x6a: {  	_ =	shalt  }
0x6b: {  	_ =	shalt  }
0x6c: {  	_ =	shalt  }
0x6d: {  	_ =	shalt  }
0x6e: {  	_ =	shalt  }
0x6f: {  	_ =	shalt  }
0x70: {  	_ =	shalt  }
0x71: {  	_ =	shalt  }
0x72: {  	_ =	shalt  }
0x73: {  	_ =	shalt  }
0x74: {  	_ =	shalt  }
0x75: {  	_ =	shalt  }
0x76: {  	_ =	shalt  }
0x77: {  	_ =	shalt  }
0x78: {  	_ =	shalt  }
0x79: {  	_ =	shalt  }
0x7a: {  	_ =	shalt  }
0x7b: {  	_ =	shalt  }
0x7c: {  	_ =	shalt  }
0x7d: {  	_ =	shalt  }
0x7e: {  	_ =	shalt  }
0x7f: {  	_ =	shalt  }
0x80: {  	_ =	shalt  }
0x81: {  	_ =	shalt  }
0x82: {  	_ =	shalt  }
0x83: {  	_ =	shalt  }
0x84: {  	_ =	shalt  }
0x85: {  	_ =	shalt  }
0x86: {  	_ =	shalt  }
0x87: {  	_ =	shalt  }
.Lfunc_end0:
.L_simem_size_0:
called_computation.4_lowered:
.L_overlay_start_0:
0x88: {  	s2 =	sld [smem:$0x3FD9]  }
0x89: {  	s3 =	sld [smem:$0x3FFE];
	_ =	sdelay $0x1  }
0x8a: {  	s1 =	srdreg.scid  }
0x8b: {  	s0 =	sand.u32 $0x1, s1  }
0x8c: {  	s17 =	sshll.u32 s0, $0xA;
	s2 =	sadd.s32 s3, s2  }
0x8d: {  	s2 =	sadd.s32 s2, s17  }
0x8e: {  	[smem:$0x3FC1] =	sst s2  }
0x8f: {  	_ = 	snop  }
0x90: {  	(tm) =	ssettm $0x1  }
0x91: {  	s18 =	sld [smem:$0x3FFB];
	_ =	sdelay $0x3  }
0x92: {  	_ =	strace s18  }
0x93: {  	s2 =	sld [smem:$0x3FFC];
	_ =	sdelay $0x3  }
0x94: {  	_ =	strace s2  }
0x95: {  	s2 =	sld [smem:$0x3FFD];
	_ =	sdelay $0x3  }
0x96: {  	_ =	strace s2  }
0x97: {  	_ =	strace $0x8FFFFFFF  }
0x98: {  	s19 =	sld [smem:$0x3FDB];
	_ =	sdelay $0x1  }
0x99: {  	s20 =	simm.s32 $_scs_section_size  }
0x9a: {  	s4 =	simm.s32 $_size__tile_overlayer_lowered;
	s5 =	simm.s32 $_tile_overlayer_lowered  }
0x9b: {  	s6 =	simm.s32 $0x1BFF;
	s21 =	sshll.u32 s5, $0x1;
	s3 =	sadd.s32 s20, s19  }
0x9c: {  	s22 =	simm.s32 $0x0;
	s4 =	sshll.u32 s4, $0x1;
	s5 =	sadd.s32 s21, s3  }
0x9d: {  	[timem:s22], [sflag:s6] =	dma.local [hbm:s5], s4  }
0x9e: {  	_ =	swait.ge [sflag:s6], s4  }
0x9f: {  	s4 =	ssub.s32 $0x0, s4;
	[sflag:s6] =	ssyncset.done $0x0  }
0xa0: {  	[sflag:s6] =	ssyncadd.s32 s4;
	_ =	sdelay $0x1  }
0xa1: {  	s23 =	simm.s32 $0x1B8B  }
0xa2: {  	_ =	swait.ge [sflag:s23], $0x1  }
0xa3: {  	[sflag:s23] =	ssyncset.done $0x0  }
0xa4: {  	[sflag:s23] =	ssyncadd.s32 $0xFFFFFFFF  }
0xa5: {  	s4 =	sld [smem:$0x0]  }
0xa6: {  	s5 =	sand.u32 $0xFFFFFFFE, s1  }
0xa7: {  	p0 =	sne.s32 s1, s5  }
0xa8: {  	s5 =	sshll.u32 @p0 s5, $0xE  }
0xa9: {  	s5 =	sadd.s32 @p0 $0x11B8D, s5;
	s6 =	sshll.u32 @p0 s4, $0x11  }
0xaa: {  	s5 =	sor.u32 @p0 s6, s5  }
0xab: {  	[sflag:s5] =	ssyncadd.remote.s32 @p0 $0x1;
	_ =	sdelay $0x1  }
0xac: {  	s5 =	simm.s32 @p0 $0x1B8D  }
0xad: {  	_ =	swait.eq @p0 [sflag:s5], $0x1  }
0xae: {  	[sflag:s5] =	ssyncadd.s32 @p0 $0xFFFFFFFF  }
0xaf: {  	s6 =	sshll.u32 @!p0 s1, $0xE  }
0xb0: {  	s6 =	sor.u32 @!p0 $0x4000, s6;
	s5 =	simm.s32 @!p0 $0x1B8D  }
0xb1: {  	s4 =	sshll.u32 @!p0 s4, $0x11;
	s6 =	sadd.s32 @!p0 $0x11B8D, s6;
	_ =	swait.eq @!p0 [sflag:s5], $0x1  }
0xb2: {  	s4 =	sor.u32 @!p0 s4, s6;
	[sflag:s5] =	ssyncadd.s32 @!p0 $0xFFFFFFFF  }
0xb3: {  	s25 =	simm.s32 $0x1B8E;
	s24 =	sld [smem:$0x3FFE];
	[sflag:s4] =	ssyncadd.remote.s32 @!p0 $0x1  }
0xb4: {  	s26 =	simm.s32 $execute0_lowered;
	[smem:$0x3FD2] =	sst s25  }
0xb5: {  	s5 =	sshll.u32 s26, $0x1;
	_ =	strace $0x80000052;
	[dreg:$0x1] =	wrdreg $0xFFFFFFFF  }
0xb6: {  	s28 =	simm.s32 $_size_execute0_lowered;
	s3 =	sadd.s32 s3, s5;
	[dreg:$0x0] =	wrdreg $0x0  }
0xb7: {  	s5 =	sshll.u32 s28, $0x1;
	[dreg:$0x2] =	wrdreg s3  }
0xb8: {  	[dreg:$0x3] =	wrdreg s5  }
0xb9: {  	[dreg:$0x4] =	wrdreg $0xC0  }
0xba: {  	_ =	task [dreg:s22], $0x5FFFF  }
0xbb: {  	[dreg:$0x1] =	wrdreg $0xFFFFFFFF  }
0xbc: {  	[dreg:$0x0] =	wrdreg $0x60  }
0xbd: {  	[dreg:$0x2] =	wrdreg s24  }
0xbe: {  	[dreg:$0x3] =	wrdreg $0xD  }
0xbf: {  	_ =	task.clear_ibuf [dreg:s22], $0x4FFFF;
	_ =	strace $0x90000052  }
0xc0: {  	s29 =	simm.s32 $0xD;
	_ =	strace $0x80000054  }
0xc1: {  	_ =	swait.ge [sflag:s29], $0x1  }
0xc2: {  	[sflag:s29] =	ssyncadd.s32 $0xFFFFFFFF  }
0xc3: {  	_ =	strace $0x90000054  }
0xc4: {  	_ =	sfence  }
0xc5: {  	s30 =	sld [smem:$0x0];
	_ =	sdelay $0x2  }
0xc6: {  	s31 =	sshll.u32 s1, $0xD;
	s1 =	sshrl.u32 s1, $0x2  }
0xc7: {  	s4 =	sand.u32 $0x4000, s31;
	s1 =	sadd.s32 s1, s30  }
0xc8: {  	s0 =	sor.u32 s4, s0;
	s1 =	sshll.u32 s1, $0x11  }
0xc9: {  	s0 =	sor.u32 s1, s0  }
0xca: {  	s0 =	sadd.s32 $0x8F2B, s0  }
0xcb: {  	[sflag:s0] =	ssyncadd.remote.s32 $0x1  }
0xcc: {  	_ =	sfence.sel $0xFFFF  }
0xcd: {  	[dreg:$0x0] =	wrdreg $0xFFFFFFFF;
	(pc) =	sbr.abs _section_cstart, $3  }
0xce: {  	[dreg:$0x1] =	wrdreg $0xFFFFFFFF  }
0xcf: {  	_ =	task.clear_ibuf [dreg:s22], $0x2FFFF;
	_ =	strace $0x9FFFFFFF  }
0xd0: {  	(tm) =	ssettm $0x7FFFFFFF  }
0xd1: {  	_ =	shalt  }
tec
execute0_lowered:
.L_overlay_start_1:
0x0: {  	(tag) =	ssettag $0x1  }
0x1: {  	s1 =	srdreg.scid;
	s0 =	stileid.u32  }
0x2: {  	s22 =	sand.u32 $0x1, s1;
	s31 =	sshll.u32 s0, $0x1  }
0x3: {  	s16 =	rddreg [dreg:$0x0];
	s17 =	sor.u32 s22, s31  }
0x4: {  	s2 =	simm.s32 $0x0;
	s1 =	rddreg [dreg:$0x1];
	s3 =	sshll.u32 s17, $0x8  }
0x5: {  	[smem:$0x7FF] =	sst s2;
	s3 =	sadd.s32 s3, s16  }
0x6: {  	_ =	strace $0x80000053;
	s4 =	sadd.s32 $0xC000, s3;
	s3 =	simm.s32 $0x2  }
0x7: {  	[tilespmem:s2], [sflag:$0x2] =	stream.linear.gather [hbm4b:s4+s2], $0x500, $0x38;
	[tilespmem:$0x14800] =	vst v63  }
0x8: {  	_ =	swait.ge [sflag:s3], $0x500  }
0x9: {  	s6 =	simm.s32 $0x80;
	[sflag:s3] =	ssyncset.done $0x0  }
0xa: {  	s7 =	simm.s32 $0x800;
	s5 =	sadd.s32 $0xE000, s16;
	[sflag:s3] =	ssyncadd.s32 $0xFFFFFB00  }
0xb: {  	[tilespmem:s7], [sflag:$0x1] =	stream.indirect.gather [hbm4b:s5+s6], $0x80, s2, s6, $0xb8;
	[tilespmem:$0x14800] =	vst v63  }
0xc: {  	s8 =	simm.s32 $0x4800  }
0xd: {  	[tilespmem:s8], [sflag:$0x1] =	stream.indirect.gather [hbm4b:s5+s6], $0x80, s6, s6, $0xb8;
	[tilespmem:$0x14800] =	vst v63  }
0xe: {  	s9 =	simm.s32 $0x100;
	s10 =	simm.s32 $0x8800  }
0xf: {  	[tilespmem:s10], [sflag:$0x1] =	stream.indirect.gather [hbm4b:s5+s6], $0x80, s9, s6, $0xb8;
	[tilespmem:$0x14800] =	vst v63  }
0x10: {  	s11 =	simm.s32 $0x180;
	s12 =	simm.s32 $0xC800  }
0x11: {  	[tilespmem:s12], [sflag:$0x1] =	stream.indirect.gather [hbm4b:s5+s6], $0x80, s11, s6, $0xb8;
	[tilespmem:$0x14800] =	vst v63  }
0x12: {  	s13 =	simm.s32 $0x200;
	s14 =	simm.s32 $0x10800;
	s15 =	simm.s32 $0x1  }
0x13: {  	[tilespmem:s14], [sflag:$0x1] =	stream.indirect.gather [hbm4b:s5+s6], $0x80, s13, s6, $0xb8;
	[tilespmem:$0x14800] =	vst v63  }
0x14: {  	_ =	swait.ge [sflag:s15], $0x4000  }
0x15: {  	[sflag:s15] =	ssyncset.done $0x0  }
0x16: {  	[sflag:s15] =	ssyncadd.s32 $0xFFFFC000  }
0x17: {  	_ =	swait.ge [sflag:s15], $0x4000  }
0x18: {  	[sflag:s15] =	ssyncset.done $0x0  }
0x19: {  	[sflag:s15] =	ssyncadd.s32 $0xFFFFC000  }
0x1a: {  	_ =	swait.ge [sflag:s15], $0x4000  }
0x1b: {  	[sflag:s15] =	ssyncset.done $0x0  }
0x1c: {  	[sflag:s15] =	ssyncadd.s32 $0xFFFFC000  }
0x1d: {  	_ =	swait.ge [sflag:s15], $0x4000  }
0x1e: {  	[sflag:s15] =	ssyncset.done $0x0  }
0x1f: {  	s17 =	smul.u32 $0x5000, s17;
	[sflag:s15] =	ssyncadd.s32 $0xFFFFC000  }
0x20: {  	_ =	swait.ge [sflag:s15], $0x4000  }
0x21: {  	s23 =	sadd.s32 s17, s16;
	[sflag:s15] =	ssyncset.done $0x0  }
0x22: {  	s16 =	sadd.s32 $0x1F2400, s23;
	[sflag:s15] =	ssyncadd.s32 $0xFFFFC000  }
0x23: {  	[hbm4b:s16+s2] =	stream.linear.scatter [tilespmem:s7], [sflag:$0x2], $0x14000, $0x38;
	[tilespmem:$0x14800] =	vst v63  }
0x24: {  	_ =	swait.ge [sflag:s3], $0x14000  }
0x25: {  	[sflag:s3] =	ssyncset.done $0x0  }
0x26: {  	s17 =	simm.s32 $0x280;
	[sflag:s3] =	ssyncadd.s32 $0xFFFEC000  }
0x27: {  	[tilespmem:s7], [sflag:$0x1] =	stream.indirect.gather [hbm4b:s5+s6], $0x80, s17, s6, $0xb8;
	[tilespmem:$0x14800] =	vst v63  }
0x28: {  	s18 =	simm.s32 $0x300  }
0x29: {  	[tilespmem:s8], [sflag:$0x1] =	stream.indirect.gather [hbm4b:s5+s6], $0x80, s18, s6, $0xb8;
	[tilespmem:$0x14800] =	vst v63  }
0x2a: {  	s19 =	simm.s32 $0x380  }
0x2b: {  	[tilespmem:s10], [sflag:$0x1] =	stream.indirect.gather [hbm4b:s5+s6], $0x80, s19, s6, $0xb8;
	[tilespmem:$0x14800] =	vst v63  }
0x2c: {  	s20 =	simm.s32 $0x400  }
0x2d: {  	[tilespmem:s12], [sflag:$0x1] =	stream.indirect.gather [hbm4b:s5+s6], $0x80, s20, s6, $0xb8;
	[tilespmem:$0x14800] =	vst v63  }
0x2e: {  	s21 =	simm.s32 $0x480  }
0x2f: {  	[tilespmem:s14], [sflag:$0x1] =	stream.indirect.gather [hbm4b:s5+s6], $0x80, s21, s6, $0xb8;
	[tilespmem:$0x14800] =	vst v63  }
0x30: {  	_ =	swait.ge [sflag:s15], $0x4000  }
0x31: {  	[sflag:s15] =	ssyncset.done $0x0  }
0x32: {  	[sflag:s15] =	ssyncadd.s32 $0xFFFFC000  }
0x33: {  	_ =	swait.ge [sflag:s15], $0x4000  }
0x34: {  	[sflag:s15] =	ssyncset.done $0x0  }
0x35: {  	[sflag:s15] =	ssyncadd.s32 $0xFFFFC000  }
0x36: {  	_ =	swait.ge [sflag:s15], $0x4000  }
0x37: {  	[sflag:s15] =	ssyncset.done $0x0  }
0x38: {  	s22 =	ssub.s32 $0x2, s22;
	[sflag:s15] =	ssyncadd.s32 $0xFFFFC000  }
0x39: {  	s24 =	sshrl.u32 s22, $0x1;
	_ =	swait.ge [sflag:s15], $0x4000  }
0x3a: {  	s22 =	ssub.s32 s22, s24;
	[sflag:s15] =	ssyncset.done $0x0  }
0x3b: {  	s24 =	smax.u32 s22, $0x1;
	[sflag:s15] =	ssyncadd.s32 $0xFFFFC000  }
0x3c: {  	p0 =	sne.s32 s24, $0x1;
	_ =	swait.ge [sflag:s15], $0x4000  }
.Ltmp0:
0x3d: {  	[sflag:s15] =	ssyncset.done $0x0;
	(pc) =	sbr.rel @!p0 .LBB2_2-.Ltmp0, $4  }
0x3e: {  	s22 =	sadd.s32 $0x1F4C00, s23;
	[sflag:s15] =	ssyncadd.s32 $0xFFFFC000  }
0x3f: {  	[hbm4b:s22+s2] =	stream.linear.scatter [tilespmem:s7], [sflag:$0x2], $0x14000, $0x38;
	[tilespmem:$0x14800] =	vst v63  }
0x40: {  	_ =	swait.ge [sflag:s3], $0x14000  }
0x41: {  	s23 =	sadd.s32 $0xFFFFFFFF, s24;
	[sflag:s3] =	ssyncset.done $0x0  }
.LBB2_1:
0x42: {  	p0 =	sne.s32 s23, $0x1;
	s23 =	sadd.s32 $0xFFFFFFFF, s23;
	[sflag:s3] =	ssyncadd.s32 $0xFFFEC000  }
0x43: {  	[tilespmem:s2], [sflag:$0x2] =	stream.linear.gather [hbm4b:s4+s2], $0x500, $0x38;
	[tilespmem:$0x14800] =	vst v63  }
0x44: {  	_ =	swait.ge [sflag:s3], $0x500  }
0x45: {  	[sflag:s3] =	ssyncset.done $0x0  }
0x46: {  	[sflag:s3] =	ssyncadd.s32 $0xFFFFFB00  }
0x47: {  	[tilespmem:s7], [sflag:$0x1] =	stream.indirect.gather [hbm4b:s5+s6], $0x80, s2, s6, $0xb8;
	[tilespmem:$0x14800] =	vst v63  }
0x48: {  	_ = 	snop  }
0x49: {  	[tilespmem:s8], [sflag:$0x1] =	stream.indirect.gather [hbm4b:s5+s6], $0x80, s6, s6, $0xb8;
	[tilespmem:$0x14800] =	vst v63  }
0x4a: {  	_ = 	snop  }
0x4b: {  	[tilespmem:s10], [sflag:$0x1] =	stream.indirect.gather [hbm4b:s5+s6], $0x80, s9, s6, $0xb8;
	[tilespmem:$0x14800] =	vst v63  }
0x4c: {  	_ = 	snop  }
0x4d: {  	[tilespmem:s12], [sflag:$0x1] =	stream.indirect.gather [hbm4b:s5+s6], $0x80, s11, s6, $0xb8;
	[tilespmem:$0x14800] =	vst v63  }
0x4e: {  	_ = 	snop  }
0x4f: {  	[tilespmem:s14], [sflag:$0x1] =	stream.indirect.gather [hbm4b:s5+s6], $0x80, s13, s6, $0xb8;
	[tilespmem:$0x14800] =	vst v63  }
0x50: {  	_ =	swait.ge [sflag:s15], $0x4000  }
0x51: {  	[sflag:s15] =	ssyncset.done $0x0  }
0x52: {  	[sflag:s15] =	ssyncadd.s32 $0xFFFFC000  }
0x53: {  	_ =	swait.ge [sflag:s15], $0x4000  }
0x54: {  	[sflag:s15] =	ssyncset.done $0x0  }
0x55: {  	[sflag:s15] =	ssyncadd.s32 $0xFFFFC000  }
0x56: {  	_ =	swait.ge [sflag:s15], $0x4000  }
0x57: {  	[sflag:s15] =	ssyncset.done $0x0  }
0x58: {  	[sflag:s15] =	ssyncadd.s32 $0xFFFFC000  }
0x59: {  	_ =	swait.ge [sflag:s15], $0x4000  }
0x5a: {  	[sflag:s15] =	ssyncset.done $0x0  }
0x5b: {  	[sflag:s15] =	ssyncadd.s32 $0xFFFFC000  }
0x5c: {  	_ =	swait.ge [sflag:s15], $0x4000  }
0x5d: {  	[sflag:s15] =	ssyncset.done $0x0  }
0x5e: {  	[sflag:s15] =	ssyncadd.s32 $0xFFFFC000  }
0x5f: {  	[hbm4b:s16+s2] =	stream.linear.scatter [tilespmem:s7], [sflag:$0x2], $0x14000, $0x38;
	[tilespmem:$0x14800] =	vst v63  }
0x60: {  	_ =	swait.ge [sflag:s3], $0x14000  }
0x61: {  	[sflag:s3] =	ssyncset.done $0x0  }
0x62: {  	[sflag:s3] =	ssyncadd.s32 $0xFFFEC000  }
0x63: {  	[tilespmem:s7], [sflag:$0x1] =	stream.indirect.gather [hbm4b:s5+s6], $0x80, s17, s6, $0xb8;
	[tilespmem:$0x14800] =	vst v63  }
0x64: {  	_ = 	snop  }
0x65: {  	[tilespmem:s8], [sflag:$0x1] =	stream.indirect.gather [hbm4b:s5+s6], $0x80, s18, s6, $0xb8;
	[tilespmem:$0x14800] =	vst v63  }
0x66: {  	_ = 	snop  }
0x67: {  	[tilespmem:s10], [sflag:$0x1] =	stream.indirect.gather [hbm4b:s5+s6], $0x80, s19, s6, $0xb8;
	[tilespmem:$0x14800] =	vst v63  }
0x68: {  	_ = 	snop  }
0x69: {  	[tilespmem:s12], [sflag:$0x1] =	stream.indirect.gather [hbm4b:s5+s6], $0x80, s20, s6, $0xb8;
	[tilespmem:$0x14800] =	vst v63  }
0x6a: {  	_ = 	snop  }
0x6b: {  	[tilespmem:s14], [sflag:$0x1] =	stream.indirect.gather [hbm4b:s5+s6], $0x80, s21, s6, $0xb8;
	[tilespmem:$0x14800] =	vst v63  }
0x6c: {  	_ =	swait.ge [sflag:s15], $0x4000  }
0x6d: {  	[sflag:s15] =	ssyncset.done $0x0  }
0x6e: {  	[sflag:s15] =	ssyncadd.s32 $0xFFFFC000  }
0x6f: {  	_ =	swait.ge [sflag:s15], $0x4000  }
0x70: {  	[sflag:s15] =	ssyncset.done $0x0  }
0x71: {  	[sflag:s15] =	ssyncadd.s32 $0xFFFFC000  }
0x72: {  	_ =	swait.ge [sflag:s15], $0x4000  }
0x73: {  	[sflag:s15] =	ssyncset.done $0x0  }
0x74: {  	[sflag:s15] =	ssyncadd.s32 $0xFFFFC000  }
0x75: {  	_ =	swait.ge [sflag:s15], $0x4000  }
0x76: {  	[sflag:s15] =	ssyncset.done $0x0  }
0x77: {  	[sflag:s15] =	ssyncadd.s32 $0xFFFFC000  }
0x78: {  	_ =	swait.ge [sflag:s15], $0x4000  }
.Ltmp1:
0x79: {  	[sflag:s15] =	ssyncset.done $0x0;
	(pc) =	sbr.rel @p0 .LBB2_1-.Ltmp1, $4  }
0x7a: {  	[sflag:s15] =	ssyncadd.s32 $0xFFFFC000  }
0x7b: {  	[hbm4b:s22+s2] =	stream.linear.scatter [tilespmem:s7], [sflag:$0x2], $0x14000, $0x38;
	[tilespmem:$0x14800] =	vst v63  }
0x7c: {  	_ =	swait.ge [sflag:s3], $0x14000  }
0x7d: {  	[sflag:s3] =	ssyncset.done $0x0  }
.LBB2_2:
0x7e: {  	[sflag:s3] =	ssyncadd.s32 $0xFFFEC000  }
0x7f: {  	_ =	sfence.sel $0x180000  }
0x80: {  	[bflag:$0x0] =	sbarrier.arrive $0xFFFF  }
0x81: {  	p0 =	sne.s32 s0, $0x0;
	_ =	strace $0x90000053  }
0x82: {  	s0 =	sadd.s32 @!p0 $0x100000, s1;
	[bflag:$0x2] =	sbarrier.arrive $0xFFFF  }
0x83: {  	[sflag:s0] =	ssyncadd.tile.s32 @!p0 $0x1;
	_ =	shalt  }
.Lfunc_end2:
_tile_overlayer_lowered:
.L_overlay_start_2:
0x84: {  	(tag) =	ssettag $0x2  }
0x85: {  	s0 =	rddreg [dreg:$0x0];
	s2 =	stileid.u32  }
0x86: {  	s1 =	rddreg [dreg:$0x1];
	p0 =	sne.s32 s2, $0x0  }
0x87: {  	s3 =	rddreg [dreg:$0x2];
	[bflag:$0x3] =	sbarrier.arrive $0xFFFF;
	s2 =	simm.s32 @!p0 $0x1C02  }
0x88: {  	[timem:s3], [sflag:s2] =	dma.local @!p0 [hbm:s0], s1  }
0x89: {  	s0 =	simm.s32 @!p0 $0x2  }
0x8a: {  	_ =	swait.ge @!p0 [sflag:s0], s1  }
0x8b: {  	s1 =	ssub.s32 @!p0 $0x0, s1;
	[sflag:s0] =	ssyncset.done @!p0 $0x0  }
0x8c: {  	[sflag:s0] =	ssyncadd.s32 @!p0 s1  }
0x8d: {  	[bflag:$0x3] =	sbarrier.arrive $0xFFFF  }
0x8e: {  	_ =	shalt  }

</sc_bundles>
